<compile_context>
chip_gen: v7x
topology: tpu7x:2x2x1
jax: 0.10.2.dev20260603
libtpu: 0.0.44.dev20260713+nightly
codegen_flags: <defaults>
</compile_context>

<pallas_src>
import functools

import jax
import jax.numpy as jnp
from jax import lax
from jax.experimental import pallas as pl
from jax.experimental.pallas import tpu as pltpu
from jax.experimental.pallas import tpu_sc as plsc

N_NODES = 10000
N_EDGES = 320000
D = 128
NC, NS = 2, 16
NW = NC * NS
EPW = N_EDGES // NW
CHUNK = 80
NCHUNKS = EPW // CHUNK
NPAD = 10240
ROWS_PER_TILE = NPAD // NS
ZROWS = 128
EPS = 1e-5

_mesh = plsc.VectorSubcoreMesh(
    core_axis_name="c", subcore_axis_name="s", num_cores=NC, num_subcores=NS
)


CROWS = NPAD // D


@functools.partial(
    pl.kernel,
    out_type=(
        jax.ShapeDtypeStruct((NC, NPAD, D), jnp.float32),
        jax.ShapeDtypeStruct((NC, CROWS, D), jnp.float32),
    ),
    mesh=_mesh,
    scratch_types=[
        pltpu.VMEM((CHUNK,), jnp.int32),
        pltpu.VMEM((CHUNK,), jnp.int32),
        pltpu.VMEM((CHUNK,), jnp.int32),
        pltpu.VMEM((CHUNK,), jnp.int32),
        pltpu.VMEM((CHUNK,), jnp.float32),
        pltpu.VMEM((CHUNK, D), jnp.float32),
        pltpu.VMEM((CHUNK, D), jnp.float32),
        pltpu.VMEM((ZROWS, D), jnp.float32),
        pltpu.VMEM_SHARED((D, D), jnp.float32),
        pltpu.VMEM_SHARED((NPAD, D), jnp.float32),
        pltpu.VMEM_SHARED((CROWS, D), jnp.float32),
        pltpu.SemaphoreType.DMA,
        pltpu.SemaphoreType.DMA,
    ],
)
def _sc_aggregate(h_hbm, src_hbm, dst_hbm, e_hbm, outf_hbm, outc_hbm,
                  src_v, dst_v, drow_v, dcol_v, e_v, rows_v, oh_v,
                  zero_v, tab_sh, acc_sh, cnt_sh, sem, sem2):
    cid = lax.axis_index("c")
    sid = lax.axis_index("s")
    wid = sid * NC + cid

    zero16 = jnp.zeros((16,), jnp.float32)
    lanes = lax.iota(jnp.int32, 16)

    @pl.loop(0, ZROWS)
    def _zinit(r):
        for j in range(D // 16):
            zero_v[r, pl.ds(16 * j, 16)] = zero16

    @pl.loop(0, D)
    def _tinit(r):
        rv = jnp.full((16,), r)
        for j in range(D // 16):
            oh_v[0, pl.ds(16 * j, 16)] = jnp.where(
                lanes + (16 * j) == rv, jnp.float32(1.0), jnp.float32(0.0)
            )
        @pl.when(sid == 0)
        def _():
            pltpu.sync_copy(oh_v.at[pl.ds(0, 1)], tab_sh.at[pl.ds(r, 1)])

    for i in range(ROWS_PER_TILE // ZROWS):
        pltpu.sync_copy(
            zero_v, acc_sh.at[pl.ds(sid * ROWS_PER_TILE + i * ZROWS, ZROWS)]
        )

    @pl.when(sid == 0)
    def _():
        pltpu.sync_copy(zero_v.at[pl.ds(0, CROWS)], cnt_sh)

    plsc.subcore_barrier()

    ebase = wid * EPW

    @pl.loop(0, NCHUNKS)
    def _chunk(c):
        base = pl.multiple_of(ebase + c * CHUNK, 8)
        pltpu.sync_copy(src_hbm.at[pl.ds(base, CHUNK)], src_v)
        pltpu.sync_copy(dst_hbm.at[pl.ds(base, CHUNK)], dst_v)
        pltpu.sync_copy(e_hbm.at[pl.ds(base, CHUNK)], e_v)
        pltpu.async_copy(h_hbm.at[src_v], rows_v, sem).wait()

        @pl.loop(0, CHUNK // 16)
        def _grp(g):
            evec = e_v[pl.ds(g * 16, 16)]
            dvec = dst_v[pl.ds(g * 16, 16)]
            drow_v[pl.ds(g * 16, 16)] = lax.shift_right_logical(dvec, 7)
            dcol_v[pl.ds(g * 16, 16)] = lax.bitwise_and(dvec, 127)
            kbase = g * 16
            for l in range(16):
                ev = jnp.full((16,), evec[l])
                for j in range(D // 16):
                    rows_v[kbase + l, pl.ds(16 * j, 16)] = (
                        rows_v[kbase + l, pl.ds(16 * j, 16)] * ev
                    )

        pltpu.async_copy(tab_sh.at[dcol_v], oh_v, sem2).wait()
        pltpu.sync_copy(rows_v, acc_sh.at[dst_v], add=True)
        pltpu.sync_copy(oh_v, cnt_sh.at[drow_v], add=True)

    plsc.subcore_barrier()

    pltpu.sync_copy(
        acc_sh.at[pl.ds(sid * ROWS_PER_TILE, ROWS_PER_TILE)],
        outf_hbm.at[cid, pl.ds(sid * ROWS_PER_TILE, ROWS_PER_TILE)],
    )

    @pl.when(sid == 0)
    def _():
        pltpu.sync_copy(cnt_sh, outc_hbm.at[cid])


_TCROWS = 1000
_TCGRID = N_NODES // _TCROWS


def _mlp_body(acc_ref, cnt_ref, w1_ref, b1_ref, w2_ref, b2_ref,
              agg_ref, x_ref, stats_ref):
    i = pl.program_id(0)
    summ = acc_ref[0] + acc_ref[1]
    cnt = cnt_ref[...]
    agg = summ / jnp.maximum(cnt, 1.0)
    x = jnp.dot(agg, w1_ref[...], preferred_element_type=jnp.float32,
                precision=lax.Precision.HIGHEST) + b1_ref[...]
    x = jnp.maximum(x, 0.0)
    x = jnp.dot(x, w2_ref[...], preferred_element_type=jnp.float32,
                precision=lax.Precision.HIGHEST) + b2_ref[...]
    x = jnp.maximum(x, 0.0)
    agg_ref[...] = agg
    x_ref[...] = x

    @pl.when(i == 0)
    def _():
        stats_ref[...] = jnp.zeros_like(stats_ref)

    stats_ref[0:1, :] += jnp.sum(x, axis=0, keepdims=True)
    stats_ref[1:2, :] += jnp.sum(x * x, axis=0, keepdims=True)


def _bn_body(x_ref, agg_ref, stats_ref, gamma_ref, beta_ref, out_ref):
    mu = stats_ref[0:1, :] / N_NODES
    var = stats_ref[1:2, :] / N_NODES - mu * mu
    inv = lax.rsqrt(var + EPS)
    out_ref[...] = ((x_ref[...] - mu) * inv * gamma_ref[...]
                    + beta_ref[...] + agg_ref[...])


def kernel(h, edge_index, e, W1, b1, W2, b2, gamma, beta):
    src = edge_index[0]
    dst = edge_index[1]
    ew = e[:, 0]

    acc, acc_cnt = _sc_aggregate(h, src, dst, ew)
    cnt = (acc_cnt[0] + acc_cnt[1]).reshape(NPAD, 1)

    w1t = W1.T
    w2t = W2.T
    b1r = b1.reshape(1, D)
    b2r = b2.reshape(1, D)
    gr = gamma.reshape(1, D)
    br = beta.reshape(1, D)

    agg, x, stats = pl.pallas_call(
        _mlp_body,
        grid=(_TCGRID,),
        in_specs=[
            pl.BlockSpec((NC, _TCROWS, D), lambda i: (0, i, 0)),
            pl.BlockSpec((_TCROWS, 1), lambda i: (i, 0)),
            pl.BlockSpec((D, D), lambda i: (0, 0)),
            pl.BlockSpec((1, D), lambda i: (0, 0)),
            pl.BlockSpec((D, D), lambda i: (0, 0)),
            pl.BlockSpec((1, D), lambda i: (0, 0)),
        ],
        out_specs=[
            pl.BlockSpec((_TCROWS, D), lambda i: (i, 0)),
            pl.BlockSpec((_TCROWS, D), lambda i: (i, 0)),
            pl.BlockSpec((2, D), lambda i: (0, 0)),
        ],
        out_shape=[
            jax.ShapeDtypeStruct((N_NODES, D), jnp.float32),
            jax.ShapeDtypeStruct((N_NODES, D), jnp.float32),
            jax.ShapeDtypeStruct((2, D), jnp.float32),
        ],
    )(acc, cnt, w1t, b1r, w2t, b2r)

    out = pl.pallas_call(
        _bn_body,
        grid=(_TCGRID,),
        in_specs=[
            pl.BlockSpec((_TCROWS, D), lambda i: (i, 0)),
            pl.BlockSpec((_TCROWS, D), lambda i: (i, 0)),
            pl.BlockSpec((2, D), lambda i: (0, 0)),
            pl.BlockSpec((1, D), lambda i: (0, 0)),
            pl.BlockSpec((1, D), lambda i: (0, 0)),
        ],
        out_specs=pl.BlockSpec((_TCROWS, D), lambda i: (i, 0)),
        out_shape=jax.ShapeDtypeStruct((N_NODES, D), jnp.float32),
    )(x, agg, stats, gr, br)

    return out

# --- scband reference (transcript-rebuilt; emitter-appended) ---
"""Pipeline reference for scband-gnnlayer-58042188038247 (READ-ONLY COPY).

The authoritative reference and input builder live on the scoring server;
editing this copy changes nothing except your own understanding.
"""

import jax, jax.numpy as jnp
import numpy as np

N = 10000
E = 320000
D_IN = 128
D_OUT = 128
EPS = 1e-5

def setup_inputs(seed: int = 0) -> dict:
    key = jax.random.key(seed)
    k1, k2, k3, k4, k5, k6, k7, k8, k9 = jax.random.split(key, 9)
    h = jax.random.normal(k1, (N, D_IN), dtype=jnp.float32)
    edge_index = jax.random.randint(k2, (2, E), 0, N, dtype=jnp.int32)
    e = jax.random.uniform(k3, (E, 1), dtype=jnp.float32)
    lim1 = 1.0 / np.sqrt(D_IN)
    W1 = jax.random.uniform(k4, (D_OUT, D_IN), dtype=jnp.float32, minval=-lim1, maxval=lim1)
    b1 = jax.random.uniform(k5, (D_OUT,), dtype=jnp.float32, minval=-lim1, maxval=lim1)
    lim2 = 1.0 / np.sqrt(D_OUT)
    W2 = jax.random.uniform(k6, (D_OUT, D_OUT), dtype=jnp.float32, minval=-lim2, maxval=lim2)
    b2 = jax.random.uniform(k7, (D_OUT,), dtype=jnp.float32, minval=-lim2, maxval=lim2)
    gamma = jnp.ones((D_OUT,), dtype=jnp.float32)
    beta = jnp.zeros((D_OUT,), dtype=jnp.float32)
    return {"h": h, "edge_index": edge_index, "e": e, "W1": W1, "b1": b1, "W2": W2, "b2": b2, "gamma": gamma, "beta": beta}

def reference(h, edge_index, e, W1, b1, W2, b2, gamma, beta):
    src = edge_index[0]
    dst = edge_index[1]
    # u_mul_e: message = h[src] * e  (edge weight broadcast over feature dim)
    m = jnp.take(h, src, axis=0) * e
    # mean aggregation over incoming edges per dst node
    summ = jax.ops.segment_sum(m, dst, num_segments=N)
    cnt = jax.ops.segment_sum(jnp.ones((E,), dtype=h.dtype), dst, num_segments=N)
    agg = summ / jnp.maximum(cnt, 1.0)[:, None]
    # note: g.ndata['h'] is overwritten by update_all, so both the MLP input
    # and the residual use the aggregated features.
    x = jax.nn.relu(agg @ W1.T + b1)
    x = jax.nn.relu(x @ W2.T + b2)
    # BatchNorm1d in training mode: batch statistics, biased variance
    mu = jnp.mean(x, axis=0)
    var = jnp.var(x, axis=0)
    x = (x - mu) / jnp.sqrt(var + EPS) * gamma + beta
    # residual (in_feats == out_feats)
    x = x + agg
    return x

if __name__ == "__main__":
    import jax
    _d = setup_inputs()
    print(jax.jit(kernel)(*tuple(_d.values())))

</pallas_src>

<mosaic_0001>
#map = affine_map<(d0, d1) -> (0, 0)>
#map1 = affine_map<(d0, d1) -> (0)>
#map2 = affine_map<(d0, d1) -> (0, 0, 0)>
module attributes {stable_mosaic.version = 14 : i64} {
  func.func @_sc_aggregate(%arg0: i32, %arg1: i32, %arg2: memref<10000x128xf32, #tpu.memory_space<hbm>>, %arg3: memref<320000xi32, #tpu.memory_space<hbm>>, %arg4: memref<320000xi32, #tpu.memory_space<hbm>>, %arg5: memref<320000xf32, #tpu.memory_space<hbm>>, %arg6: memref<2x10240x128xf32, #tpu.memory_space<hbm>>, %arg7: memref<2x80x128xf32, #tpu.memory_space<hbm>>, %arg8: memref<80xi32, #tpu.memory_space<vmem>>, %arg9: memref<80xi32, #tpu.memory_space<vmem>>, %arg10: memref<80xi32, #tpu.memory_space<vmem>>, %arg11: memref<80xi32, #tpu.memory_space<vmem>>, %arg12: memref<80xf32, #tpu.memory_space<vmem>>, %arg13: memref<80x128xf32, #tpu.memory_space<vmem>>, %arg14: memref<80x128xf32, #tpu.memory_space<vmem>>, %arg15: memref<128x128xf32, #tpu.memory_space<vmem>>, %arg16: memref<128x128xf32, #tpu.memory_space<vmem_shared>>, %arg17: memref<10240x128xf32, #tpu.memory_space<vmem_shared>>, %arg18: memref<80x128xf32, #tpu.memory_space<vmem_shared>>, %arg19: memref<!tpu.dma_semaphore, #tpu.memory_space<semaphore_mem>>, %arg20: memref<!tpu.dma_semaphore, #tpu.memory_space<semaphore_mem>>) attributes {dimension_semantics = [#tpu.dimension_semantics<core_parallel>, #tpu.dimension_semantics<subcore_parallel>], iteration_bounds = array<i64: 2, 16>, scalar_prefetch = 0 : i64, scratch_operands = 13 : i64, tpu.core_type = #tpu.core_type<sc_vector_subcore>, window_params = [{transform_indices = #map}, {transform_indices = #map1}, {transform_indices = #map1}, {transform_indices = #map1}, {transform_indices = #map2}, {transform_indices = #map2}]} {
    %mul3A = arith.constant 2 : i32
    %mul3A_0 = arith.muli %arg1, %mul3A : i32
    %add3A = arith.addi %mul3A_0, %arg0 : i32
    %broadcast_in_dim3A = arith.constant 0.000000e+00 : f32
    %broadcast_in_dim3A_1 = vector.broadcast %broadcast_in_dim3A : f32 to vector<16xf32>
    %iota3A = tpu.iota {dimensions = array<i32: 0>} : vector<16xi32>
    %scan3A = arith.constant 0 : i32
    %scan3A_2 = arith.constant 128 : i32
    %scan3A_3 = arith.addi %scan3A, %scan3A_2 : i32
    %scan3A_4 = arith.constant 1 : i32
    scf.for %scan3A_50 = %scan3A to %scan3A_3 step %scan3A_4  : i32 {
      %mul3A_51 = arith.constant 1 : i32
      %mul3A_52 = arith.muli %scan3A_50, %mul3A_51 : i32
      %add3A_53 = arith.constant 0 : i32
      %add3A_54 = arith.addi %add3A_53, %mul3A_52 : i32
      %swap3A = arith.index_cast %add3A_54 : i32 to index
      %swap3A_55 = arith.constant 0 : index
      %swap3A_56 = tpu.vector_load %arg15[%swap3A, %swap3A_55] {strides = array<i32>} : memref<128x128xf32, #tpu.memory_space<vmem>>, vector<1x16xf32>,
      %swap3A_57 = vector.shape_cast %swap3A_56 : vector<1x16xf32> to vector<16xf32>
      %swap3A_58 = vector.shape_cast %broadcast_in_dim3A_1 : vector<16xf32> to vector<1x16xf32>
      tpu.vector_store %arg15[%swap3A, %swap3A_55], %swap3A_58 {strides = array<i32>} : memref<128x128xf32, #tpu.memory_space<vmem>>, vector<1x16xf32>,
      %swap3A_59 = arith.index_cast %add3A_54 : i32 to index
      %swap3A_60 = arith.constant 16 : index
      %swap3A_61 = tpu.vector_load %arg15[%swap3A_59, %swap3A_60] {strides = array<i32>} : memref<128x128xf32, #tpu.memory_space<vmem>>, vector<1x16xf32>,
      %swap3A_62 = vector.shape_cast %swap3A_61 : vector<1x16xf32> to vector<16xf32>
      %swap3A_63 = vector.shape_cast %broadcast_in_dim3A_1 : vector<16xf32> to vector<1x16xf32>
      tpu.vector_store %arg15[%swap3A_59, %swap3A_60], %swap3A_63 {strides = array<i32>} : memref<128x128xf32, #tpu.memory_space<vmem>>, vector<1x16xf32>,
      %swap3A_64 = arith.index_cast %add3A_54 : i32 to index
      %swap3A_65 = arith.constant 32 : index
      %swap3A_66 = tpu.vector_load %arg15[%swap3A_64, %swap3A_65] {strides = array<i32>} : memref<128x128xf32, #tpu.memory_space<vmem>>, vector<1x16xf32>,
      %swap3A_67 = vector.shape_cast %swap3A_66 : vector<1x16xf32> to vector<16xf32>
      %swap3A_68 = vector.shape_cast %broadcast_in_dim3A_1 : vector<16xf32> to vector<1x16xf32>
      tpu.vector_store %arg15[%swap3A_64, %swap3A_65], %swap3A_68 {strides = array<i32>} : memref<128x128xf32, #tpu.memory_space<vmem>>, vector<1x16xf32>,
      %swap3A_69 = arith.index_cast %add3A_54 : i32 to index
      %swap3A_70 = arith.constant 48 : index
      %swap3A_71 = tpu.vector_load %arg15[%swap3A_69, %swap3A_70] {strides = array<i32>} : memref<128x128xf32, #tpu.memory_space<vmem>>, vector<1x16xf32>,
      %swap3A_72 = vector.shape_cast %swap3A_71 : vector<1x16xf32> to vector<16xf32>
      %swap3A_73 = vector.shape_cast %broadcast_in_dim3A_1 : vector<16xf32> to vector<1x16xf32>
      tpu.vector_store %arg15[%swap3A_69, %swap3A_70], %swap3A_73 {strides = array<i32>} : memref<128x128xf32, #tpu.memory_space<vmem>>, vector<1x16xf32>,
      %swap3A_74 = arith.index_cast %add3A_54 : i32 to index
      %swap3A_75 = arith.constant 64 : index
      %swap3A_76 = tpu.vector_load %arg15[%swap3A_74, %swap3A_75] {strides = array<i32>} : memref<128x128xf32, #tpu.memory_space<vmem>>, vector<1x16xf32>,
      %swap3A_77 = vector.shape_cast %swap3A_76 : vector<1x16xf32> to vector<16xf32>
      %swap3A_78 = vector.shape_cast %broadcast_in_dim3A_1 : vector<16xf32> to vector<1x16xf32>
      tpu.vector_store %arg15[%swap3A_74, %swap3A_75], %swap3A_78 {strides = array<i32>} : memref<128x128xf32, #tpu.memory_space<vmem>>, vector<1x16xf32>,
      %swap3A_79 = arith.index_cast %add3A_54 : i32 to index
      %swap3A_80 = arith.constant 80 : index
      %swap3A_81 = tpu.vector_load %arg15[%swap3A_79, %swap3A_80] {strides = array<i32>} : memref<128x128xf32, #tpu.memory_space<vmem>>, vector<1x16xf32>,
      %swap3A_82 = vector.shape_cast %swap3A_81 : vector<1x16xf32> to vector<16xf32>
      %swap3A_83 = vector.shape_cast %broadcast_in_dim3A_1 : vector<16xf32> to vector<1x16xf32>
      tpu.vector_store %arg15[%swap3A_79, %swap3A_80], %swap3A_83 {strides = array<i32>} : memref<128x128xf32, #tpu.memory_space<vmem>>, vector<1x16xf32>,
      %swap3A_84 = arith.index_cast %add3A_54 : i32 to index
      %swap3A_85 = arith.constant 96 : index
      %swap3A_86 = tpu.vector_load %arg15[%swap3A_84, %swap3A_85] {strides = array<i32>} : memref<128x128xf32, #tpu.memory_space<vmem>>, vector<1x16xf32>,
      %swap3A_87 = vector.shape_cast %swap3A_86 : vector<1x16xf32> to vector<16xf32>
      %swap3A_88 = vector.shape_cast %broadcast_in_dim3A_1 : vector<16xf32> to vector<1x16xf32>
      tpu.vector_store %arg15[%swap3A_84, %swap3A_85], %swap3A_88 {strides = array<i32>} : memref<128x128xf32, #tpu.memory_space<vmem>>, vector<1x16xf32>,
      %swap3A_89 = arith.index_cast %add3A_54 : i32 to index
      %swap3A_90 = arith.constant 112 : index
      %swap3A_91 = tpu.vector_load %arg15[%swap3A_89, %swap3A_90] {strides = array<i32>} : memref<128x128xf32, #tpu.memory_space<vmem>>, vector<1x16xf32>,
      %swap3A_92 = vector.shape_cast %swap3A_91 : vector<1x16xf32> to vector<16xf32>
      %swap3A_93 = vector.shape_cast %broadcast_in_dim3A_1 : vector<16xf32> to vector<1x16xf32>
      tpu.vector_store %arg15[%swap3A_89, %swap3A_90], %swap3A_93 {strides = array<i32>} : memref<128x128xf32, #tpu.memory_space<vmem>>, vector<1x16xf32>,
    }
    %scan3A_5 = arith.constant 128 : i32
    %scan3A_6 = arith.constant 0 : i32
    %scan3A_7 = arith.constant 128 : i32
    %scan3A_8 = arith.addi %scan3A_6, %scan3A_7 : i32
    %scan3A_9 = arith.constant 1 : i32
    scf.for %scan3A_50 = %scan3A_6 to %scan3A_8 step %scan3A_9  : i32 {
      %mul3A_51 = arith.constant 1 : i32
      %mul3A_52 = arith.muli %scan3A_50, %mul3A_51 : i32
      %add3A_53 = arith.constant 0 : i32
      %add3A_54 = arith.addi %add3A_53, %mul3A_52 : i32
      %broadcast_in_dim3A_55 = vector.broadcast %add3A_54 : i32 to vector<16xi32>
      %add3A_56 = arith.constant 0 : i32
      %add3A_57 = vector.broadcast %add3A_56 : i32 to vector<16xi32>
      %add3A_58 = arith.addi %iota3A, %add3A_57 : vector<16xi32>
      %eq3A_59 = arith.cmpi eq, %add3A_58, %broadcast_in_dim3A_55 : vector<16xi32>
      %jit3A = arith.constant 1.000000e+00 : f32
      %jit3A_60 = arith.constant 0.000000e+00 : f32
      %broadcast_in_dim3A_61 = vector.broadcast %jit3A : f32 to vector<16xf32>
      %broadcast_in_dim3A_62 = vector.broadcast %jit3A_60 : f32 to vector<16xf32>
      %select_n3A = arith.select %eq3A_59, %broadcast_in_dim3A_61, %broadcast_in_dim3A_62 : vector<16xi1>, vector<16xf32>
      %swap3A = arith.constant 0 : i32
      %swap3A_63 = arith.index_cast %swap3A : i32 to index
      %swap3A_64 = arith.constant 0 : index
      %swap3A_65 = tpu.vector_load %arg14[%swap3A_63, %swap3A_64] {strides = array<i32>} : memref<80x128xf32, #tpu.memory_space<vmem>>, vector<1x16xf32>,
      %swap3A_66 = vector.shape_cast %swap3A_65 : vector<1x16xf32> to vector<16xf32>
      %swap3A_67 = vector.shape_cast %select_n3A : vector<16xf32> to vector<1x16xf32>
      tpu.vector_store %arg14[%swap3A_63, %swap3A_64], %swap3A_67 {strides = array<i32>} : memref<80x128xf32, #tpu.memory_space<vmem>>, vector<1x16xf32>,
      %add3A_68 = arith.constant 16 : i32
      %add3A_69 = vector.broadcast %add3A_68 : i32 to vector<16xi32>
      %add3A_70 = arith.addi %iota3A, %add3A_69 : vector<16xi32>
      %eq3A_71 = arith.cmpi eq, %add3A_70, %broadcast_in_dim3A_55 : vector<16xi32>
      %jit3A_72 = arith.constant 1.000000e+00 : f32
      %jit3A_73 = arith.constant 0.000000e+00 : f32
      %broadcast_in_dim3A_74 = vector.broadcast %jit3A_72 : f32 to vector<16xf32>
      %broadcast_in_dim3A_75 = vector.broadcast %jit3A_73 : f32 to vector<16xf32>
      %select_n3A_76 = arith.select %eq3A_71, %broadcast_in_dim3A_74, %broadcast_in_dim3A_75 : vector<16xi1>, vector<16xf32>
      %swap3A_77 = arith.constant 0 : i32
      %swap3A_78 = arith.index_cast %swap3A_77 : i32 to index
      %swap3A_79 = arith.constant 16 : index
      %swap3A_80 = tpu.vector_load %arg14[%swap3A_78, %swap3A_79] {strides = array<i32>} : memref<80x128xf32, #tpu.memory_space<vmem>>, vector<1x16xf32>,
      %swap3A_81 = vector.shape_cast %swap3A_80 : vector<1x16xf32> to vector<16xf32>
      %swap3A_82 = vector.shape_cast %select_n3A_76 : vector<16xf32> to vector<1x16xf32>
      tpu.vector_store %arg14[%swap3A_78, %swap3A_79], %swap3A_82 {strides = array<i32>} : memref<80x128xf32, #tpu.memory_space<vmem>>, vector<1x16xf32>,
      %add3A_83 = arith.constant 32 : i32
      %add3A_84 = vector.broadcast %add3A_83 : i32 to vector<16xi32>
      %add3A_85 = arith.addi %iota3A, %add3A_84 : vector<16xi32>
      %eq3A_86 = arith.cmpi eq, %add3A_85, %broadcast_in_dim3A_55 : vector<16xi32>
      %jit3A_87 = arith.constant 1.000000e+00 : f32
      %jit3A_88 = arith.constant 0.000000e+00 : f32
      %broadcast_in_dim3A_89 = vector.broadcast %jit3A_87 : f32 to vector<16xf32>
      %broadcast_in_dim3A_90 = vector.broadcast %jit3A_88 : f32 to vector<16xf32>
      %select_n3A_91 = arith.select %eq3A_86, %broadcast_in_dim3A_89, %broadcast_in_dim3A_90 : vector<16xi1>, vector<16xf32>
      %swap3A_92 = arith.constant 0 : i32
      %swap3A_93 = arith.index_cast %swap3A_92 : i32 to index
      %swap3A_94 = arith.constant 32 : index
      %swap3A_95 = tpu.vector_load %arg14[%swap3A_93, %swap3A_94] {strides = array<i32>} : memref<80x128xf32, #tpu.memory_space<vmem>>, vector<1x16xf32>,
      %swap3A_96 = vector.shape_cast %swap3A_95 : vector<1x16xf32> to vector<16xf32>
      %swap3A_97 = vector.shape_cast %select_n3A_91 : vector<16xf32> to vector<1x16xf32>
      tpu.vector_store %arg14[%swap3A_93, %swap3A_94], %swap3A_97 {strides = array<i32>} : memref<80x128xf32, #tpu.memory_space<vmem>>, vector<1x16xf32>,
      %add3A_98 = arith.constant 48 : i32
      %add3A_99 = vector.broadcast %add3A_98 : i32 to vector<16xi32>
      %add3A_100 = arith.addi %iota3A, %add3A_99 : vector<16xi32>
      %eq3A_101 = arith.cmpi eq, %add3A_100, %broadcast_in_dim3A_55 : vector<16xi32>
      %jit3A_102 = arith.constant 1.000000e+00 : f32
      %jit3A_103 = arith.constant 0.000000e+00 : f32
      %broadcast_in_dim3A_104 = vector.broadcast %jit3A_102 : f32 to vector<16xf32>
      %broadcast_in_dim3A_105 = vector.broadcast %jit3A_103 : f32 to vector<16xf32>
      %select_n3A_106 = arith.select %eq3A_101, %broadcast_in_dim3A_104, %broadcast_in_dim3A_105 : vector<16xi1>, vector<16xf32>
      %swap3A_107 = arith.constant 0 : i32
      %swap3A_108 = arith.index_cast %swap3A_107 : i32 to index
      %swap3A_109 = arith.constant 48 : index
      %swap3A_110 = tpu.vector_load %arg14[%swap3A_108, %swap3A_109] {strides = array<i32>} : memref<80x128xf32, #tpu.memory_space<vmem>>, vector<1x16xf32>,
      %swap3A_111 = vector.shape_cast %swap3A_110 : vector<1x16xf32> to vector<16xf32>
      %swap3A_112 = vector.shape_cast %select_n3A_106 : vector<16xf32> to vector<1x16xf32>
      tpu.vector_store %arg14[%swap3A_108, %swap3A_109], %swap3A_112 {strides = array<i32>} : memref<80x128xf32, #tpu.memory_space<vmem>>, vector<1x16xf32>,
      %add3A_113 = arith.constant 64 : i32
      %add3A_114 = vector.broadcast %add3A_113 : i32 to vector<16xi32>
      %add3A_115 = arith.addi %iota3A, %add3A_114 : vector<16xi32>
      %eq3A_116 = arith.cmpi eq, %add3A_115, %broadcast_in_dim3A_55 : vector<16xi32>
      %jit3A_117 = arith.constant 1.000000e+00 : f32
      %jit3A_118 = arith.constant 0.000000e+00 : f32
      %broadcast_in_dim3A_119 = vector.broadcast %jit3A_117 : f32 to vector<16xf32>
      %broadcast_in_dim3A_120 = vector.broadcast %jit3A_118 : f32 to vector<16xf32>
      %select_n3A_121 = arith.select %eq3A_116, %broadcast_in_dim3A_119, %broadcast_in_dim3A_120 : vector<16xi1>, vector<16xf32>
      %swap3A_122 = arith.constant 0 : i32
      %swap3A_123 = arith.index_cast %swap3A_122 : i32 to index
      %swap3A_124 = arith.constant 64 : index
      %swap3A_125 = tpu.vector_load %arg14[%swap3A_123, %swap3A_124] {strides = array<i32>} : memref<80x128xf32, #tpu.memory_space<vmem>>, vector<1x16xf32>,
      %swap3A_126 = vector.shape_cast %swap3A_125 : vector<1x16xf32> to vector<16xf32>
      %swap3A_127 = vector.shape_cast %select_n3A_121 : vector<16xf32> to vector<1x16xf32>
      tpu.vector_store %arg14[%swap3A_123, %swap3A_124], %swap3A_127 {strides = array<i32>} : memref<80x128xf32, #tpu.memory_space<vmem>>, vector<1x16xf32>,
      %add3A_128 = arith.constant 80 : i32
      %add3A_129 = vector.broadcast %add3A_128 : i32 to vector<16xi32>
      %add3A_130 = arith.addi %iota3A, %add3A_129 : vector<16xi32>
      %eq3A_131 = arith.cmpi eq, %add3A_130, %broadcast_in_dim3A_55 : vector<16xi32>
      %jit3A_132 = arith.constant 1.000000e+00 : f32
      %jit3A_133 = arith.constant 0.000000e+00 : f32
      %broadcast_in_dim3A_134 = vector.broadcast %jit3A_132 : f32 to vector<16xf32>
      %broadcast_in_dim3A_135 = vector.broadcast %jit3A_133 : f32 to vector<16xf32>
      %select_n3A_136 = arith.select %eq3A_131, %broadcast_in_dim3A_134, %broadcast_in_dim3A_135 : vector<16xi1>, vector<16xf32>
      %swap3A_137 = arith.constant 0 : i32
      %swap3A_138 = arith.index_cast %swap3A_137 : i32 to index
      %swap3A_139 = arith.constant 80 : index
      %swap3A_140 = tpu.vector_load %arg14[%swap3A_138, %swap3A_139] {strides = array<i32>} : memref<80x128xf32, #tpu.memory_space<vmem>>, vector<1x16xf32>,
      %swap3A_141 = vector.shape_cast %swap3A_140 : vector<1x16xf32> to vector<16xf32>
      %swap3A_142 = vector.shape_cast %select_n3A_136 : vector<16xf32> to vector<1x16xf32>
      tpu.vector_store %arg14[%swap3A_138, %swap3A_139], %swap3A_142 {strides = array<i32>} : memref<80x128xf32, #tpu.memory_space<vmem>>, vector<1x16xf32>,
      %add3A_143 = arith.constant 96 : i32
      %add3A_144 = vector.broadcast %add3A_143 : i32 to vector<16xi32>
      %add3A_145 = arith.addi %iota3A, %add3A_144 : vector<16xi32>
      %eq3A_146 = arith.cmpi eq, %add3A_145, %broadcast_in_dim3A_55 : vector<16xi32>
      %jit3A_147 = arith.constant 1.000000e+00 : f32
      %jit3A_148 = arith.constant 0.000000e+00 : f32
      %broadcast_in_dim3A_149 = vector.broadcast %jit3A_147 : f32 to vector<16xf32>
      %broadcast_in_dim3A_150 = vector.broadcast %jit3A_148 : f32 to vector<16xf32>
      %select_n3A_151 = arith.select %eq3A_146, %broadcast_in_dim3A_149, %broadcast_in_dim3A_150 : vector<16xi1>, vector<16xf32>
      %swap3A_152 = arith.constant 0 : i32
      %swap3A_153 = arith.index_cast %swap3A_152 : i32 to index
      %swap3A_154 = arith.constant 96 : index
      %swap3A_155 = tpu.vector_load %arg14[%swap3A_153, %swap3A_154] {strides = array<i32>} : memref<80x128xf32, #tpu.memory_space<vmem>>, vector<1x16xf32>,
      %swap3A_156 = vector.shape_cast %swap3A_155 : vector<1x16xf32> to vector<16xf32>
      %swap3A_157 = vector.shape_cast %select_n3A_151 : vector<16xf32> to vector<1x16xf32>
      tpu.vector_store %arg14[%swap3A_153, %swap3A_154], %swap3A_157 {strides = array<i32>} : memref<80x128xf32, #tpu.memory_space<vmem>>, vector<1x16xf32>,
      %add3A_158 = arith.constant 112 : i32
      %add3A_159 = vector.broadcast %add3A_158 : i32 to vector<16xi32>
      %add3A_160 = arith.addi %iota3A, %add3A_159 : vector<16xi32>
      %eq3A_161 = arith.cmpi eq, %add3A_160, %broadcast_in_dim3A_55 : vector<16xi32>
      %jit3A_162 = arith.constant 1.000000e+00 : f32
      %jit3A_163 = arith.constant 0.000000e+00 : f32
      %broadcast_in_dim3A_164 = vector.broadcast %jit3A_162 : f32 to vector<16xf32>
      %broadcast_in_dim3A_165 = vector.broadcast %jit3A_163 : f32 to vector<16xf32>
      %select_n3A_166 = arith.select %eq3A_161, %broadcast_in_dim3A_164, %broadcast_in_dim3A_165 : vector<16xi1>, vector<16xf32>
      %swap3A_167 = arith.constant 0 : i32
      %swap3A_168 = arith.index_cast %swap3A_167 : i32 to index
      %swap3A_169 = arith.constant 112 : index
      %swap3A_170 = tpu.vector_load %arg14[%swap3A_168, %swap3A_169] {strides = array<i32>} : memref<80x128xf32, #tpu.memory_space<vmem>>, vector<1x16xf32>,
      %swap3A_171 = vector.shape_cast %swap3A_170 : vector<1x16xf32> to vector<16xf32>
      %swap3A_172 = vector.shape_cast %select_n3A_166 : vector<16xf32> to vector<1x16xf32>
      tpu.vector_store %arg14[%swap3A_168, %swap3A_169], %swap3A_172 {strides = array<i32>} : memref<80x128xf32, #tpu.memory_space<vmem>>, vector<1x16xf32>,
      %eq3A_173 = arith.constant 0 : i32
      %eq3A_174 = arith.cmpi eq, %arg1, %eq3A_173 : i32
      %convert_element_type3A_175 = arith.extui %eq3A_174 : i1 to i32
      %cond3A_176 = arith.constant 0 : i32
      %cond3A_177 = arith.cmpi ne, %convert_element_type3A_175, %cond3A_176 : i32
      scf.if %cond3A_177 {
        "tpu.region"() ({
          %run_scoped3A = tpu.sem_alloc : memref<!tpu.dma_semaphore, #tpu.memory_space<semaphore_mem>>
          %dma_start3A = arith.constant 0 : i32
          %dma_start3A_178 = arith.constant 0 : i32
          %dma_start3A_179 = tpu.memref_slice %arg14[%dma_start3A, %dma_start3A_178] : memref<80x128xf32, #tpu.memory_space<vmem>> -> memref<1x128xf32, #tpu.memory_space<vmem>>
          %dma_start3A_180 = arith.constant 0 : i32
          %dma_start3A_181 = tpu.memref_slice %arg16[%add3A_54, %dma_start3A_180] : memref<128x128xf32, #tpu.memory_space<vmem_shared>> -> memref<1x128xf32, #tpu.memory_space<vmem_shared>>
          %dma_start3A_182 = arith.constant 0 : i32
          %dma_start3A_183 = tpu.memref_slice %arg16[%add3A_54, %dma_start3A_182] : memref<128x128xf32, #tpu.memory_space<vmem_shared>> -> memref<1x128xf32, #tpu.memory_space<vmem_shared>>
          %dma_start3A_184 = arith.constant 0 : i32
          %dma_start3A_185 = arith.constant 0 : i32
          %dma_start3A_186 = tpu.memref_slice %arg14[%dma_start3A_184, %dma_start3A_185] : memref<80x128xf32, #tpu.memory_space<vmem>> -> memref<1x128xf32, #tpu.memory_space<vmem>>
          tpu.enqueue_dma source(%dma_start3A_186 : memref<1x128xf32, #tpu.memory_space<vmem>>) target(%dma_start3A_183 : memref<1x128xf32, #tpu.memory_space<vmem_shared>>) target_semaphore(%run_scoped3A : memref<!tpu.dma_semaphore, #tpu.memory_space<semaphore_mem>>)
          %dma_wait3A = arith.constant 0 : i32
          %dma_wait3A_187 = arith.constant 0 : i32
          %dma_wait3A_188 = tpu.memref_slice %arg14[%dma_wait3A, %dma_wait3A_187] : memref<80x128xf32, #tpu.memory_space<vmem>> -> memref<1x128xf32, #tpu.memory_space<vmem>>
          %dma_wait3A_189 = arith.constant 0 : i32
          %dma_wait3A_190 = tpu.memref_slice %arg16[%add3A_54, %dma_wait3A_189] : memref<128x128xf32, #tpu.memory_space<vmem_shared>> -> memref<1x128xf32, #tpu.memory_space<vmem_shared>>
          %dma_wait3A_191 = arith.constant 0 : i32
          %dma_wait3A_192 = tpu.memref_slice %arg16[%add3A_54, %dma_wait3A_191] : memref<128x128xf32, #tpu.memory_space<vmem_shared>> -> memref<1x128xf32, #tpu.memory_space<vmem_shared>>
          %dma_wait3A_193 = arith.constant 0 : i32
          %dma_wait3A_194 = arith.constant 0 : i32
          %dma_wait3A_195 = tpu.memref_slice %arg14[%dma_wait3A_193, %dma_wait3A_194] : memref<80x128xf32, #tpu.memory_space<vmem>> -> memref<1x128xf32, #tpu.memory_space<vmem>>
          tpu.wait_dma2 semaphore(%run_scoped3A : memref<!tpu.dma_semaphore, #tpu.memory_space<semaphore_mem>>) src(%dma_wait3A_195 : memref<1x128xf32, #tpu.memory_space<vmem>>) dst(%dma_wait3A_192 : memref<1x128xf32, #tpu.memory_space<vmem_shared>>)
          tpu.yield
        }) : () -> ()
      } else {
      }
    }
    %scan3A_10 = arith.constant 128 : i32
    %mul3A_11 = arith.constant 640 : i32
    %mul3A_12 = arith.muli %arg1, %mul3A_11 : i32
    %add3A_13 = arith.constant 0 : i32
    %add3A_14 = arith.addi %mul3A_12, %add3A_13 : i32
    "tpu.region"() ({
      %run_scoped3A = tpu.sem_alloc : memref<!tpu.dma_semaphore, #tpu.memory_space<semaphore_mem>>
      %dma_start3A = arith.constant 0 : i32
      %dma_start3A_50 = tpu.memref_slice %arg17[%add3A_14, %dma_start3A] : memref<10240x128xf32, #tpu.memory_space<vmem_shared>> -> memref<128x128xf32, #tpu.memory_space<vmem_shared>>
      %dma_start3A_51 = arith.constant 0 : i32
      %dma_start3A_52 = tpu.memref_slice %arg17[%add3A_14, %dma_start3A_51] : memref<10240x128xf32, #tpu.memory_space<vmem_shared>> -> memref<128x128xf32, #tpu.memory_space<vmem_shared>>
      tpu.enqueue_dma source(%arg15 : memref<128x128xf32, #tpu.memory_space<vmem>>) target(%dma_start3A_52 : memref<128x128xf32, #tpu.memory_space<vmem_shared>>) target_semaphore(%run_scoped3A : memref<!tpu.dma_semaphore, #tpu.memory_space<semaphore_mem>>)
      %dma_wait3A = arith.constant 0 : i32
      %dma_wait3A_53 = tpu.memref_slice %arg17[%add3A_14, %dma_wait3A] : memref<10240x128xf32, #tpu.memory_space<vmem_shared>> -> memref<128x128xf32, #tpu.memory_space<vmem_shared>>
      %dma_wait3A_54 = arith.constant 0 : i32
      %dma_wait3A_55 = tpu.memref_slice %arg17[%add3A_14, %dma_wait3A_54] : memref<10240x128xf32, #tpu.memory_space<vmem_shared>> -> memref<128x128xf32, #tpu.memory_space<vmem_shared>>
      tpu.wait_dma2 semaphore(%run_scoped3A : memref<!tpu.dma_semaphore, #tpu.memory_space<semaphore_mem>>) src(%arg15 : memref<128x128xf32, #tpu.memory_space<vmem>>) dst(%dma_wait3A_55 : memref<128x128xf32, #tpu.memory_space<vmem_shared>>)
      tpu.yield
    }) : () -> ()
    %mul3A_15 = arith.constant 640 : i32
    %mul3A_16 = arith.muli %arg1, %mul3A_15 : i32
    %add3A_17 = arith.constant 128 : i32
    %add3A_18 = arith.addi %mul3A_16, %add3A_17 : i32
    "tpu.region"() ({
      %run_scoped3A = tpu.sem_alloc : memref<!tpu.dma_semaphore, #tpu.memory_space<semaphore_mem>>
      %dma_start3A = arith.constant 0 : i32
      %dma_start3A_50 = tpu.memref_slice %arg17[%add3A_18, %dma_start3A] : memref<10240x128xf32, #tpu.memory_space<vmem_shared>> -> memref<128x128xf32, #tpu.memory_space<vmem_shared>>
      %dma_start3A_51 = arith.constant 0 : i32
      %dma_start3A_52 = tpu.memref_slice %arg17[%add3A_18, %dma_start3A_51] : memref<10240x128xf32, #tpu.memory_space<vmem_shared>> -> memref<128x128xf32, #tpu.memory_space<vmem_shared>>
      tpu.enqueue_dma source(%arg15 : memref<128x128xf32, #tpu.memory_space<vmem>>) target(%dma_start3A_52 : memref<128x128xf32, #tpu.memory_space<vmem_shared>>) target_semaphore(%run_scoped3A : memref<!tpu.dma_semaphore, #tpu.memory_space<semaphore_mem>>)
      %dma_wait3A = arith.constant 0 : i32
      %dma_wait3A_53 = tpu.memref_slice %arg17[%add3A_18, %dma_wait3A] : memref<10240x128xf32, #tpu.memory_space<vmem_shared>> -> memref<128x128xf32, #tpu.memory_space<vmem_shared>>
      %dma_wait3A_54 = arith.constant 0 : i32
      %dma_wait3A_55 = tpu.memref_slice %arg17[%add3A_18, %dma_wait3A_54] : memref<10240x128xf32, #tpu.memory_space<vmem_shared>> -> memref<128x128xf32, #tpu.memory_space<vmem_shared>>
      tpu.wait_dma2 semaphore(%run_scoped3A : memref<!tpu.dma_semaphore, #tpu.memory_space<semaphore_mem>>) src(%arg15 : memref<128x128xf32, #tpu.memory_space<vmem>>) dst(%dma_wait3A_55 : memref<128x128xf32, #tpu.memory_space<vmem_shared>>)
      tpu.yield
    }) : () -> ()
    %mul3A_19 = arith.constant 640 : i32
    %mul3A_20 = arith.muli %arg1, %mul3A_19 : i32
    %add3A_21 = arith.constant 256 : i32
    %add3A_22 = arith.addi %mul3A_20, %add3A_21 : i32
    "tpu.region"() ({
      %run_scoped3A = tpu.sem_alloc : memref<!tpu.dma_semaphore, #tpu.memory_space<semaphore_mem>>
      %dma_start3A = arith.constant 0 : i32
      %dma_start3A_50 = tpu.memref_slice %arg17[%add3A_22, %dma_start3A] : memref<10240x128xf32, #tpu.memory_space<vmem_shared>> -> memref<128x128xf32, #tpu.memory_space<vmem_shared>>
      %dma_start3A_51 = arith.constant 0 : i32
      %dma_start3A_52 = tpu.memref_slice %arg17[%add3A_22, %dma_start3A_51] : memref<10240x128xf32, #tpu.memory_space<vmem_shared>> -> memref<128x128xf32, #tpu.memory_space<vmem_shared>>
      tpu.enqueue_dma source(%arg15 : memref<128x128xf32, #tpu.memory_space<vmem>>) target(%dma_start3A_52 : memref<128x128xf32, #tpu.memory_space<vmem_shared>>) target_semaphore(%run_scoped3A : memref<!tpu.dma_semaphore, #tpu.memory_space<semaphore_mem>>)
      %dma_wait3A = arith.constant 0 : i32
      %dma_wait3A_53 = tpu.memref_slice %arg17[%add3A_22, %dma_wait3A] : memref<10240x128xf32, #tpu.memory_space<vmem_shared>> -> memref<128x128xf32, #tpu.memory_space<vmem_shared>>
      %dma_wait3A_54 = arith.constant 0 : i32
      %dma_wait3A_55 = tpu.memref_slice %arg17[%add3A_22, %dma_wait3A_54] : memref<10240x128xf32, #tpu.memory_space<vmem_shared>> -> memref<128x128xf32, #tpu.memory_space<vmem_shared>>
      tpu.wait_dma2 semaphore(%run_scoped3A : memref<!tpu.dma_semaphore, #tpu.memory_space<semaphore_mem>>) src(%arg15 : memref<128x128xf32, #tpu.memory_space<vmem>>) dst(%dma_wait3A_55 : memref<128x128xf32, #tpu.memory_space<vmem_shared>>)
      tpu.yield
    }) : () -> ()
    %mul3A_23 = arith.constant 640 : i32
    %mul3A_24 = arith.muli %arg1, %mul3A_23 : i32
    %add3A_25 = arith.constant 384 : i32
    %add3A_26 = arith.addi %mul3A_24, %add3A_25 : i32
    "tpu.region"() ({
      %run_scoped3A = tpu.sem_alloc : memref<!tpu.dma_semaphore, #tpu.memory_space<semaphore_mem>>
      %dma_start3A = arith.constant 0 : i32
      %dma_start3A_50 = tpu.memref_slice %arg17[%add3A_26, %dma_start3A] : memref<10240x128xf32, #tpu.memory_space<vmem_shared>> -> memref<128x128xf32, #tpu.memory_space<vmem_shared>>
      %dma_start3A_51 = arith.constant 0 : i32
      %dma_start3A_52 = tpu.memref_slice %arg17[%add3A_26, %dma_start3A_51] : memref<10240x128xf32, #tpu.memory_space<vmem_shared>> -> memref<128x128xf32, #tpu.memory_space<vmem_shared>>
      tpu.enqueue_dma source(%arg15 : memref<128x128xf32, #tpu.memory_space<vmem>>) target(%dma_start3A_52 : memref<128x128xf32, #tpu.memory_space<vmem_shared>>) target_semaphore(%run_scoped3A : memref<!tpu.dma_semaphore, #tpu.memory_space<semaphore_mem>>)
      %dma_wait3A = arith.constant 0 : i32
      %dma_wait3A_53 = tpu.memref_slice %arg17[%add3A_26, %dma_wait3A] : memref<10240x128xf32, #tpu.memory_space<vmem_shared>> -> memref<128x128xf32, #tpu.memory_space<vmem_shared>>
      %dma_wait3A_54 = arith.constant 0 : i32
      %dma_wait3A_55 = tpu.memref_slice %arg17[%add3A_26, %dma_wait3A_54] : memref<10240x128xf32, #tpu.memory_space<vmem_shared>> -> memref<128x128xf32, #tpu.memory_space<vmem_shared>>
      tpu.wait_dma2 semaphore(%run_scoped3A : memref<!tpu.dma_semaphore, #tpu.memory_space<semaphore_mem>>) src(%arg15 : memref<128x128xf32, #tpu.memory_space<vmem>>) dst(%dma_wait3A_55 : memref<128x128xf32, #tpu.memory_space<vmem_shared>>)
      tpu.yield
    }) : () -> ()
    %mul3A_27 = arith.constant 640 : i32
    %mul3A_28 = arith.muli %arg1, %mul3A_27 : i32
    %add3A_29 = arith.constant 512 : i32
    %add3A_30 = arith.addi %mul3A_28, %add3A_29 : i32
    "tpu.region"() ({
      %run_scoped3A = tpu.sem_alloc : memref<!tpu.dma_semaphore, #tpu.memory_space<semaphore_mem>>
      %dma_start3A = arith.constant 0 : i32
      %dma_start3A_50 = tpu.memref_slice %arg17[%add3A_30, %dma_start3A] : memref<10240x128xf32, #tpu.memory_space<vmem_shared>> -> memref<128x128xf32, #tpu.memory_space<vmem_shared>>
      %dma_start3A_51 = arith.constant 0 : i32
      %dma_start3A_52 = tpu.memref_slice %arg17[%add3A_30, %dma_start3A_51] : memref<10240x128xf32, #tpu.memory_space<vmem_shared>> -> memref<128x128xf32, #tpu.memory_space<vmem_shared>>
      tpu.enqueue_dma source(%arg15 : memref<128x128xf32, #tpu.memory_space<vmem>>) target(%dma_start3A_52 : memref<128x128xf32, #tpu.memory_space<vmem_shared>>) target_semaphore(%run_scoped3A : memref<!tpu.dma_semaphore, #tpu.memory_space<semaphore_mem>>)
      %dma_wait3A = arith.constant 0 : i32
      %dma_wait3A_53 = tpu.memref_slice %arg17[%add3A_30, %dma_wait3A] : memref<10240x128xf32, #tpu.memory_space<vmem_shared>> -> memref<128x128xf32, #tpu.memory_space<vmem_shared>>
      %dma_wait3A_54 = arith.constant 0 : i32
      %dma_wait3A_55 = tpu.memref_slice %arg17[%add3A_30, %dma_wait3A_54] : memref<10240x128xf32, #tpu.memory_space<vmem_shared>> -> memref<128x128xf32, #tpu.memory_space<vmem_shared>>
      tpu.wait_dma2 semaphore(%run_scoped3A : memref<!tpu.dma_semaphore, #tpu.memory_space<semaphore_mem>>) src(%arg15 : memref<128x128xf32, #tpu.memory_space<vmem>>) dst(%dma_wait3A_55 : memref<128x128xf32, #tpu.memory_space<vmem_shared>>)
      tpu.yield
    }) : () -> ()
    %eq3A = arith.constant 0 : i32
    %eq3A_31 = arith.cmpi eq, %arg1, %eq3A : i32
    %convert_element_type3A = arith.extui %eq3A_31 : i1 to i32
    %cond3A = arith.constant 0 : i32
    %cond3A_32 = arith.cmpi ne, %convert_element_type3A, %cond3A : i32
    scf.if %cond3A_32 {
      "tpu.region"() ({
        %run_scoped3A = tpu.sem_alloc : memref<!tpu.dma_semaphore, #tpu.memory_space<semaphore_mem>>
        %dma_start3A = arith.constant 0 : i32
        %dma_start3A_50 = arith.constant 0 : i32
        %dma_start3A_51 = tpu.memref_slice %arg15[%dma_start3A, %dma_start3A_50] : memref<128x128xf32, #tpu.memory_space<vmem>> -> memref<80x128xf32, #tpu.memory_space<vmem>>
        %dma_start3A_52 = arith.constant 0 : i32
        %dma_start3A_53 = arith.constant 0 : i32
        %dma_start3A_54 = tpu.memref_slice %arg15[%dma_start3A_52, %dma_start3A_53] : memref<128x128xf32, #tpu.memory_space<vmem>> -> memref<80x128xf32, #tpu.memory_space<vmem>>
        tpu.enqueue_dma source(%dma_start3A_54 : memref<80x128xf32, #tpu.memory_space<vmem>>) target(%arg18 : memref<80x128xf32, #tpu.memory_space<vmem_shared>>) target_semaphore(%run_scoped3A : memref<!tpu.dma_semaphore, #tpu.memory_space<semaphore_mem>>)
        %dma_wait3A = arith.constant 0 : i32
        %dma_wait3A_55 = arith.constant 0 : i32
        %dma_wait3A_56 = tpu.memref_slice %arg15[%dma_wait3A, %dma_wait3A_55] : memref<128x128xf32, #tpu.memory_space<vmem>> -> memref<80x128xf32, #tpu.memory_space<vmem>>
        %dma_wait3A_57 = arith.constant 0 : i32
        %dma_wait3A_58 = arith.constant 0 : i32
        %dma_wait3A_59 = tpu.memref_slice %arg15[%dma_wait3A_57, %dma_wait3A_58] : memref<128x128xf32, #tpu.memory_space<vmem>> -> memref<80x128xf32, #tpu.memory_space<vmem>>
        tpu.wait_dma2 semaphore(%run_scoped3A : memref<!tpu.dma_semaphore, #tpu.memory_space<semaphore_mem>>) src(%dma_wait3A_59 : memref<80x128xf32, #tpu.memory_space<vmem>>) dst(%arg18 : memref<80x128xf32, #tpu.memory_space<vmem_shared>>)
        tpu.yield
      }) : () -> ()
    } else {
    }
    %barrier3A = arith.constant 0 : index
    tpu.barrier barrier_id(%barrier3A)
    %mul3A_33 = arith.constant 10000 : i32
    %mul3A_34 = arith.muli %add3A, %mul3A_33 : i32
    %scan3A_35 = arith.constant 0 : i32
    %scan3A_36 = arith.constant 125 : i32
    %scan3A_37 = arith.addi %scan3A_35, %scan3A_36 : i32
    %scan3A_38 = arith.constant 1 : i32
    scf.for %scan3A_50 = %scan3A_35 to %scan3A_37 step %scan3A_38  : i32 {
      %mul3A_51 = arith.constant 1 : i32
      %mul3A_52 = arith.muli %scan3A_50, %mul3A_51 : i32
      %add3A_53 = arith.constant 0 : i32
      %add3A_54 = arith.addi %add3A_53, %mul3A_52 : i32
      %mul3A_55 = arith.constant 80 : i32
      %mul3A_56 = arith.muli %add3A_54, %mul3A_55 : i32
      %add3A_57 = arith.addi %mul3A_34, %mul3A_56 : i32
      %multiple_of3A = tpu.assume_multiple %add3A_57, 8 : i32
      "tpu.region"() ({
        %run_scoped3A = tpu.sem_alloc : memref<!tpu.dma_semaphore, #tpu.memory_space<semaphore_mem>>
        %dma_start3A_73 = tpu.memref_slice %arg3[%multiple_of3A] : memref<320000xi32, #tpu.memory_space<hbm>> -> memref<80xi32, #tpu.memory_space<hbm>>
        %dma_start3A_74 = tpu.memref_slice %arg3[%multiple_of3A] : memref<320000xi32, #tpu.memory_space<hbm>> -> memref<80xi32, #tpu.memory_space<hbm>>
        tpu.enqueue_dma source(%dma_start3A_74 : memref<80xi32, #tpu.memory_space<hbm>>) target(%arg8 : memref<80xi32, #tpu.memory_space<vmem>>) target_semaphore(%run_scoped3A : memref<!tpu.dma_semaphore, #tpu.memory_space<semaphore_mem>>)
        %dma_wait3A_75 = tpu.memref_slice %arg3[%multiple_of3A] : memref<320000xi32, #tpu.memory_space<hbm>> -> memref<80xi32, #tpu.memory_space<hbm>>
        %dma_wait3A_76 = tpu.memref_slice %arg3[%multiple_of3A] : memref<320000xi32, #tpu.memory_space<hbm>> -> memref<80xi32, #tpu.memory_space<hbm>>
        tpu.wait_dma2 semaphore(%run_scoped3A : memref<!tpu.dma_semaphore, #tpu.memory_space<semaphore_mem>>) src(%dma_wait3A_76 : memref<80xi32, #tpu.memory_space<hbm>>) dst(%arg8 : memref<80xi32, #tpu.memory_space<vmem>>)
        tpu.yield
      }) : () -> ()
      "tpu.region"() ({
        %run_scoped3A = tpu.sem_alloc : memref<!tpu.dma_semaphore, #tpu.memory_space<semaphore_mem>>
        %dma_start3A_73 = tpu.memref_slice %arg4[%multiple_of3A] : memref<320000xi32, #tpu.memory_space<hbm>> -> memref<80xi32, #tpu.memory_space<hbm>>
        %dma_start3A_74 = tpu.memref_slice %arg4[%multiple_of3A] : memref<320000xi32, #tpu.memory_space<hbm>> -> memref<80xi32, #tpu.memory_space<hbm>>
        tpu.enqueue_dma source(%dma_start3A_74 : memref<80xi32, #tpu.memory_space<hbm>>) target(%arg9 : memref<80xi32, #tpu.memory_space<vmem>>) target_semaphore(%run_scoped3A : memref<!tpu.dma_semaphore, #tpu.memory_space<semaphore_mem>>)
        %dma_wait3A_75 = tpu.memref_slice %arg4[%multiple_of3A] : memref<320000xi32, #tpu.memory_space<hbm>> -> memref<80xi32, #tpu.memory_space<hbm>>
        %dma_wait3A_76 = tpu.memref_slice %arg4[%multiple_of3A] : memref<320000xi32, #tpu.memory_space<hbm>> -> memref<80xi32, #tpu.memory_space<hbm>>
        tpu.wait_dma2 semaphore(%run_scoped3A : memref<!tpu.dma_semaphore, #tpu.memory_space<semaphore_mem>>) src(%dma_wait3A_76 : memref<80xi32, #tpu.memory_space<hbm>>) dst(%arg9 : memref<80xi32, #tpu.memory_space<vmem>>)
        tpu.yield
      }) : () -> ()
      "tpu.region"() ({
        %run_scoped3A = tpu.sem_alloc : memref<!tpu.dma_semaphore, #tpu.memory_space<semaphore_mem>>
        %dma_start3A_73 = tpu.memref_slice %arg5[%multiple_of3A] : memref<320000xf32, #tpu.memory_space<hbm>> -> memref<80xf32, #tpu.memory_space<hbm>>
        %dma_start3A_74 = tpu.memref_slice %arg5[%multiple_of3A] : memref<320000xf32, #tpu.memory_space<hbm>> -> memref<80xf32, #tpu.memory_space<hbm>>
        tpu.enqueue_dma source(%dma_start3A_74 : memref<80xf32, #tpu.memory_space<hbm>>) target(%arg12 : memref<80xf32, #tpu.memory_space<vmem>>) target_semaphore(%run_scoped3A : memref<!tpu.dma_semaphore, #tpu.memory_space<semaphore_mem>>)
        %dma_wait3A_75 = tpu.memref_slice %arg5[%multiple_of3A] : memref<320000xf32, #tpu.memory_space<hbm>> -> memref<80xf32, #tpu.memory_space<hbm>>
        %dma_wait3A_76 = tpu.memref_slice %arg5[%multiple_of3A] : memref<320000xf32, #tpu.memory_space<hbm>> -> memref<80xf32, #tpu.memory_space<hbm>>
        tpu.wait_dma2 semaphore(%run_scoped3A : memref<!tpu.dma_semaphore, #tpu.memory_space<semaphore_mem>>) src(%dma_wait3A_76 : memref<80xf32, #tpu.memory_space<hbm>>) dst(%arg12 : memref<80xf32, #tpu.memory_space<vmem>>)
        tpu.yield
      }) : () -> ()
      %dma_start3A = arith.constant 0 : i32
      %dma_start3A_58 = arith.constant 0 : i32
      %dma_start3A_59 = tpu.memref_slice %arg2[%dma_start3A, %dma_start3A_58] : memref<10000x128xf32, #tpu.memory_space<hbm>> -> memref<10000x128xf32, #tpu.memory_space<hbm>>
      tpu.enqueue_indirect_dma source(%dma_start3A_59 : memref<10000x128xf32, #tpu.memory_space<hbm>>) target(%arg13 : memref<80x128xf32, #tpu.memory_space<vmem>>) offsets(%arg8 : memref<80xi32, #tpu.memory_space<vmem>>) semaphore(%arg19 : memref<!tpu.dma_semaphore, #tpu.memory_space<semaphore_mem>>)
      %dma_wait3A = arith.constant 0 : i32
      %dma_wait3A_60 = arith.constant 0 : i32
      %dma_wait3A_61 = tpu.memref_slice %arg2[%dma_wait3A, %dma_wait3A_60] : memref<10000x128xf32, #tpu.memory_space<hbm>> -> memref<10000x128xf32, #tpu.memory_space<hbm>>
      tpu.wait_indirect_dma semaphore(%arg19 : memref<!tpu.dma_semaphore, #tpu.memory_space<semaphore_mem>>) src(%dma_wait3A_61 : memref<10000x128xf32, #tpu.memory_space<hbm>>) dst(%arg13 : memref<80x128xf32, #tpu.memory_space<vmem>>)
      %scan3A_62 = arith.constant 0 : i32
      %scan3A_63 = arith.constant 5 : i32
      %scan3A_64 = arith.addi %scan3A_62, %scan3A_63 : i32
      %scan3A_65 = arith.constant 1 : i32
      scf.for %scan3A_73 = %scan3A_62 to %scan3A_64 step %scan3A_65  : i32 {
        %mul3A_74 = arith.constant 1 : i32
        %mul3A_75 = arith.muli %scan3A_73, %mul3A_74 : i32
        %add3A_76 = arith.constant 0 : i32
        %add3A_77 = arith.addi %add3A_76, %mul3A_75 : i32
        %mul3A_78 = arith.constant 16 : i32
        %mul3A_79 = arith.muli %add3A_77, %mul3A_78 : i32
        %get3A = arith.index_cast %mul3A_79 : i32 to index
        %get3A_80 = tpu.vector_load %arg12[%get3A] {strides = array<i32>} : memref<80xf32, #tpu.memory_space<vmem>>, vector<16xf32>,
        %get3A_81 = vector.shape_cast %get3A_80 : vector<16xf32> to vector<16xf32>
        %mul3A_82 = arith.constant 16 : i32
        %mul3A_83 = arith.muli %add3A_77, %mul3A_82 : i32
        %get3A_84 = arith.index_cast %mul3A_83 : i32 to index
        %get3A_85 = tpu.vector_load %arg9[%get3A_84] {strides = array<i32>} : memref<80xi32, #tpu.memory_space<vmem>>, vector<16xi32>,
        %get3A_86 = vector.shape_cast %get3A_85 : vector<16xi32> to vector<16xi32>
        %shift_right_logical3A = arith.constant 7 : i32
        %shift_right_logical3A_87 = vector.broadcast %shift_right_logical3A : i32 to vector<16xi32>
        %shift_right_logical3A_88 = arith.shrui %get3A_86, %shift_right_logical3A_87 : vector<16xi32>
        %mul3A_89 = arith.constant 16 : i32
        %mul3A_90 = arith.muli %add3A_77, %mul3A_89 : i32
        %swap3A = arith.index_cast %mul3A_90 : i32 to index
        %swap3A_91 = tpu.vector_load %arg10[%swap3A] {strides = array<i32>} : memref<80xi32, #tpu.memory_space<vmem>>, vector<16xi32>,
        %swap3A_92 = vector.shape_cast %swap3A_91 : vector<16xi32> to vector<16xi32>
        %swap3A_93 = vector.shape_cast %shift_right_logical3A_88 : vector<16xi32> to vector<16xi32>
        tpu.vector_store %arg10[%swap3A], %swap3A_93 {strides = array<i32>} : memref<80xi32, #tpu.memory_space<vmem>>, vector<16xi32>,
        %and3A = arith.constant 127 : i32
        %and3A_94 = vector.broadcast %and3A : i32 to vector<16xi32>
        %and3A_95 = arith.andi %get3A_86, %and3A_94 : vector<16xi32>
        %mul3A_96 = arith.constant 16 : i32
        %mul3A_97 = arith.muli %add3A_77, %mul3A_96 : i32
        %swap3A_98 = arith.index_cast %mul3A_97 : i32 to index
        %swap3A_99 = tpu.vector_load %arg11[%swap3A_98] {strides = array<i32>} : memref<80xi32, #tpu.memory_space<vmem>>, vector<16xi32>,
        %swap3A_100 = vector.shape_cast %swap3A_99 : vector<16xi32> to vector<16xi32>
        %swap3A_101 = vector.shape_cast %and3A_95 : vector<16xi32> to vector<16xi32>
        tpu.vector_store %arg11[%swap3A_98], %swap3A_101 {strides = array<i32>} : memref<80xi32, #tpu.memory_space<vmem>>, vector<16xi32>,
        %mul3A_102 = arith.constant 16 : i32
        %mul3A_103 = arith.muli %add3A_77, %mul3A_102 : i32
        %slice3A = vector.extract_strided_slice %get3A_81 {offsets = [0], sizes = [1], strides = [1]} : vector<16xf32> to vector<1xf32>
        %squeeze3A = vector.extract %slice3A[0] : f32 from vector<1xf32>
        %broadcast_in_dim3A_104 = vector.broadcast %squeeze3A : f32 to vector<16xf32>
        %add3A_105 = arith.constant 0 : i32
        %add3A_106 = arith.addi %mul3A_103, %add3A_105 : i32
        %get3A_107 = arith.index_cast %add3A_106 : i32 to index
        %get3A_108 = arith.constant 0 : index
        %get3A_109 = tpu.vector_load %arg13[%get3A_107, %get3A_108] {strides = array<i32>} : memref<80x128xf32, #tpu.memory_space<vmem>>, vector<1x16xf32>,
        %get3A_110 = vector.shape_cast %get3A_109 : vector<1x16xf32> to vector<16xf32>
        %mul3A_111 = arith.mulf %get3A_110, %broadcast_in_dim3A_104 : vector<16xf32>
        %add3A_112 = arith.constant 0 : i32
        %add3A_113 = arith.addi %mul3A_103, %add3A_112 : i32
        %swap3A_114 = arith.index_cast %add3A_113 : i32 to index
        %swap3A_115 = arith.constant 0 : index
        %swap3A_116 = tpu.vector_load %arg13[%swap3A_114, %swap3A_115] {strides = array<i32>} : memref<80x128xf32, #tpu.memory_space<vmem>>, vector<1x16xf32>,
        %swap3A_117 = vector.shape_cast %swap3A_116 : vector<1x16xf32> to vector<16xf32>
        %swap3A_118 = vector.shape_cast %mul3A_111 : vector<16xf32> to vector<1x16xf32>
        tpu.vector_store %arg13[%swap3A_114, %swap3A_115], %swap3A_118 {strides = array<i32>} : memref<80x128xf32, #tpu.memory_space<vmem>>, vector<1x16xf32>,
        %add3A_119 = arith.constant 0 : i32
        %add3A_120 = arith.addi %mul3A_103, %add3A_119 : i32
        %get3A_121 = arith.index_cast %add3A_120 : i32 to index
        %get3A_122 = arith.constant 16 : index
        %get3A_123 = tpu.vector_load %arg13[%get3A_121, %get3A_122] {strides = array<i32>} : memref<80x128xf32, #tpu.memory_space<vmem>>, vector<1x16xf32>,
        %get3A_124 = vector.shape_cast %get3A_123 : vector<1x16xf32> to vector<16xf32>
        %mul3A_125 = arith.mulf %get3A_124, %broadcast_in_dim3A_104 : vector<16xf32>
        %add3A_126 = arith.constant 0 : i32
        %add3A_127 = arith.addi %mul3A_103, %add3A_126 : i32
        %swap3A_128 = arith.index_cast %add3A_127 : i32 to index
        %swap3A_129 = arith.constant 16 : index
        %swap3A_130 = tpu.vector_load %arg13[%swap3A_128, %swap3A_129] {strides = array<i32>} : memref<80x128xf32, #tpu.memory_space<vmem>>, vector<1x16xf32>,
        %swap3A_131 = vector.shape_cast %swap3A_130 : vector<1x16xf32> to vector<16xf32>
        %swap3A_132 = vector.shape_cast %mul3A_125 : vector<16xf32> to vector<1x16xf32>
        tpu.vector_store %arg13[%swap3A_128, %swap3A_129], %swap3A_132 {strides = array<i32>} : memref<80x128xf32, #tpu.memory_space<vmem>>, vector<1x16xf32>,
        %add3A_133 = arith.constant 0 : i32
        %add3A_134 = arith.addi %mul3A_103, %add3A_133 : i32
        %get3A_135 = arith.index_cast %add3A_134 : i32 to index
        %get3A_136 = arith.constant 32 : index
        %get3A_137 = tpu.vector_load %arg13[%get3A_135, %get3A_136] {strides = array<i32>} : memref<80x128xf32, #tpu.memory_space<vmem>>, vector<1x16xf32>,
        %get3A_138 = vector.shape_cast %get3A_137 : vector<1x16xf32> to vector<16xf32>
        %mul3A_139 = arith.mulf %get3A_138, %broadcast_in_dim3A_104 : vector<16xf32>
        %add3A_140 = arith.constant 0 : i32
        %add3A_141 = arith.addi %mul3A_103, %add3A_140 : i32
        %swap3A_142 = arith.index_cast %add3A_141 : i32 to index
        %swap3A_143 = arith.constant 32 : index
        %swap3A_144 = tpu.vector_load %arg13[%swap3A_142, %swap3A_143] {strides = array<i32>} : memref<80x128xf32, #tpu.memory_space<vmem>>, vector<1x16xf32>,
        %swap3A_145 = vector.shape_cast %swap3A_144 : vector<1x16xf32> to vector<16xf32>
        %swap3A_146 = vector.shape_cast %mul3A_139 : vector<16xf32> to vector<1x16xf32>
        tpu.vector_store %arg13[%swap3A_142, %swap3A_143], %swap3A_146 {strides = array<i32>} : memref<80x128xf32, #tpu.memory_space<vmem>>, vector<1x16xf32>,
        %add3A_147 = arith.constant 0 : i32
        %add3A_148 = arith.addi %mul3A_103, %add3A_147 : i32
        %get3A_149 = arith.index_cast %add3A_148 : i32 to index
        %get3A_150 = arith.constant 48 : index
        %get3A_151 = tpu.vector_load %arg13[%get3A_149, %get3A_150] {strides = array<i32>} : memref<80x128xf32, #tpu.memory_space<vmem>>, vector<1x16xf32>,
        %get3A_152 = vector.shape_cast %get3A_151 : vector<1x16xf32> to vector<16xf32>
        %mul3A_153 = arith.mulf %get3A_152, %broadcast_in_dim3A_104 : vector<16xf32>
        %add3A_154 = arith.constant 0 : i32
        %add3A_155 = arith.addi %mul3A_103, %add3A_154 : i32
        %swap3A_156 = arith.index_cast %add3A_155 : i32 to index
        %swap3A_157 = arith.constant 48 : index
        %swap3A_158 = tpu.vector_load %arg13[%swap3A_156, %swap3A_157] {strides = array<i32>} : memref<80x128xf32, #tpu.memory_space<vmem>>, vector<1x16xf32>,
        %swap3A_159 = vector.shape_cast %swap3A_158 : vector<1x16xf32> to vector<16xf32>
        %swap3A_160 = vector.shape_cast %mul3A_153 : vector<16xf32> to vector<1x16xf32>
        tpu.vector_store %arg13[%swap3A_156, %swap3A_157], %swap3A_160 {strides = array<i32>} : memref<80x128xf32, #tpu.memory_space<vmem>>, vector<1x16xf32>,
        %add3A_161 = arith.constant 0 : i32
        %add3A_162 = arith.addi %mul3A_103, %add3A_161 : i32
        %get3A_163 = arith.index_cast %add3A_162 : i32 to index
        %get3A_164 = arith.constant 64 : index
        %get3A_165 = tpu.vector_load %arg13[%get3A_163, %get3A_164] {strides = array<i32>} : memref<80x128xf32, #tpu.memory_space<vmem>>, vector<1x16xf32>,
        %get3A_166 = vector.shape_cast %get3A_165 : vector<1x16xf32> to vector<16xf32>
        %mul3A_167 = arith.mulf %get3A_166, %broadcast_in_dim3A_104 : vector<16xf32>
        %add3A_168 = arith.constant 0 : i32
        %add3A_169 = arith.addi %mul3A_103, %add3A_168 : i32
        %swap3A_170 = arith.index_cast %add3A_169 : i32 to index
        %swap3A_171 = arith.constant 64 : index
        %swap3A_172 = tpu.vector_load %arg13[%swap3A_170, %swap3A_171] {strides = array<i32>} : memref<80x128xf32, #tpu.memory_space<vmem>>, vector<1x16xf32>,
        %swap3A_173 = vector.shape_cast %swap3A_172 : vector<1x16xf32> to vector<16xf32>
        %swap3A_174 = vector.shape_cast %mul3A_167 : vector<16xf32> to vector<1x16xf32>
        tpu.vector_store %arg13[%swap3A_170, %swap3A_171], %swap3A_174 {strides = array<i32>} : memref<80x128xf32, #tpu.memory_space<vmem>>, vector<1x16xf32>,
        %add3A_175 = arith.constant 0 : i32
        %add3A_176 = arith.addi %mul3A_103, %add3A_175 : i32
        %get3A_177 = arith.index_cast %add3A_176 : i32 to index
        %get3A_178 = arith.constant 80 : index
        %get3A_179 = tpu.vector_load %arg13[%get3A_177, %get3A_178] {strides = array<i32>} : memref<80x128xf32, #tpu.memory_space<vmem>>, vector<1x16xf32>,
        %get3A_180 = vector.shape_cast %get3A_179 : vector<1x16xf32> to vector<16xf32>
        %mul3A_181 = arith.mulf %get3A_180, %broadcast_in_dim3A_104 : vector<16xf32>
        %add3A_182 = arith.constant 0 : i32
        %add3A_183 = arith.addi %mul3A_103, %add3A_182 : i32
        %swap3A_184 = arith.index_cast %add3A_183 : i32 to index
        %swap3A_185 = arith.constant 80 : index
        %swap3A_186 = tpu.vector_load %arg13[%swap3A_184, %swap3A_185] {strides = array<i32>} : memref<80x128xf32, #tpu.memory_space<vmem>>, vector<1x16xf32>,
        %swap3A_187 = vector.shape_cast %swap3A_186 : vector<1x16xf32> to vector<16xf32>
        %swap3A_188 = vector.shape_cast %mul3A_181 : vector<16xf32> to vector<1x16xf32>
        tpu.vector_store %arg13[%swap3A_184, %swap3A_185], %swap3A_188 {strides = array<i32>} : memref<80x128xf32, #tpu.memory_space<vmem>>, vector<1x16xf32>,
        %add3A_189 = arith.constant 0 : i32
        %add3A_190 = arith.addi %mul3A_103, %add3A_189 : i32
        %get3A_191 = arith.index_cast %add3A_190 : i32 to index
        %get3A_192 = arith.constant 96 : index
        %get3A_193 = tpu.vector_load %arg13[%get3A_191, %get3A_192] {strides = array<i32>} : memref<80x128xf32, #tpu.memory_space<vmem>>, vector<1x16xf32>,
        %get3A_194 = vector.shape_cast %get3A_193 : vector<1x16xf32> to vector<16xf32>
        %mul3A_195 = arith.mulf %get3A_194, %broadcast_in_dim3A_104 : vector<16xf32>
        %add3A_196 = arith.constant 0 : i32
        %add3A_197 = arith.addi %mul3A_103, %add3A_196 : i32
        %swap3A_198 = arith.index_cast %add3A_197 : i32 to index
        %swap3A_199 = arith.constant 96 : index
        %swap3A_200 = tpu.vector_load %arg13[%swap3A_198, %swap3A_199] {strides = array<i32>} : memref<80x128xf32, #tpu.memory_space<vmem>>, vector<1x16xf32>,
        %swap3A_201 = vector.shape_cast %swap3A_200 : vector<1x16xf32> to vector<16xf32>
        %swap3A_202 = vector.shape_cast %mul3A_195 : vector<16xf32> to vector<1x16xf32>
        tpu.vector_store %arg13[%swap3A_198, %swap3A_199], %swap3A_202 {strides = array<i32>} : memref<80x128xf32, #tpu.memory_space<vmem>>, vector<1x16xf32>,
        %add3A_203 = arith.constant 0 : i32
        %add3A_204 = arith.addi %mul3A_103, %add3A_203 : i32
        %get3A_205 = arith.index_cast %add3A_204 : i32 to index
        %get3A_206 = arith.constant 112 : index
        %get3A_207 = tpu.vector_load %arg13[%get3A_205, %get3A_206] {strides = array<i32>} : memref<80x128xf32, #tpu.memory_space<vmem>>, vector<1x16xf32>,
        %get3A_208 = vector.shape_cast %get3A_207 : vector<1x16xf32> to vector<16xf32>
        %mul3A_209 = arith.mulf %get3A_208, %broadcast_in_dim3A_104 : vector<16xf32>
        %add3A_210 = arith.constant 0 : i32
        %add3A_211 = arith.addi %mul3A_103, %add3A_210 : i32
        %swap3A_212 = arith.index_cast %add3A_211 : i32 to index
        %swap3A_213 = arith.constant 112 : index
        %swap3A_214 = tpu.vector_load %arg13[%swap3A_212, %swap3A_213] {strides = array<i32>} : memref<80x128xf32, #tpu.memory_space<vmem>>, vector<1x16xf32>,
        %swap3A_215 = vector.shape_cast %swap3A_214 : vector<1x16xf32> to vector<16xf32>
        %swap3A_216 = vector.shape_cast %mul3A_209 : vector<16xf32> to vector<1x16xf32>
        tpu.vector_store %arg13[%swap3A_212, %swap3A_213], %swap3A_216 {strides = array<i32>} : memref<80x128xf32, #tpu.memory_space<vmem>>, vector<1x16xf32>,
        %slice3A_217 = vector.extract_strided_slice %get3A_81 {offsets = [1], sizes = [1], strides = [1]} : vector<16xf32> to vector<1xf32>
        %squeeze3A_218 = vector.extract %slice3A_217[0] : f32 from vector<1xf32>
        %broadcast_in_dim3A_219 = vector.broadcast %squeeze3A_218 : f32 to vector<16xf32>
        %add3A_220 = arith.constant 1 : i32
        %add3A_221 = arith.addi %mul3A_103, %add3A_220 : i32
        %get3A_222 = arith.index_cast %add3A_221 : i32 to index
        %get3A_223 = arith.constant 0 : index
        %get3A_224 = tpu.vector_load %arg13[%get3A_222, %get3A_223] {strides = array<i32>} : memref<80x128xf32, #tpu.memory_space<vmem>>, vector<1x16xf32>,
        %get3A_225 = vector.shape_cast %get3A_224 : vector<1x16xf32> to vector<16xf32>
        %mul3A_226 = arith.mulf %get3A_225, %broadcast_in_dim3A_219 : vector<16xf32>
        %add3A_227 = arith.constant 1 : i32
        %add3A_228 = arith.addi %mul3A_103, %add3A_227 : i32
        %swap3A_229 = arith.index_cast %add3A_228 : i32 to index
        %swap3A_230 = arith.constant 0 : index
        %swap3A_231 = tpu.vector_load %arg13[%swap3A_229, %swap3A_230] {strides = array<i32>} : memref<80x128xf32, #tpu.memory_space<vmem>>, vector<1x16xf32>,
        %swap3A_232 = vector.shape_cast %swap3A_231 : vector<1x16xf32> to vector<16xf32>
        %swap3A_233 = vector.shape_cast %mul3A_226 : vector<16xf32> to vector<1x16xf32>
        tpu.vector_store %arg13[%swap3A_229, %swap3A_230], %swap3A_233 {strides = array<i32>} : memref<80x128xf32, #tpu.memory_space<vmem>>, vector<1x16xf32>,
        %add3A_234 = arith.constant 1 : i32
        %add3A_235 = arith.addi %mul3A_103, %add3A_234 : i32
        %get3A_236 = arith.index_cast %add3A_235 : i32 to index
        %get3A_237 = arith.constant 16 : index
        %get3A_238 = tpu.vector_load %arg13[%get3A_236, %get3A_237] {strides = array<i32>} : memref<80x128xf32, #tpu.memory_space<vmem>>, vector<1x16xf32>,
        %get3A_239 = vector.shape_cast %get3A_238 : vector<1x16xf32> to vector<16xf32>
        %mul3A_240 = arith.mulf %get3A_239, %broadcast_in_dim3A_219 : vector<16xf32>
        %add3A_241 = arith.constant 1 : i32
        %add3A_242 = arith.addi %mul3A_103, %add3A_241 : i32
        %swap3A_243 = arith.index_cast %add3A_242 : i32 to index
        %swap3A_244 = arith.constant 16 : index
        %swap3A_245 = tpu.vector_load %arg13[%swap3A_243, %swap3A_244] {strides = array<i32>} : memref<80x128xf32, #tpu.memory_space<vmem>>, vector<1x16xf32>,
        %swap3A_246 = vector.shape_cast %swap3A_245 : vector<1x16xf32> to vector<16xf32>
        %swap3A_247 = vector.shape_cast %mul3A_240 : vector<16xf32> to vector<1x16xf32>
        tpu.vector_store %arg13[%swap3A_243, %swap3A_244], %swap3A_247 {strides = array<i32>} : memref<80x128xf32, #tpu.memory_space<vmem>>, vector<1x16xf32>,
        %add3A_248 = arith.constant 1 : i32
        %add3A_249 = arith.addi %mul3A_103, %add3A_248 : i32
        %get3A_250 = arith.index_cast %add3A_249 : i32 to index
        %get3A_251 = arith.constant 32 : index
        %get3A_252 = tpu.vector_load %arg13[%get3A_250, %get3A_251] {strides = array<i32>} : memref<80x128xf32, #tpu.memory_space<vmem>>, vector<1x16xf32>,
        %get3A_253 = vector.shape_cast %get3A_252 : vector<1x16xf32> to vector<16xf32>
        %mul3A_254 = arith.mulf %get3A_253, %broadcast_in_dim3A_219 : vector<16xf32>
        %add3A_255 = arith.constant 1 : i32
        %add3A_256 = arith.addi %mul3A_103, %add3A_255 : i32
        %swap3A_257 = arith.index_cast %add3A_256 : i32 to index
        %swap3A_258 = arith.constant 32 : index
        %swap3A_259 = tpu.vector_load %arg13[%swap3A_257, %swap3A_258] {strides = array<i32>} : memref<80x128xf32, #tpu.memory_space<vmem>>, vector<1x16xf32>,
        %swap3A_260 = vector.shape_cast %swap3A_259 : vector<1x16xf32> to vector<16xf32>
        %swap3A_261 = vector.shape_cast %mul3A_254 : vector<16xf32> to vector<1x16xf32>
        tpu.vector_store %arg13[%swap3A_257, %swap3A_258], %swap3A_261 {strides = array<i32>} : memref<80x128xf32, #tpu.memory_space<vmem>>, vector<1x16xf32>,
        %add3A_262 = arith.constant 1 : i32
        %add3A_263 = arith.addi %mul3A_103, %add3A_262 : i32
        %get3A_264 = arith.index_cast %add3A_263 : i32 to index
        %get3A_265 = arith.constant 48 : index
        %get3A_266 = tpu.vector_load %arg13[%get3A_264, %get3A_265] {strides = array<i32>} : memref<80x128xf32, #tpu.memory_space<vmem>>, vector<1x16xf32>,
        %get3A_267 = vector.shape_cast %get3A_266 : vector<1x16xf32> to vector<16xf32>
        %mul3A_268 = arith.mulf %get3A_267, %broadcast_in_dim3A_219 : vector<16xf32>
        %add3A_269 = arith.constant 1 : i32
        %add3A_270 = arith.addi %mul3A_103, %add3A_269 : i32
        %swap3A_271 = arith.index_cast %add3A_270 : i32 to index
        %swap3A_272 = arith.constant 48 : index
        %swap3A_273 = tpu.vector_load %arg13[%swap3A_271, %swap3A_272] {strides = array<i32>} : memref<80x128xf32, #tpu.memory_space<vmem>>, vector<1x16xf32>,
        %swap3A_274 = vector.shape_cast %swap3A_273 : vector<1x16xf32> to vector<16xf32>
        %swap3A_275 = vector.shape_cast %mul3A_268 : vector<16xf32> to vector<1x16xf32>
        tpu.vector_store %arg13[%swap3A_271, %swap3A_272], %swap3A_275 {strides = array<i32>} : memref<80x128xf32, #tpu.memory_space<vmem>>, vector<1x16xf32>,
        %add3A_276 = arith.constant 1 : i32
        %add3A_277 = arith.addi %mul3A_103, %add3A_276 : i32
        %get3A_278 = arith.index_cast %add3A_277 : i32 to index
        %get3A_279 = arith.constant 64 : index
        %get3A_280 = tpu.vector_load %arg13[%get3A_278, %get3A_279] {strides = array<i32>} : memref<80x128xf32, #tpu.memory_space<vmem>>, vector<1x16xf32>,
        %get3A_281 = vector.shape_cast %get3A_280 : vector<1x16xf32> to vector<16xf32>
        %mul3A_282 = arith.mulf %get3A_281, %broadcast_in_dim3A_219 : vector<16xf32>
        %add3A_283 = arith.constant 1 : i32
        %add3A_284 = arith.addi %mul3A_103, %add3A_283 : i32
        %swap3A_285 = arith.index_cast %add3A_284 : i32 to index
        %swap3A_286 = arith.constant 64 : index
        %swap3A_287 = tpu.vector_load %arg13[%swap3A_285, %swap3A_286] {strides = array<i32>} : memref<80x128xf32, #tpu.memory_space<vmem>>, vector<1x16xf32>,
        %swap3A_288 = vector.shape_cast %swap3A_287 : vector<1x16xf32> to vector<16xf32>
        %swap3A_289 = vector.shape_cast %mul3A_282 : vector<16xf32> to vector<1x16xf32>
        tpu.vector_store %arg13[%swap3A_285, %swap3A_286], %swap3A_289 {strides = array<i32>} : memref<80x128xf32, #tpu.memory_space<vmem>>, vector<1x16xf32>,
        %add3A_290 = arith.constant 1 : i32
        %add3A_291 = arith.addi %mul3A_103, %add3A_290 : i32
        %get3A_292 = arith.index_cast %add3A_291 : i32 to index
        %get3A_293 = arith.constant 80 : index
        %get3A_294 = tpu.vector_load %arg13[%get3A_292, %get3A_293] {strides = array<i32>} : memref<80x128xf32, #tpu.memory_space<vmem>>, vector<1x16xf32>,
        %get3A_295 = vector.shape_cast %get3A_294 : vector<1x16xf32> to vector<16xf32>
        %mul3A_296 = arith.mulf %get3A_295, %broadcast_in_dim3A_219 : vector<16xf32>
        %add3A_297 = arith.constant 1 : i32
        %add3A_298 = arith.addi %mul3A_103, %add3A_297 : i32
        %swap3A_299 = arith.index_cast %add3A_298 : i32 to index
        %swap3A_300 = arith.constant 80 : index
        %swap3A_301 = tpu.vector_load %arg13[%swap3A_299, %swap3A_300] {strides = array<i32>} : memref<80x128xf32, #tpu.memory_space<vmem>>, vector<1x16xf32>,
        %swap3A_302 = vector.shape_cast %swap3A_301 : vector<1x16xf32> to vector<16xf32>
        %swap3A_303 = vector.shape_cast %mul3A_296 : vector<16xf32> to vector<1x16xf32>
        tpu.vector_store %arg13[%swap3A_299, %swap3A_300], %swap3A_303 {strides = array<i32>} : memref<80x128xf32, #tpu.memory_space<vmem>>, vector<1x16xf32>,
        %add3A_304 = arith.constant 1 : i32
        %add3A_305 = arith.addi %mul3A_103, %add3A_304 : i32
        %get3A_306 = arith.index_cast %add3A_305 : i32 to index
        %get3A_307 = arith.constant 96 : index
        %get3A_308 = tpu.vector_load %arg13[%get3A_306, %get3A_307] {strides = array<i32>} : memref<80x128xf32, #tpu.memory_space<vmem>>, vector<1x16xf32>,
        %get3A_309 = vector.shape_cast %get3A_308 : vector<1x16xf32> to vector<16xf32>
        %mul3A_310 = arith.mulf %get3A_309, %broadcast_in_dim3A_219 : vector<16xf32>
        %add3A_311 = arith.constant 1 : i32
        %add3A_312 = arith.addi %mul3A_103, %add3A_311 : i32
        %swap3A_313 = arith.index_cast %add3A_312 : i32 to index
        %swap3A_314 = arith.constant 96 : index
        %swap3A_315 = tpu.vector_load %arg13[%swap3A_313, %swap3A_314] {strides = array<i32>} : memref<80x128xf32, #tpu.memory_space<vmem>>, vector<1x16xf32>,
        %swap3A_316 = vector.shape_cast %swap3A_315 : vector<1x16xf32> to vector<16xf32>
        %swap3A_317 = vector.shape_cast %mul3A_310 : vector<16xf32> to vector<1x16xf32>
        tpu.vector_store %arg13[%swap3A_313, %swap3A_314], %swap3A_317 {strides = array<i32>} : memref<80x128xf32, #tpu.memory_space<vmem>>, vector<1x16xf32>,
        %add3A_318 = arith.constant 1 : i32
        %add3A_319 = arith.addi %mul3A_103, %add3A_318 : i32
        %get3A_320 = arith.index_cast %add3A_319 : i32 to index
        %get3A_321 = arith.constant 112 : index
        %get3A_322 = tpu.vector_load %arg13[%get3A_320, %get3A_321] {strides = array<i32>} : memref<80x128xf32, #tpu.memory_space<vmem>>, vector<1x16xf32>,
        %get3A_323 = vector.shape_cast %get3A_322 : vector<1x16xf32> to vector<16xf32>
        %mul3A_324 = arith.mulf %get3A_323, %broadcast_in_dim3A_219 : vector<16xf32>
        %add3A_325 = arith.constant 1 : i32
        %add3A_326 = arith.addi %mul3A_103, %add3A_325 : i32
        %swap3A_327 = arith.index_cast %add3A_326 : i32 to index
        %swap3A_328 = arith.constant 112 : index
        %swap3A_329 = tpu.vector_load %arg13[%swap3A_327, %swap3A_328] {strides = array<i32>} : memref<80x128xf32, #tpu.memory_space<vmem>>, vector<1x16xf32>,
        %swap3A_330 = vector.shape_cast %swap3A_329 : vector<1x16xf32> to vector<16xf32>
        %swap3A_331 = vector.shape_cast %mul3A_324 : vector<16xf32> to vector<1x16xf32>
        tpu.vector_store %arg13[%swap3A_327, %swap3A_328], %swap3A_331 {strides = array<i32>} : memref<80x128xf32, #tpu.memory_space<vmem>>, vector<1x16xf32>,
        %slice3A_332 = vector.extract_strided_slice %get3A_81 {offsets = [2], sizes = [1], strides = [1]} : vector<16xf32> to vector<1xf32>
        %squeeze3A_333 = vector.extract %slice3A_332[0] : f32 from vector<1xf32>
        %broadcast_in_dim3A_334 = vector.broadcast %squeeze3A_333 : f32 to vector<16xf32>
        %add3A_335 = arith.constant 2 : i32
        %add3A_336 = arith.addi %mul3A_103, %add3A_335 : i32
        %get3A_337 = arith.index_cast %add3A_336 : i32 to index
        %get3A_338 = arith.constant 0 : index
        %get3A_339 = tpu.vector_load %arg13[%get3A_337, %get3A_338] {strides = array<i32>} : memref<80x128xf32, #tpu.memory_space<vmem>>, vector<1x16xf32>,
        %get3A_340 = vector.shape_cast %get3A_339 : vector<1x16xf32> to vector<16xf32>
        %mul3A_341 = arith.mulf %get3A_340, %broadcast_in_dim3A_334 : vector<16xf32>
        %add3A_342 = arith.constant 2 : i32
        %add3A_343 = arith.addi %mul3A_103, %add3A_342 : i32
        %swap3A_344 = arith.index_cast %add3A_343 : i32 to index
        %swap3A_345 = arith.constant 0 : index
        %swap3A_346 = tpu.vector_load %arg13[%swap3A_344, %swap3A_345] {strides = array<i32>} : memref<80x128xf32, #tpu.memory_space<vmem>>, vector<1x16xf32>,
        %swap3A_347 = vector.shape_cast %swap3A_346 : vector<1x16xf32> to vector<16xf32>
        %swap3A_348 = vector.shape_cast %mul3A_341 : vector<16xf32> to vector<1x16xf32>
        tpu.vector_store %arg13[%swap3A_344, %swap3A_345], %swap3A_348 {strides = array<i32>} : memref<80x128xf32, #tpu.memory_space<vmem>>, vector<1x16xf32>,
        %add3A_349 = arith.constant 2 : i32
        %add3A_350 = arith.addi %mul3A_103, %add3A_349 : i32
        %get3A_351 = arith.index_cast %add3A_350 : i32 to index
        %get3A_352 = arith.constant 16 : index
        %get3A_353 = tpu.vector_load %arg13[%get3A_351, %get3A_352] {strides = array<i32>} : memref<80x128xf32, #tpu.memory_space<vmem>>, vector<1x16xf32>,
        %get3A_354 = vector.shape_cast %get3A_353 : vector<1x16xf32> to vector<16xf32>
        %mul3A_355 = arith.mulf %get3A_354, %broadcast_in_dim3A_334 : vector<16xf32>
        %add3A_356 = arith.constant 2 : i32
        %add3A_357 = arith.addi %mul3A_103, %add3A_356 : i32
        %swap3A_358 = arith.index_cast %add3A_357 : i32 to index
        %swap3A_359 = arith.constant 16 : index
        %swap3A_360 = tpu.vector_load %arg13[%swap3A_358, %swap3A_359] {strides = array<i32>} : memref<80x128xf32, #tpu.memory_space<vmem>>, vector<1x16xf32>,
        %swap3A_361 = vector.shape_cast %swap3A_360 : vector<1x16xf32> to vector<16xf32>
        %swap3A_362 = vector.shape_cast %mul3A_355 : vector<16xf32> to vector<1x16xf32>
        tpu.vector_store %arg13[%swap3A_358, %swap3A_359], %swap3A_362 {strides = array<i32>} : memref<80x128xf32, #tpu.memory_space<vmem>>, vector<1x16xf32>,
        %add3A_363 = arith.constant 2 : i32
        %add3A_364 = arith.addi %mul3A_103, %add3A_363 : i32
        %get3A_365 = arith.index_cast %add3A_364 : i32 to index
        %get3A_366 = arith.constant 32 : index
        %get3A_367 = tpu.vector_load %arg13[%get3A_365, %get3A_366] {strides = array<i32>} : memref<80x128xf32, #tpu.memory_space<vmem>>, vector<1x16xf32>,
        %get3A_368 = vector.shape_cast %get3A_367 : vector<1x16xf32> to vector<16xf32>
        %mul3A_369 = arith.mulf %get3A_368, %broadcast_in_dim3A_334 : vector<16xf32>
        %add3A_370 = arith.constant 2 : i32
        %add3A_371 = arith.addi %mul3A_103, %add3A_370 : i32
        %swap3A_372 = arith.index_cast %add3A_371 : i32 to index
        %swap3A_373 = arith.constant 32 : index
        %swap3A_374 = tpu.vector_load %arg13[%swap3A_372, %swap3A_373] {strides = array<i32>} : memref<80x128xf32, #tpu.memory_space<vmem>>, vector<1x16xf32>,
        %swap3A_375 = vector.shape_cast %swap3A_374 : vector<1x16xf32> to vector<16xf32>
        %swap3A_376 = vector.shape_cast %mul3A_369 : vector<16xf32> to vector<1x16xf32>
        tpu.vector_store %arg13[%swap3A_372, %swap3A_373], %swap3A_376 {strides = array<i32>} : memref<80x128xf32, #tpu.memory_space<vmem>>, vector<1x16xf32>,
        %add3A_377 = arith.constant 2 : i32
        %add3A_378 = arith.addi %mul3A_103, %add3A_377 : i32
        %get3A_379 = arith.index_cast %add3A_378 : i32 to index
        %get3A_380 = arith.constant 48 : index
        %get3A_381 = tpu.vector_load %arg13[%get3A_379, %get3A_380] {strides = array<i32>} : memref<80x128xf32, #tpu.memory_space<vmem>>, vector<1x16xf32>,
        %get3A_382 = vector.shape_cast %get3A_381 : vector<1x16xf32> to vector<16xf32>
        %mul3A_383 = arith.mulf %get3A_382, %broadcast_in_dim3A_334 : vector<16xf32>
        %add3A_384 = arith.constant 2 : i32
        %add3A_385 = arith.addi %mul3A_103, %add3A_384 : i32
        %swap3A_386 = arith.index_cast %add3A_385 : i32 to index
        %swap3A_387 = arith.constant 48 : index
        %swap3A_388 = tpu.vector_load %arg13[%swap3A_386, %swap3A_387] {strides = array<i32>} : memref<80x128xf32, #tpu.memory_space<vmem>>, vector<1x16xf32>,
        %swap3A_389 = vector.shape_cast %swap3A_388 : vector<1x16xf32> to vector<16xf32>
        %swap3A_390 = vector.shape_cast %mul3A_383 : vector<16xf32> to vector<1x16xf32>
        tpu.vector_store %arg13[%swap3A_386, %swap3A_387], %swap3A_390 {strides = array<i32>} : memref<80x128xf32, #tpu.memory_space<vmem>>, vector<1x16xf32>,
        %add3A_391 = arith.constant 2 : i32
        %add3A_392 = arith.addi %mul3A_103, %add3A_391 : i32
        %get3A_393 = arith.index_cast %add3A_392 : i32 to index
        %get3A_394 = arith.constant 64 : index
        %get3A_395 = tpu.vector_load %arg13[%get3A_393, %get3A_394] {strides = array<i32>} : memref<80x128xf32, #tpu.memory_space<vmem>>, vector<1x16xf32>,
        %get3A_396 = vector.shape_cast %get3A_395 : vector<1x16xf32> to vector<16xf32>
        %mul3A_397 = arith.mulf %get3A_396, %broadcast_in_dim3A_334 : vector<16xf32>
        %add3A_398 = arith.constant 2 : i32
        %add3A_399 = arith.addi %mul3A_103, %add3A_398 : i32
        %swap3A_400 = arith.index_cast %add3A_399 : i32 to index
        %swap3A_401 = arith.constant 64 : index
        %swap3A_402 = tpu.vector_load %arg13[%swap3A_400, %swap3A_401] {strides = array<i32>} : memref<80x128xf32, #tpu.memory_space<vmem>>, vector<1x16xf32>,
        %swap3A_403 = vector.shape_cast %swap3A_402 : vector<1x16xf32> to vector<16xf32>
        %swap3A_404 = vector.shape_cast %mul3A_397 : vector<16xf32> to vector<1x16xf32>
        tpu.vector_store %arg13[%swap3A_400, %swap3A_401], %swap3A_404 {strides = array<i32>} : memref<80x128xf32, #tpu.memory_space<vmem>>, vector<1x16xf32>,
        %add3A_405 = arith.constant 2 : i32
        %add3A_406 = arith.addi %mul3A_103, %add3A_405 : i32
        %get3A_407 = arith.index_cast %add3A_406 : i32 to index
        %get3A_408 = arith.constant 80 : index
        %get3A_409 = tpu.vector_load %arg13[%get3A_407, %get3A_408] {strides = array<i32>} : memref<80x128xf32, #tpu.memory_space<vmem>>, vector<1x16xf32>,
        %get3A_410 = vector.shape_cast %get3A_409 : vector<1x16xf32> to vector<16xf32>
        %mul3A_411 = arith.mulf %get3A_410, %broadcast_in_dim3A_334 : vector<16xf32>
        %add3A_412 = arith.constant 2 : i32
        %add3A_413 = arith.addi %mul3A_103, %add3A_412 : i32
        %swap3A_414 = arith.index_cast %add3A_413 : i32 to index
        %swap3A_415 = arith.constant 80 : index
        %swap3A_416 = tpu.vector_load %arg13[%swap3A_414, %swap3A_415] {strides = array<i32>} : memref<80x128xf32, #tpu.memory_space<vmem>>, vector<1x16xf32>,
        %swap3A_417 = vector.shape_cast %swap3A_416 : vector<1x16xf32> to vector<16xf32>
        %swap3A_418 = vector.shape_cast %mul3A_411 : vector<16xf32> to vector<1x16xf32>
        tpu.vector_store %arg13[%swap3A_414, %swap3A_415], %swap3A_418 {strides = array<i32>} : memref<80x128xf32, #tpu.memory_space<vmem>>, vector<1x16xf32>,
        %add3A_419 = arith.constant 2 : i32
        %add3A_420 = arith.addi %mul3A_103, %add3A_419 : i32
        %get3A_421 = arith.index_cast %add3A_420 : i32 to index
        %get3A_422 = arith.constant 96 : index
        %get3A_423 = tpu.vector_load %arg13[%get3A_421, %get3A_422] {strides = array<i32>} : memref<80x128xf32, #tpu.memory_space<vmem>>, vector<1x16xf32>,
        %get3A_424 = vector.shape_cast %get3A_423 : vector<1x16xf32> to vector<16xf32>
        %mul3A_425 = arith.mulf %get3A_424, %broadcast_in_dim3A_334 : vector<16xf32>
        %add3A_426 = arith.constant 2 : i32
        %add3A_427 = arith.addi %mul3A_103, %add3A_426 : i32
        %swap3A_428 = arith.index_cast %add3A_427 : i32 to index
        %swap3A_429 = arith.constant 96 : index
        %swap3A_430 = tpu.vector_load %arg13[%swap3A_428, %swap3A_429] {strides = array<i32>} : memref<80x128xf32, #tpu.memory_space<vmem>>, vector<1x16xf32>,
        %swap3A_431 = vector.shape_cast %swap3A_430 : vector<1x16xf32> to vector<16xf32>
        %swap3A_432 = vector.shape_cast %mul3A_425 : vector<16xf32> to vector<1x16xf32>
        tpu.vector_store %arg13[%swap3A_428, %swap3A_429], %swap3A_432 {strides = array<i32>} : memref<80x128xf32, #tpu.memory_space<vmem>>, vector<1x16xf32>,
        %add3A_433 = arith.constant 2 : i32
        %add3A_434 = arith.addi %mul3A_103, %add3A_433 : i32
        %get3A_435 = arith.index_cast %add3A_434 : i32 to index
        %get3A_436 = arith.constant 112 : index
        %get3A_437 = tpu.vector_load %arg13[%get3A_435, %get3A_436] {strides = array<i32>} : memref<80x128xf32, #tpu.memory_space<vmem>>, vector<1x16xf32>,
        %get3A_438 = vector.shape_cast %get3A_437 : vector<1x16xf32> to vector<16xf32>
        %mul3A_439 = arith.mulf %get3A_438, %broadcast_in_dim3A_334 : vector<16xf32>
        %add3A_440 = arith.constant 2 : i32
        %add3A_441 = arith.addi %mul3A_103, %add3A_440 : i32
        %swap3A_442 = arith.index_cast %add3A_441 : i32 to index
        %swap3A_443 = arith.constant 112 : index
        %swap3A_444 = tpu.vector_load %arg13[%swap3A_442, %swap3A_443] {strides = array<i32>} : memref<80x128xf32, #tpu.memory_space<vmem>>, vector<1x16xf32>,
        %swap3A_445 = vector.shape_cast %swap3A_444 : vector<1x16xf32> to vector<16xf32>
        %swap3A_446 = vector.shape_cast %mul3A_439 : vector<16xf32> to vector<1x16xf32>
        tpu.vector_store %arg13[%swap3A_442, %swap3A_443], %swap3A_446 {strides = array<i32>} : memref<80x128xf32, #tpu.memory_space<vmem>>, vector<1x16xf32>,
        %slice3A_447 = vector.extract_strided_slice %get3A_81 {offsets = [3], sizes = [1], strides = [1]} : vector<16xf32> to vector<1xf32>
        %squeeze3A_448 = vector.extract %slice3A_447[0] : f32 from vector<1xf32>
        %broadcast_in_dim3A_449 = vector.broadcast %squeeze3A_448 : f32 to vector<16xf32>
        %add3A_450 = arith.constant 3 : i32
        %add3A_451 = arith.addi %mul3A_103, %add3A_450 : i32
        %get3A_452 = arith.index_cast %add3A_451 : i32 to index
        %get3A_453 = arith.constant 0 : index
        %get3A_454 = tpu.vector_load %arg13[%get3A_452, %get3A_453] {strides = array<i32>} : memref<80x128xf32, #tpu.memory_space<vmem>>, vector<1x16xf32>,
        %get3A_455 = vector.shape_cast %get3A_454 : vector<1x16xf32> to vector<16xf32>
        %mul3A_456 = arith.mulf %get3A_455, %broadcast_in_dim3A_449 : vector<16xf32>
        %add3A_457 = arith.constant 3 : i32
        %add3A_458 = arith.addi %mul3A_103, %add3A_457 : i32
        %swap3A_459 = arith.index_cast %add3A_458 : i32 to index
        %swap3A_460 = arith.constant 0 : index
        %swap3A_461 = tpu.vector_load %arg13[%swap3A_459, %swap3A_460] {strides = array<i32>} : memref<80x128xf32, #tpu.memory_space<vmem>>, vector<1x16xf32>,
        %swap3A_462 = vector.shape_cast %swap3A_461 : vector<1x16xf32> to vector<16xf32>
        %swap3A_463 = vector.shape_cast %mul3A_456 : vector<16xf32> to vector<1x16xf32>
        tpu.vector_store %arg13[%swap3A_459, %swap3A_460], %swap3A_463 {strides = array<i32>} : memref<80x128xf32, #tpu.memory_space<vmem>>, vector<1x16xf32>,
        %add3A_464 = arith.constant 3 : i32
        %add3A_465 = arith.addi %mul3A_103, %add3A_464 : i32
        %get3A_466 = arith.index_cast %add3A_465 : i32 to index
        %get3A_467 = arith.constant 16 : index
        %get3A_468 = tpu.vector_load %arg13[%get3A_466, %get3A_467] {strides = array<i32>} : memref<80x128xf32, #tpu.memory_space<vmem>>, vector<1x16xf32>,
        %get3A_469 = vector.shape_cast %get3A_468 : vector<1x16xf32> to vector<16xf32>
        %mul3A_470 = arith.mulf %get3A_469, %broadcast_in_dim3A_449 : vector<16xf32>
        %add3A_471 = arith.constant 3 : i32
        %add3A_472 = arith.addi %mul3A_103, %add3A_471 : i32
        %swap3A_473 = arith.index_cast %add3A_472 : i32 to index
        %swap3A_474 = arith.constant 16 : index
        %swap3A_475 = tpu.vector_load %arg13[%swap3A_473, %swap3A_474] {strides = array<i32>} : memref<80x128xf32, #tpu.memory_space<vmem>>, vector<1x16xf32>,
        %swap3A_476 = vector.shape_cast %swap3A_475 : vector<1x16xf32> to vector<16xf32>
        %swap3A_477 = vector.shape_cast %mul3A_470 : vector<16xf32> to vector<1x16xf32>
        tpu.vector_store %arg13[%swap3A_473, %swap3A_474], %swap3A_477 {strides = array<i32>} : memref<80x128xf32, #tpu.memory_space<vmem>>, vector<1x16xf32>,
        %add3A_478 = arith.constant 3 : i32
        %add3A_479 = arith.addi %mul3A_103, %add3A_478 : i32
        %get3A_480 = arith.index_cast %add3A_479 : i32 to index
        %get3A_481 = arith.constant 32 : index
        %get3A_482 = tpu.vector_load %arg13[%get3A_480, %get3A_481] {strides = array<i32>} : memref<80x128xf32, #tpu.memory_space<vmem>>, vector<1x16xf32>,
        %get3A_483 = vector.shape_cast %get3A_482 : vector<1x16xf32> to vector<16xf32>
        %mul3A_484 = arith.mulf %get3A_483, %broadcast_in_dim3A_449 : vector<16xf32>
        %add3A_485 = arith.constant 3 : i32
        %add3A_486 = arith.addi %mul3A_103, %add3A_485 : i32
        %swap3A_487 = arith.index_cast %add3A_486 : i32 to index
        %swap3A_488 = arith.constant 32 : index
        %swap3A_489 = tpu.vector_load %arg13[%swap3A_487, %swap3A_488] {strides = array<i32>} : memref<80x128xf32, #tpu.memory_space<vmem>>, vector<1x16xf32>,
        %swap3A_490 = vector.shape_cast %swap3A_489 : vector<1x16xf32> to vector<16xf32>
        %swap3A_491 = vector.shape_cast %mul3A_484 : vector<16xf32> to vector<1x16xf32>
        tpu.vector_store %arg13[%swap3A_487, %swap3A_488], %swap3A_491 {strides = array<i32>} : memref<80x128xf32, #tpu.memory_space<vmem>>, vector<1x16xf32>,
        %add3A_492 = arith.constant 3 : i32
        %add3A_493 = arith.addi %mul3A_103, %add3A_492 : i32
        %get3A_494 = arith.index_cast %add3A_493 : i32 to index
        %get3A_495 = arith.constant 48 : index
        %get3A_496 = tpu.vector_load %arg13[%get3A_494, %get3A_495] {strides = array<i32>} : memref<80x128xf32, #tpu.memory_space<vmem>>, vector<1x16xf32>,
        %get3A_497 = vector.shape_cast %get3A_496 : vector<1x16xf32> to vector<16xf32>
        %mul3A_498 = arith.mulf %get3A_497, %broadcast_in_dim3A_449 : vector<16xf32>
        %add3A_499 = arith.constant 3 : i32
        %add3A_500 = arith.addi %mul3A_103, %add3A_499 : i32
        %swap3A_501 = arith.index_cast %add3A_500 : i32 to index
        %swap3A_502 = arith.constant 48 : index
        %swap3A_503 = tpu.vector_load %arg13[%swap3A_501, %swap3A_502] {strides = array<i32>} : memref<80x128xf32, #tpu.memory_space<vmem>>, vector<1x16xf32>,
        %swap3A_504 = vector.shape_cast %swap3A_503 : vector<1x16xf32> to vector<16xf32>
        %swap3A_505 = vector.shape_cast %mul3A_498 : vector<16xf32> to vector<1x16xf32>
        tpu.vector_store %arg13[%swap3A_501, %swap3A_502], %swap3A_505 {strides = array<i32>} : memref<80x128xf32, #tpu.memory_space<vmem>>, vector<1x16xf32>,
        %add3A_506 = arith.constant 3 : i32
        %add3A_507 = arith.addi %mul3A_103, %add3A_506 : i32
        %get3A_508 = arith.index_cast %add3A_507 : i32 to index
        %get3A_509 = arith.constant 64 : index
        %get3A_510 = tpu.vector_load %arg13[%get3A_508, %get3A_509] {strides = array<i32>} : memref<80x128xf32, #tpu.memory_space<vmem>>, vector<1x16xf32>,
        %get3A_511 = vector.shape_cast %get3A_510 : vector<1x16xf32> to vector<16xf32>
        %mul3A_512 = arith.mulf %get3A_511, %broadcast_in_dim3A_449 : vector<16xf32>
        %add3A_513 = arith.constant 3 : i32
        %add3A_514 = arith.addi %mul3A_103, %add3A_513 : i32
        %swap3A_515 = arith.index_cast %add3A_514 : i32 to index
        %swap3A_516 = arith.constant 64 : index
        %swap3A_517 = tpu.vector_load %arg13[%swap3A_515, %swap3A_516] {strides = array<i32>} : memref<80x128xf32, #tpu.memory_space<vmem>>, vector<1x16xf32>,
        %swap3A_518 = vector.shape_cast %swap3A_517 : vector<1x16xf32> to vector<16xf32>
        %swap3A_519 = vector.shape_cast %mul3A_512 : vector<16xf32> to vector<1x16xf32>
        tpu.vector_store %arg13[%swap3A_515, %swap3A_516], %swap3A_519 {strides = array<i32>} : memref<80x128xf32, #tpu.memory_space<vmem>>, vector<1x16xf32>,
        %add3A_520 = arith.constant 3 : i32
        %add3A_521 = arith.addi %mul3A_103, %add3A_520 : i32
        %get3A_522 = arith.index_cast %add3A_521 : i32 to index
        %get3A_523 = arith.constant 80 : index
        %get3A_524 = tpu.vector_load %arg13[%get3A_522, %get3A_523] {strides = array<i32>} : memref<80x128xf32, #tpu.memory_space<vmem>>, vector<1x16xf32>,
        %get3A_525 = vector.shape_cast %get3A_524 : vector<1x16xf32> to vector<16xf32>
        %mul3A_526 = arith.mulf %get3A_525, %broadcast_in_dim3A_449 : vector<16xf32>
        %add3A_527 = arith.constant 3 : i32
        %add3A_528 = arith.addi %mul3A_103, %add3A_527 : i32
        %swap3A_529 = arith.index_cast %add3A_528 : i32 to index
        %swap3A_530 = arith.constant 80 : index
        %swap3A_531 = tpu.vector_load %arg13[%swap3A_529, %swap3A_530] {strides = array<i32>} : memref<80x128xf32, #tpu.memory_space<vmem>>, vector<1x16xf32>,
        %swap3A_532 = vector.shape_cast %swap3A_531 : vector<1x16xf32> to vector<16xf32>
        %swap3A_533 = vector.shape_cast %mul3A_526 : vector<16xf32> to vector<1x16xf32>
        tpu.vector_store %arg13[%swap3A_529, %swap3A_530], %swap3A_533 {strides = array<i32>} : memref<80x128xf32, #tpu.memory_space<vmem>>, vector<1x16xf32>,
        %add3A_534 = arith.constant 3 : i32
        %add3A_535 = arith.addi %mul3A_103, %add3A_534 : i32
        %get3A_536 = arith.index_cast %add3A_535 : i32 to index
        %get3A_537 = arith.constant 96 : index
        %get3A_538 = tpu.vector_load %arg13[%get3A_536, %get3A_537] {strides = array<i32>} : memref<80x128xf32, #tpu.memory_space<vmem>>, vector<1x16xf32>,
        %get3A_539 = vector.shape_cast %get3A_538 : vector<1x16xf32> to vector<16xf32>
        %mul3A_540 = arith.mulf %get3A_539, %broadcast_in_dim3A_449 : vector<16xf32>
        %add3A_541 = arith.constant 3 : i32
        %add3A_542 = arith.addi %mul3A_103, %add3A_541 : i32
        %swap3A_543 = arith.index_cast %add3A_542 : i32 to index
        %swap3A_544 = arith.constant 96 : index
        %swap3A_545 = tpu.vector_load %arg13[%swap3A_543, %swap3A_544] {strides = array<i32>} : memref<80x128xf32, #tpu.memory_space<vmem>>, vector<1x16xf32>,
        %swap3A_546 = vector.shape_cast %swap3A_545 : vector<1x16xf32> to vector<16xf32>
        %swap3A_547 = vector.shape_cast %mul3A_540 : vector<16xf32> to vector<1x16xf32>
        tpu.vector_store %arg13[%swap3A_543, %swap3A_544], %swap3A_547 {strides = array<i32>} : memref<80x128xf32, #tpu.memory_space<vmem>>, vector<1x16xf32>,
        %add3A_548 = arith.constant 3 : i32
        %add3A_549 = arith.addi %mul3A_103, %add3A_548 : i32
        %get3A_550 = arith.index_cast %add3A_549 : i32 to index
        %get3A_551 = arith.constant 112 : index
        %get3A_552 = tpu.vector_load %arg13[%get3A_550, %get3A_551] {strides = array<i32>} : memref<80x128xf32, #tpu.memory_space<vmem>>, vector<1x16xf32>,
        %get3A_553 = vector.shape_cast %get3A_552 : vector<1x16xf32> to vector<16xf32>
        %mul3A_554 = arith.mulf %get3A_553, %broadcast_in_dim3A_449 : vector<16xf32>
        %add3A_555 = arith.constant 3 : i32
        %add3A_556 = arith.addi %mul3A_103, %add3A_555 : i32
        %swap3A_557 = arith.index_cast %add3A_556 : i32 to index
        %swap3A_558 = arith.constant 112 : index
        %swap3A_559 = tpu.vector_load %arg13[%swap3A_557, %swap3A_558] {strides = array<i32>} : memref<80x128xf32, #tpu.memory_space<vmem>>, vector<1x16xf32>,
        %swap3A_560 = vector.shape_cast %swap3A_559 : vector<1x16xf32> to vector<16xf32>
        %swap3A_561 = vector.shape_cast %mul3A_554 : vector<16xf32> to vector<1x16xf32>
        tpu.vector_store %arg13[%swap3A_557, %swap3A_558], %swap3A_561 {strides = array<i32>} : memref<80x128xf32, #tpu.memory_space<vmem>>, vector<1x16xf32>,
        %slice3A_562 = vector.extract_strided_slice %get3A_81 {offsets = [4], sizes = [1], strides = [1]} : vector<16xf32> to vector<1xf32>
        %squeeze3A_563 = vector.extract %slice3A_562[0] : f32 from vector<1xf32>
        %broadcast_in_dim3A_564 = vector.broadcast %squeeze3A_563 : f32 to vector<16xf32>
        %add3A_565 = arith.constant 4 : i32
        %add3A_566 = arith.addi %mul3A_103, %add3A_565 : i32
        %get3A_567 = arith.index_cast %add3A_566 : i32 to index
        %get3A_568 = arith.constant 0 : index
        %get3A_569 = tpu.vector_load %arg13[%get3A_567, %get3A_568] {strides = array<i32>} : memref<80x128xf32, #tpu.memory_space<vmem>>, vector<1x16xf32>,
        %get3A_570 = vector.shape_cast %get3A_569 : vector<1x16xf32> to vector<16xf32>
        %mul3A_571 = arith.mulf %get3A_570, %broadcast_in_dim3A_564 : vector<16xf32>
        %add3A_572 = arith.constant 4 : i32
        %add3A_573 = arith.addi %mul3A_103, %add3A_572 : i32
        %swap3A_574 = arith.index_cast %add3A_573 : i32 to index
        %swap3A_575 = arith.constant 0 : index
        %swap3A_576 = tpu.vector_load %arg13[%swap3A_574, %swap3A_575] {strides = array<i32>} : memref<80x128xf32, #tpu.memory_space<vmem>>, vector<1x16xf32>,
        %swap3A_577 = vector.shape_cast %swap3A_576 : vector<1x16xf32> to vector<16xf32>
        %swap3A_578 = vector.shape_cast %mul3A_571 : vector<16xf32> to vector<1x16xf32>
        tpu.vector_store %arg13[%swap3A_574, %swap3A_575], %swap3A_578 {strides = array<i32>} : memref<80x128xf32, #tpu.memory_space<vmem>>, vector<1x16xf32>,
        %add3A_579 = arith.constant 4 : i32
        %add3A_580 = arith.addi %mul3A_103, %add3A_579 : i32
        %get3A_581 = arith.index_cast %add3A_580 : i32 to index
        %get3A_582 = arith.constant 16 : index
        %get3A_583 = tpu.vector_load %arg13[%get3A_581, %get3A_582] {strides = array<i32>} : memref<80x128xf32, #tpu.memory_space<vmem>>, vector<1x16xf32>,
        %get3A_584 = vector.shape_cast %get3A_583 : vector<1x16xf32> to vector<16xf32>
        %mul3A_585 = arith.mulf %get3A_584, %broadcast_in_dim3A_564 : vector<16xf32>
        %add3A_586 = arith.constant 4 : i32
        %add3A_587 = arith.addi %mul3A_103, %add3A_586 : i32
        %swap3A_588 = arith.index_cast %add3A_587 : i32 to index
        %swap3A_589 = arith.constant 16 : index
        %swap3A_590 = tpu.vector_load %arg13[%swap3A_588, %swap3A_589] {strides = array<i32>} : memref<80x128xf32, #tpu.memory_space<vmem>>, vector<1x16xf32>,
        %swap3A_591 = vector.shape_cast %swap3A_590 : vector<1x16xf32> to vector<16xf32>
        %swap3A_592 = vector.shape_cast %mul3A_585 : vector<16xf32> to vector<1x16xf32>
        tpu.vector_store %arg13[%swap3A_588, %swap3A_589], %swap3A_592 {strides = array<i32>} : memref<80x128xf32, #tpu.memory_space<vmem>>, vector<1x16xf32>,
        %add3A_593 = arith.constant 4 : i32
        %add3A_594 = arith.addi %mul3A_103, %add3A_593 : i32
        %get3A_595 = arith.index_cast %add3A_594 : i32 to index
        %get3A_596 = arith.constant 32 : index
        %get3A_597 = tpu.vector_load %arg13[%get3A_595, %get3A_596] {strides = array<i32>} : memref<80x128xf32, #tpu.memory_space<vmem>>, vector<1x16xf32>,
        %get3A_598 = vector.shape_cast %get3A_597 : vector<1x16xf32> to vector<16xf32>
        %mul3A_599 = arith.mulf %get3A_598, %broadcast_in_dim3A_564 : vector<16xf32>
        %add3A_600 = arith.constant 4 : i32
        %add3A_601 = arith.addi %mul3A_103, %add3A_600 : i32
        %swap3A_602 = arith.index_cast %add3A_601 : i32 to index
        %swap3A_603 = arith.constant 32 : index
        %swap3A_604 = tpu.vector_load %arg13[%swap3A_602, %swap3A_603] {strides = array<i32>} : memref<80x128xf32, #tpu.memory_space<vmem>>, vector<1x16xf32>,
        %swap3A_605 = vector.shape_cast %swap3A_604 : vector<1x16xf32> to vector<16xf32>
        %swap3A_606 = vector.shape_cast %mul3A_599 : vector<16xf32> to vector<1x16xf32>
        tpu.vector_store %arg13[%swap3A_602, %swap3A_603], %swap3A_606 {strides = array<i32>} : memref<80x128xf32, #tpu.memory_space<vmem>>, vector<1x16xf32>,
        %add3A_607 = arith.constant 4 : i32
        %add3A_608 = arith.addi %mul3A_103, %add3A_607 : i32
        %get3A_609 = arith.index_cast %add3A_608 : i32 to index
        %get3A_610 = arith.constant 48 : index
        %get3A_611 = tpu.vector_load %arg13[%get3A_609, %get3A_610] {strides = array<i32>} : memref<80x128xf32, #tpu.memory_space<vmem>>, vector<1x16xf32>,
        %get3A_612 = vector.shape_cast %get3A_611 : vector<1x16xf32> to vector<16xf32>
        %mul3A_613 = arith.mulf %get3A_612, %broadcast_in_dim3A_564 : vector<16xf32>
        %add3A_614 = arith.constant 4 : i32
        %add3A_615 = arith.addi %mul3A_103, %add3A_614 : i32
        %swap3A_616 = arith.index_cast %add3A_615 : i32 to index
        %swap3A_617 = arith.constant 48 : index
        %swap3A_618 = tpu.vector_load %arg13[%swap3A_616, %swap3A_617] {strides = array<i32>} : memref<80x128xf32, #tpu.memory_space<vmem>>, vector<1x16xf32>,
        %swap3A_619 = vector.shape_cast %swap3A_618 : vector<1x16xf32> to vector<16xf32>
        %swap3A_620 = vector.shape_cast %mul3A_613 : vector<16xf32> to vector<1x16xf32>
        tpu.vector_store %arg13[%swap3A_616, %swap3A_617], %swap3A_620 {strides = array<i32>} : memref<80x128xf32, #tpu.memory_space<vmem>>, vector<1x16xf32>,
        %add3A_621 = arith.constant 4 : i32
        %add3A_622 = arith.addi %mul3A_103, %add3A_621 : i32
        %get3A_623 = arith.index_cast %add3A_622 : i32 to index
        %get3A_624 = arith.constant 64 : index
        %get3A_625 = tpu.vector_load %arg13[%get3A_623, %get3A_624] {strides = array<i32>} : memref<80x128xf32, #tpu.memory_space<vmem>>, vector<1x16xf32>,
        %get3A_626 = vector.shape_cast %get3A_625 : vector<1x16xf32> to vector<16xf32>
        %mul3A_627 = arith.mulf %get3A_626, %broadcast_in_dim3A_564 : vector<16xf32>
        %add3A_628 = arith.constant 4 : i32
        %add3A_629 = arith.addi %mul3A_103, %add3A_628 : i32
        %swap3A_630 = arith.index_cast %add3A_629 : i32 to index
        %swap3A_631 = arith.constant 64 : index
        %swap3A_632 = tpu.vector_load %arg13[%swap3A_630, %swap3A_631] {strides = array<i32>} : memref<80x128xf32, #tpu.memory_space<vmem>>, vector<1x16xf32>,
        %swap3A_633 = vector.shape_cast %swap3A_632 : vector<1x16xf32> to vector<16xf32>
        %swap3A_634 = vector.shape_cast %mul3A_627 : vector<16xf32> to vector<1x16xf32>
        tpu.vector_store %arg13[%swap3A_630, %swap3A_631], %swap3A_634 {strides = array<i32>} : memref<80x128xf32, #tpu.memory_space<vmem>>, vector<1x16xf32>,
        %add3A_635 = arith.constant 4 : i32
        %add3A_636 = arith.addi %mul3A_103, %add3A_635 : i32
        %get3A_637 = arith.index_cast %add3A_636 : i32 to index
        %get3A_638 = arith.constant 80 : index
        %get3A_639 = tpu.vector_load %arg13[%get3A_637, %get3A_638] {strides = array<i32>} : memref<80x128xf32, #tpu.memory_space<vmem>>, vector<1x16xf32>,
        %get3A_640 = vector.shape_cast %get3A_639 : vector<1x16xf32> to vector<16xf32>
        %mul3A_641 = arith.mulf %get3A_640, %broadcast_in_dim3A_564 : vector<16xf32>
        %add3A_642 = arith.constant 4 : i32
        %add3A_643 = arith.addi %mul3A_103, %add3A_642 : i32
        %swap3A_644 = arith.index_cast %add3A_643 : i32 to index
        %swap3A_645 = arith.constant 80 : index
        %swap3A_646 = tpu.vector_load %arg13[%swap3A_644, %swap3A_645] {strides = array<i32>} : memref<80x128xf32, #tpu.memory_space<vmem>>, vector<1x16xf32>,
        %swap3A_647 = vector.shape_cast %swap3A_646 : vector<1x16xf32> to vector<16xf32>
        %swap3A_648 = vector.shape_cast %mul3A_641 : vector<16xf32> to vector<1x16xf32>
        tpu.vector_store %arg13[%swap3A_644, %swap3A_645], %swap3A_648 {strides = array<i32>} : memref<80x128xf32, #tpu.memory_space<vmem>>, vector<1x16xf32>,
        %add3A_649 = arith.constant 4 : i32
        %add3A_650 = arith.addi %mul3A_103, %add3A_649 : i32
        %get3A_651 = arith.index_cast %add3A_650 : i32 to index
        %get3A_652 = arith.constant 96 : index
        %get3A_653 = tpu.vector_load %arg13[%get3A_651, %get3A_652] {strides = array<i32>} : memref<80x128xf32, #tpu.memory_space<vmem>>, vector<1x16xf32>,
        %get3A_654 = vector.shape_cast %get3A_653 : vector<1x16xf32> to vector<16xf32>
        %mul3A_655 = arith.mulf %get3A_654, %broadcast_in_dim3A_564 : vector<16xf32>
        %add3A_656 = arith.constant 4 : i32
        %add3A_657 = arith.addi %mul3A_103, %add3A_656 : i32
        %swap3A_658 = arith.index_cast %add3A_657 : i32 to index
        %swap3A_659 = arith.constant 96 : index
        %swap3A_660 = tpu.vector_load %arg13[%swap3A_658, %swap3A_659] {strides = array<i32>} : memref<80x128xf32, #tpu.memory_space<vmem>>, vector<1x16xf32>,
        %swap3A_661 = vector.shape_cast %swap3A_660 : vector<1x16xf32> to vector<16xf32>
        %swap3A_662 = vector.shape_cast %mul3A_655 : vector<16xf32> to vector<1x16xf32>
        tpu.vector_store %arg13[%swap3A_658, %swap3A_659], %swap3A_662 {strides = array<i32>} : memref<80x128xf32, #tpu.memory_space<vmem>>, vector<1x16xf32>,
        %add3A_663 = arith.constant 4 : i32
        %add3A_664 = arith.addi %mul3A_103, %add3A_663 : i32
        %get3A_665 = arith.index_cast %add3A_664 : i32 to index
        %get3A_666 = arith.constant 112 : index
        %get3A_667 = tpu.vector_load %arg13[%get3A_665, %get3A_666] {strides = array<i32>} : memref<80x128xf32, #tpu.memory_space<vmem>>, vector<1x16xf32>,
        %get3A_668 = vector.shape_cast %get3A_667 : vector<1x16xf32> to vector<16xf32>
        %mul3A_669 = arith.mulf %get3A_668, %broadcast_in_dim3A_564 : vector<16xf32>
        %add3A_670 = arith.constant 4 : i32
        %add3A_671 = arith.addi %mul3A_103, %add3A_670 : i32
        %swap3A_672 = arith.index_cast %add3A_671 : i32 to index
        %swap3A_673 = arith.constant 112 : index
        %swap3A_674 = tpu.vector_load %arg13[%swap3A_672, %swap3A_673] {strides = array<i32>} : memref<80x128xf32, #tpu.memory_space<vmem>>, vector<1x16xf32>,
        %swap3A_675 = vector.shape_cast %swap3A_674 : vector<1x16xf32> to vector<16xf32>
        %swap3A_676 = vector.shape_cast %mul3A_669 : vector<16xf32> to vector<1x16xf32>
        tpu.vector_store %arg13[%swap3A_672, %swap3A_673], %swap3A_676 {strides = array<i32>} : memref<80x128xf32, #tpu.memory_space<vmem>>, vector<1x16xf32>,
        %slice3A_677 = vector.extract_strided_slice %get3A_81 {offsets = [5], sizes = [1], strides = [1]} : vector<16xf32> to vector<1xf32>
        %squeeze3A_678 = vector.extract %slice3A_677[0] : f32 from vector<1xf32>
        %broadcast_in_dim3A_679 = vector.broadcast %squeeze3A_678 : f32 to vector<16xf32>
        %add3A_680 = arith.constant 5 : i32
        %add3A_681 = arith.addi %mul3A_103, %add3A_680 : i32
        %get3A_682 = arith.index_cast %add3A_681 : i32 to index
        %get3A_683 = arith.constant 0 : index
        %get3A_684 = tpu.vector_load %arg13[%get3A_682, %get3A_683] {strides = array<i32>} : memref<80x128xf32, #tpu.memory_space<vmem>>, vector<1x16xf32>,
        %get3A_685 = vector.shape_cast %get3A_684 : vector<1x16xf32> to vector<16xf32>
        %mul3A_686 = arith.mulf %get3A_685, %broadcast_in_dim3A_679 : vector<16xf32>
        %add3A_687 = arith.constant 5 : i32
        %add3A_688 = arith.addi %mul3A_103, %add3A_687 : i32
        %swap3A_689 = arith.index_cast %add3A_688 : i32 to index
        %swap3A_690 = arith.constant 0 : index
        %swap3A_691 = tpu.vector_load %arg13[%swap3A_689, %swap3A_690] {strides = array<i32>} : memref<80x128xf32, #tpu.memory_space<vmem>>, vector<1x16xf32>,
        %swap3A_692 = vector.shape_cast %swap3A_691 : vector<1x16xf32> to vector<16xf32>
        %swap3A_693 = vector.shape_cast %mul3A_686 : vector<16xf32> to vector<1x16xf32>
        tpu.vector_store %arg13[%swap3A_689, %swap3A_690], %swap3A_693 {strides = array<i32>} : memref<80x128xf32, #tpu.memory_space<vmem>>, vector<1x16xf32>,
        %add3A_694 = arith.constant 5 : i32
        %add3A_695 = arith.addi %mul3A_103, %add3A_694 : i32
        %get3A_696 = arith.index_cast %add3A_695 : i32 to index
        %get3A_697 = arith.constant 16 : index
        %get3A_698 = tpu.vector_load %arg13[%get3A_696, %get3A_697] {strides = array<i32>} : memref<80x128xf32, #tpu.memory_space<vmem>>, vector<1x16xf32>,
        %get3A_699 = vector.shape_cast %get3A_698 : vector<1x16xf32> to vector<16xf32>
        %mul3A_700 = arith.mulf %get3A_699, %broadcast_in_dim3A_679 : vector<16xf32>
        %add3A_701 = arith.constant 5 : i32
        %add3A_702 = arith.addi %mul3A_103, %add3A_701 : i32
        %swap3A_703 = arith.index_cast %add3A_702 : i32 to index
        %swap3A_704 = arith.constant 16 : index
        %swap3A_705 = tpu.vector_load %arg13[%swap3A_703, %swap3A_704] {strides = array<i32>} : memref<80x128xf32, #tpu.memory_space<vmem>>, vector<1x16xf32>,
        %swap3A_706 = vector.shape_cast %swap3A_705 : vector<1x16xf32> to vector<16xf32>
        %swap3A_707 = vector.shape_cast %mul3A_700 : vector<16xf32> to vector<1x16xf32>
        tpu.vector_store %arg13[%swap3A_703, %swap3A_704], %swap3A_707 {strides = array<i32>} : memref<80x128xf32, #tpu.memory_space<vmem>>, vector<1x16xf32>,
        %add3A_708 = arith.constant 5 : i32
        %add3A_709 = arith.addi %mul3A_103, %add3A_708 : i32
        %get3A_710 = arith.index_cast %add3A_709 : i32 to index
        %get3A_711 = arith.constant 32 : index
        %get3A_712 = tpu.vector_load %arg13[%get3A_710, %get3A_711] {strides = array<i32>} : memref<80x128xf32, #tpu.memory_space<vmem>>, vector<1x16xf32>,
        %get3A_713 = vector.shape_cast %get3A_712 : vector<1x16xf32> to vector<16xf32>
        %mul3A_714 = arith.mulf %get3A_713, %broadcast_in_dim3A_679 : vector<16xf32>
        %add3A_715 = arith.constant 5 : i32
        %add3A_716 = arith.addi %mul3A_103, %add3A_715 : i32
        %swap3A_717 = arith.index_cast %add3A_716 : i32 to index
        %swap3A_718 = arith.constant 32 : index
        %swap3A_719 = tpu.vector_load %arg13[%swap3A_717, %swap3A_718] {strides = array<i32>} : memref<80x128xf32, #tpu.memory_space<vmem>>, vector<1x16xf32>,
        %swap3A_720 = vector.shape_cast %swap3A_719 : vector<1x16xf32> to vector<16xf32>
        %swap3A_721 = vector.shape_cast %mul3A_714 : vector<16xf32> to vector<1x16xf32>
        tpu.vector_store %arg13[%swap3A_717, %swap3A_718], %swap3A_721 {strides = array<i32>} : memref<80x128xf32, #tpu.memory_space<vmem>>, vector<1x16xf32>,
        %add3A_722 = arith.constant 5 : i32
        %add3A_723 = arith.addi %mul3A_103, %add3A_722 : i32
        %get3A_724 = arith.index_cast %add3A_723 : i32 to index
        %get3A_725 = arith.constant 48 : index
        %get3A_726 = tpu.vector_load %arg13[%get3A_724, %get3A_725] {strides = array<i32>} : memref<80x128xf32, #tpu.memory_space<vmem>>, vector<1x16xf32>,
        %get3A_727 = vector.shape_cast %get3A_726 : vector<1x16xf32> to vector<16xf32>
        %mul3A_728 = arith.mulf %get3A_727, %broadcast_in_dim3A_679 : vector<16xf32>
        %add3A_729 = arith.constant 5 : i32
        %add3A_730 = arith.addi %mul3A_103, %add3A_729 : i32
        %swap3A_731 = arith.index_cast %add3A_730 : i32 to index
        %swap3A_732 = arith.constant 48 : index
        %swap3A_733 = tpu.vector_load %arg13[%swap3A_731, %swap3A_732] {strides = array<i32>} : memref<80x128xf32, #tpu.memory_space<vmem>>, vector<1x16xf32>,
        %swap3A_734 = vector.shape_cast %swap3A_733 : vector<1x16xf32> to vector<16xf32>
        %swap3A_735 = vector.shape_cast %mul3A_728 : vector<16xf32> to vector<1x16xf32>
        tpu.vector_store %arg13[%swap3A_731, %swap3A_732], %swap3A_735 {strides = array<i32>} : memref<80x128xf32, #tpu.memory_space<vmem>>, vector<1x16xf32>,
        %add3A_736 = arith.constant 5 : i32
        %add3A_737 = arith.addi %mul3A_103, %add3A_736 : i32
        %get3A_738 = arith.index_cast %add3A_737 : i32 to index
        %get3A_739 = arith.constant 64 : index
        %get3A_740 = tpu.vector_load %arg13[%get3A_738, %get3A_739] {strides = array<i32>} : memref<80x128xf32, #tpu.memory_space<vmem>>, vector<1x16xf32>,
        %get3A_741 = vector.shape_cast %get3A_740 : vector<1x16xf32> to vector<16xf32>
        %mul3A_742 = arith.mulf %get3A_741, %broadcast_in_dim3A_679 : vector<16xf32>
        %add3A_743 = arith.constant 5 : i32
        %add3A_744 = arith.addi %mul3A_103, %add3A_743 : i32
        %swap3A_745 = arith.index_cast %add3A_744 : i32 to index
        %swap3A_746 = arith.constant 64 : index
        %swap3A_747 = tpu.vector_load %arg13[%swap3A_745, %swap3A_746] {strides = array<i32>} : memref<80x128xf32, #tpu.memory_space<vmem>>, vector<1x16xf32>,
        %swap3A_748 = vector.shape_cast %swap3A_747 : vector<1x16xf32> to vector<16xf32>
        %swap3A_749 = vector.shape_cast %mul3A_742 : vector<16xf32> to vector<1x16xf32>
        tpu.vector_store %arg13[%swap3A_745, %swap3A_746], %swap3A_749 {strides = array<i32>} : memref<80x128xf32, #tpu.memory_space<vmem>>, vector<1x16xf32>,
        %add3A_750 = arith.constant 5 : i32
        %add3A_751 = arith.addi %mul3A_103, %add3A_750 : i32
        %get3A_752 = arith.index_cast %add3A_751 : i32 to index
        %get3A_753 = arith.constant 80 : index
        %get3A_754 = tpu.vector_load %arg13[%get3A_752, %get3A_753] {strides = array<i32>} : memref<80x128xf32, #tpu.memory_space<vmem>>, vector<1x16xf32>,
        %get3A_755 = vector.shape_cast %get3A_754 : vector<1x16xf32> to vector<16xf32>
        %mul3A_756 = arith.mulf %get3A_755, %broadcast_in_dim3A_679 : vector<16xf32>
        %add3A_757 = arith.constant 5 : i32
        %add3A_758 = arith.addi %mul3A_103, %add3A_757 : i32
        %swap3A_759 = arith.index_cast %add3A_758 : i32 to index
        %swap3A_760 = arith.constant 80 : index
        %swap3A_761 = tpu.vector_load %arg13[%swap3A_759, %swap3A_760] {strides = array<i32>} : memref<80x128xf32, #tpu.memory_space<vmem>>, vector<1x16xf32>,
        %swap3A_762 = vector.shape_cast %swap3A_761 : vector<1x16xf32> to vector<16xf32>
        %swap3A_763 = vector.shape_cast %mul3A_756 : vector<16xf32> to vector<1x16xf32>
        tpu.vector_store %arg13[%swap3A_759, %swap3A_760], %swap3A_763 {strides = array<i32>} : memref<80x128xf32, #tpu.memory_space<vmem>>, vector<1x16xf32>,
        %add3A_764 = arith.constant 5 : i32
        %add3A_765 = arith.addi %mul3A_103, %add3A_764 : i32
        %get3A_766 = arith.index_cast %add3A_765 : i32 to index
        %get3A_767 = arith.constant 96 : index
        %get3A_768 = tpu.vector_load %arg13[%get3A_766, %get3A_767] {strides = array<i32>} : memref<80x128xf32, #tpu.memory_space<vmem>>, vector<1x16xf32>,
        %get3A_769 = vector.shape_cast %get3A_768 : vector<1x16xf32> to vector<16xf32>
        %mul3A_770 = arith.mulf %get3A_769, %broadcast_in_dim3A_679 : vector<16xf32>
        %add3A_771 = arith.constant 5 : i32
        %add3A_772 = arith.addi %mul3A_103, %add3A_771 : i32
        %swap3A_773 = arith.index_cast %add3A_772 : i32 to index
        %swap3A_774 = arith.constant 96 : index
        %swap3A_775 = tpu.vector_load %arg13[%swap3A_773, %swap3A_774] {strides = array<i32>} : memref<80x128xf32, #tpu.memory_space<vmem>>, vector<1x16xf32>,
        %swap3A_776 = vector.shape_cast %swap3A_775 : vector<1x16xf32> to vector<16xf32>
        %swap3A_777 = vector.shape_cast %mul3A_770 : vector<16xf32> to vector<1x16xf32>
        tpu.vector_store %arg13[%swap3A_773, %swap3A_774], %swap3A_777 {strides = array<i32>} : memref<80x128xf32, #tpu.memory_space<vmem>>, vector<1x16xf32>,
        %add3A_778 = arith.constant 5 : i32
        %add3A_779 = arith.addi %mul3A_103, %add3A_778 : i32
        %get3A_780 = arith.index_cast %add3A_779 : i32 to index
        %get3A_781 = arith.constant 112 : index
        %get3A_782 = tpu.vector_load %arg13[%get3A_780, %get3A_781] {strides = array<i32>} : memref<80x128xf32, #tpu.memory_space<vmem>>, vector<1x16xf32>,
        %get3A_783 = vector.shape_cast %get3A_782 : vector<1x16xf32> to vector<16xf32>
        %mul3A_784 = arith.mulf %get3A_783, %broadcast_in_dim3A_679 : vector<16xf32>
        %add3A_785 = arith.constant 5 : i32
        %add3A_786 = arith.addi %mul3A_103, %add3A_785 : i32
        %swap3A_787 = arith.index_cast %add3A_786 : i32 to index
        %swap3A_788 = arith.constant 112 : index
        %swap3A_789 = tpu.vector_load %arg13[%swap3A_787, %swap3A_788] {strides = array<i32>} : memref<80x128xf32, #tpu.memory_space<vmem>>, vector<1x16xf32>,
        %swap3A_790 = vector.shape_cast %swap3A_789 : vector<1x16xf32> to vector<16xf32>
        %swap3A_791 = vector.shape_cast %mul3A_784 : vector<16xf32> to vector<1x16xf32>
        tpu.vector_store %arg13[%swap3A_787, %swap3A_788], %swap3A_791 {strides = array<i32>} : memref<80x128xf32, #tpu.memory_space<vmem>>, vector<1x16xf32>,
        %slice3A_792 = vector.extract_strided_slice %get3A_81 {offsets = [6], sizes = [1], strides = [1]} : vector<16xf32> to vector<1xf32>
        %squeeze3A_793 = vector.extract %slice3A_792[0] : f32 from vector<1xf32>
        %broadcast_in_dim3A_794 = vector.broadcast %squeeze3A_793 : f32 to vector<16xf32>
        %add3A_795 = arith.constant 6 : i32
        %add3A_796 = arith.addi %mul3A_103, %add3A_795 : i32
        %get3A_797 = arith.index_cast %add3A_796 : i32 to index
        %get3A_798 = arith.constant 0 : index
        %get3A_799 = tpu.vector_load %arg13[%get3A_797, %get3A_798] {strides = array<i32>} : memref<80x128xf32, #tpu.memory_space<vmem>>, vector<1x16xf32>,
        %get3A_800 = vector.shape_cast %get3A_799 : vector<1x16xf32> to vector<16xf32>
        %mul3A_801 = arith.mulf %get3A_800, %broadcast_in_dim3A_794 : vector<16xf32>
        %add3A_802 = arith.constant 6 : i32
        %add3A_803 = arith.addi %mul3A_103, %add3A_802 : i32
        %swap3A_804 = arith.index_cast %add3A_803 : i32 to index
        %swap3A_805 = arith.constant 0 : index
        %swap3A_806 = tpu.vector_load %arg13[%swap3A_804, %swap3A_805] {strides = array<i32>} : memref<80x128xf32, #tpu.memory_space<vmem>>, vector<1x16xf32>,
        %swap3A_807 = vector.shape_cast %swap3A_806 : vector<1x16xf32> to vector<16xf32>
        %swap3A_808 = vector.shape_cast %mul3A_801 : vector<16xf32> to vector<1x16xf32>
        tpu.vector_store %arg13[%swap3A_804, %swap3A_805], %swap3A_808 {strides = array<i32>} : memref<80x128xf32, #tpu.memory_space<vmem>>, vector<1x16xf32>,
        %add3A_809 = arith.constant 6 : i32
        %add3A_810 = arith.addi %mul3A_103, %add3A_809 : i32
        %get3A_811 = arith.index_cast %add3A_810 : i32 to index
        %get3A_812 = arith.constant 16 : index
        %get3A_813 = tpu.vector_load %arg13[%get3A_811, %get3A_812] {strides = array<i32>} : memref<80x128xf32, #tpu.memory_space<vmem>>, vector<1x16xf32>,
        %get3A_814 = vector.shape_cast %get3A_813 : vector<1x16xf32> to vector<16xf32>
        %mul3A_815 = arith.mulf %get3A_814, %broadcast_in_dim3A_794 : vector<16xf32>
        %add3A_816 = arith.constant 6 : i32
        %add3A_817 = arith.addi %mul3A_103, %add3A_816 : i32
        %swap3A_818 = arith.index_cast %add3A_817 : i32 to index
        %swap3A_819 = arith.constant 16 : index
        %swap3A_820 = tpu.vector_load %arg13[%swap3A_818, %swap3A_819] {strides = array<i32>} : memref<80x128xf32, #tpu.memory_space<vmem>>, vector<1x16xf32>,
        %swap3A_821 = vector.shape_cast %swap3A_820 : vector<1x16xf32> to vector<16xf32>
        %swap3A_822 = vector.shape_cast %mul3A_815 : vector<16xf32> to vector<1x16xf32>
        tpu.vector_store %arg13[%swap3A_818, %swap3A_819], %swap3A_822 {strides = array<i32>} : memref<80x128xf32, #tpu.memory_space<vmem>>, vector<1x16xf32>,
        %add3A_823 = arith.constant 6 : i32
        %add3A_824 = arith.addi %mul3A_103, %add3A_823 : i32
        %get3A_825 = arith.index_cast %add3A_824 : i32 to index
        %get3A_826 = arith.constant 32 : index
        %get3A_827 = tpu.vector_load %arg13[%get3A_825, %get3A_826] {strides = array<i32>} : memref<80x128xf32, #tpu.memory_space<vmem>>, vector<1x16xf32>,
        %get3A_828 = vector.shape_cast %get3A_827 : vector<1x16xf32> to vector<16xf32>
        %mul3A_829 = arith.mulf %get3A_828, %broadcast_in_dim3A_794 : vector<16xf32>
        %add3A_830 = arith.constant 6 : i32
        %add3A_831 = arith.addi %mul3A_103, %add3A_830 : i32
        %swap3A_832 = arith.index_cast %add3A_831 : i32 to index
        %swap3A_833 = arith.constant 32 : index
        %swap3A_834 = tpu.vector_load %arg13[%swap3A_832, %swap3A_833] {strides = array<i32>} : memref<80x128xf32, #tpu.memory_space<vmem>>, vector<1x16xf32>,
        %swap3A_835 = vector.shape_cast %swap3A_834 : vector<1x16xf32> to vector<16xf32>
        %swap3A_836 = vector.shape_cast %mul3A_829 : vector<16xf32> to vector<1x16xf32>
        tpu.vector_store %arg13[%swap3A_832, %swap3A_833], %swap3A_836 {strides = array<i32>} : memref<80x128xf32, #tpu.memory_space<vmem>>, vector<1x16xf32>,
        %add3A_837 = arith.constant 6 : i32
        %add3A_838 = arith.addi %mul3A_103, %add3A_837 : i32
        %get3A_839 = arith.index_cast %add3A_838 : i32 to index
        %get3A_840 = arith.constant 48 : index
        %get3A_841 = tpu.vector_load %arg13[%get3A_839, %get3A_840] {strides = array<i32>} : memref<80x128xf32, #tpu.memory_space<vmem>>, vector<1x16xf32>,
        %get3A_842 = vector.shape_cast %get3A_841 : vector<1x16xf32> to vector<16xf32>
        %mul3A_843 = arith.mulf %get3A_842, %broadcast_in_dim3A_794 : vector<16xf32>
        %add3A_844 = arith.constant 6 : i32
        %add3A_845 = arith.addi %mul3A_103, %add3A_844 : i32
        %swap3A_846 = arith.index_cast %add3A_845 : i32 to index
        %swap3A_847 = arith.constant 48 : index
        %swap3A_848 = tpu.vector_load %arg13[%swap3A_846, %swap3A_847] {strides = array<i32>} : memref<80x128xf32, #tpu.memory_space<vmem>>, vector<1x16xf32>,
        %swap3A_849 = vector.shape_cast %swap3A_848 : vector<1x16xf32> to vector<16xf32>
        %swap3A_850 = vector.shape_cast %mul3A_843 : vector<16xf32> to vector<1x16xf32>
        tpu.vector_store %arg13[%swap3A_846, %swap3A_847], %swap3A_850 {strides = array<i32>} : memref<80x128xf32, #tpu.memory_space<vmem>>, vector<1x16xf32>,
        %add3A_851 = arith.constant 6 : i32
        %add3A_852 = arith.addi %mul3A_103, %add3A_851 : i32
        %get3A_853 = arith.index_cast %add3A_852 : i32 to index
        %get3A_854 = arith.constant 64 : index
        %get3A_855 = tpu.vector_load %arg13[%get3A_853, %get3A_854] {strides = array<i32>} : memref<80x128xf32, #tpu.memory_space<vmem>>, vector<1x16xf32>,
        %get3A_856 = vector.shape_cast %get3A_855 : vector<1x16xf32> to vector<16xf32>
        %mul3A_857 = arith.mulf %get3A_856, %broadcast_in_dim3A_794 : vector<16xf32>
        %add3A_858 = arith.constant 6 : i32
        %add3A_859 = arith.addi %mul3A_103, %add3A_858 : i32
        %swap3A_860 = arith.index_cast %add3A_859 : i32 to index
        %swap3A_861 = arith.constant 64 : index
        %swap3A_862 = tpu.vector_load %arg13[%swap3A_860, %swap3A_861] {strides = array<i32>} : memref<80x128xf32, #tpu.memory_space<vmem>>, vector<1x16xf32>,
        %swap3A_863 = vector.shape_cast %swap3A_862 : vector<1x16xf32> to vector<16xf32>
        %swap3A_864 = vector.shape_cast %mul3A_857 : vector<16xf32> to vector<1x16xf32>
        tpu.vector_store %arg13[%swap3A_860, %swap3A_861], %swap3A_864 {strides = array<i32>} : memref<80x128xf32, #tpu.memory_space<vmem>>, vector<1x16xf32>,
        %add3A_865 = arith.constant 6 : i32
        %add3A_866 = arith.addi %mul3A_103, %add3A_865 : i32
        %get3A_867 = arith.index_cast %add3A_866 : i32 to index
        %get3A_868 = arith.constant 80 : index
        %get3A_869 = tpu.vector_load %arg13[%get3A_867, %get3A_868] {strides = array<i32>} : memref<80x128xf32, #tpu.memory_space<vmem>>, vector<1x16xf32>,
        %get3A_870 = vector.shape_cast %get3A_869 : vector<1x16xf32> to vector<16xf32>
        %mul3A_871 = arith.mulf %get3A_870, %broadcast_in_dim3A_794 : vector<16xf32>
        %add3A_872 = arith.constant 6 : i32
        %add3A_873 = arith.addi %mul3A_103, %add3A_872 : i32
        %swap3A_874 = arith.index_cast %add3A_873 : i32 to index
        %swap3A_875 = arith.constant 80 : index
        %swap3A_876 = tpu.vector_load %arg13[%swap3A_874, %swap3A_875] {strides = array<i32>} : memref<80x128xf32, #tpu.memory_space<vmem>>, vector<1x16xf32>,
        %swap3A_877 = vector.shape_cast %swap3A_876 : vector<1x16xf32> to vector<16xf32>
        %swap3A_878 = vector.shape_cast %mul3A_871 : vector<16xf32> to vector<1x16xf32>
        tpu.vector_store %arg13[%swap3A_874, %swap3A_875], %swap3A_878 {strides = array<i32>} : memref<80x128xf32, #tpu.memory_space<vmem>>, vector<1x16xf32>,
        %add3A_879 = arith.constant 6 : i32
        %add3A_880 = arith.addi %mul3A_103, %add3A_879 : i32
        %get3A_881 = arith.index_cast %add3A_880 : i32 to index
        %get3A_882 = arith.constant 96 : index
        %get3A_883 = tpu.vector_load %arg13[%get3A_881, %get3A_882] {strides = array<i32>} : memref<80x128xf32, #tpu.memory_space<vmem>>, vector<1x16xf32>,
        %get3A_884 = vector.shape_cast %get3A_883 : vector<1x16xf32> to vector<16xf32>
        %mul3A_885 = arith.mulf %get3A_884, %broadcast_in_dim3A_794 : vector<16xf32>
        %add3A_886 = arith.constant 6 : i32
        %add3A_887 = arith.addi %mul3A_103, %add3A_886 : i32
        %swap3A_888 = arith.index_cast %add3A_887 : i32 to index
        %swap3A_889 = arith.constant 96 : index
        %swap3A_890 = tpu.vector_load %arg13[%swap3A_888, %swap3A_889] {strides = array<i32>} : memref<80x128xf32, #tpu.memory_space<vmem>>, vector<1x16xf32>,
        %swap3A_891 = vector.shape_cast %swap3A_890 : vector<1x16xf32> to vector<16xf32>
        %swap3A_892 = vector.shape_cast %mul3A_885 : vector<16xf32> to vector<1x16xf32>
        tpu.vector_store %arg13[%swap3A_888, %swap3A_889], %swap3A_892 {strides = array<i32>} : memref<80x128xf32, #tpu.memory_space<vmem>>, vector<1x16xf32>,
        %add3A_893 = arith.constant 6 : i32
        %add3A_894 = arith.addi %mul3A_103, %add3A_893 : i32
        %get3A_895 = arith.index_cast %add3A_894 : i32 to index
        %get3A_896 = arith.constant 112 : index
        %get3A_897 = tpu.vector_load %arg13[%get3A_895, %get3A_896] {strides = array<i32>} : memref<80x128xf32, #tpu.memory_space<vmem>>, vector<1x16xf32>,
        %get3A_898 = vector.shape_cast %get3A_897 : vector<1x16xf32> to vector<16xf32>
        %mul3A_899 = arith.mulf %get3A_898, %broadcast_in_dim3A_794 : vector<16xf32>
        %add3A_900 = arith.constant 6 : i32
        %add3A_901 = arith.addi %mul3A_103, %add3A_900 : i32
        %swap3A_902 = arith.index_cast %add3A_901 : i32 to index
        %swap3A_903 = arith.constant 112 : index
        %swap3A_904 = tpu.vector_load %arg13[%swap3A_902, %swap3A_903] {strides = array<i32>} : memref<80x128xf32, #tpu.memory_space<vmem>>, vector<1x16xf32>,
        %swap3A_905 = vector.shape_cast %swap3A_904 : vector<1x16xf32> to vector<16xf32>
        %swap3A_906 = vector.shape_cast %mul3A_899 : vector<16xf32> to vector<1x16xf32>
        tpu.vector_store %arg13[%swap3A_902, %swap3A_903], %swap3A_906 {strides = array<i32>} : memref<80x128xf32, #tpu.memory_space<vmem>>, vector<1x16xf32>,
        %slice3A_907 = vector.extract_strided_slice %get3A_81 {offsets = [7], sizes = [1], strides = [1]} : vector<16xf32> to vector<1xf32>
        %squeeze3A_908 = vector.extract %slice3A_907[0] : f32 from vector<1xf32>
        %broadcast_in_dim3A_909 = vector.broadcast %squeeze3A_908 : f32 to vector<16xf32>
        %add3A_910 = arith.constant 7 : i32
        %add3A_911 = arith.addi %mul3A_103, %add3A_910 : i32
        %get3A_912 = arith.index_cast %add3A_911 : i32 to index
        %get3A_913 = arith.constant 0 : index
        %get3A_914 = tpu.vector_load %arg13[%get3A_912, %get3A_913] {strides = array<i32>} : memref<80x128xf32, #tpu.memory_space<vmem>>, vector<1x16xf32>,
        %get3A_915 = vector.shape_cast %get3A_914 : vector<1x16xf32> to vector<16xf32>
        %mul3A_916 = arith.mulf %get3A_915, %broadcast_in_dim3A_909 : vector<16xf32>
        %add3A_917 = arith.constant 7 : i32
        %add3A_918 = arith.addi %mul3A_103, %add3A_917 : i32
        %swap3A_919 = arith.index_cast %add3A_918 : i32 to index
        %swap3A_920 = arith.constant 0 : index
        %swap3A_921 = tpu.vector_load %arg13[%swap3A_919, %swap3A_920] {strides = array<i32>} : memref<80x128xf32, #tpu.memory_space<vmem>>, vector<1x16xf32>,
        %swap3A_922 = vector.shape_cast %swap3A_921 : vector<1x16xf32> to vector<16xf32>
        %swap3A_923 = vector.shape_cast %mul3A_916 : vector<16xf32> to vector<1x16xf32>
        tpu.vector_store %arg13[%swap3A_919, %swap3A_920], %swap3A_923 {strides = array<i32>} : memref<80x128xf32, #tpu.memory_space<vmem>>, vector<1x16xf32>,
        %add3A_924 = arith.constant 7 : i32
        %add3A_925 = arith.addi %mul3A_103, %add3A_924 : i32
        %get3A_926 = arith.index_cast %add3A_925 : i32 to index
        %get3A_927 = arith.constant 16 : index
        %get3A_928 = tpu.vector_load %arg13[%get3A_926, %get3A_927] {strides = array<i32>} : memref<80x128xf32, #tpu.memory_space<vmem>>, vector<1x16xf32>,
        %get3A_929 = vector.shape_cast %get3A_928 : vector<1x16xf32> to vector<16xf32>
        %mul3A_930 = arith.mulf %get3A_929, %broadcast_in_dim3A_909 : vector<16xf32>
        %add3A_931 = arith.constant 7 : i32
        %add3A_932 = arith.addi %mul3A_103, %add3A_931 : i32
        %swap3A_933 = arith.index_cast %add3A_932 : i32 to index
        %swap3A_934 = arith.constant 16 : index
        %swap3A_935 = tpu.vector_load %arg13[%swap3A_933, %swap3A_934] {strides = array<i32>} : memref<80x128xf32, #tpu.memory_space<vmem>>, vector<1x16xf32>,
        %swap3A_936 = vector.shape_cast %swap3A_935 : vector<1x16xf32> to vector<16xf32>
        %swap3A_937 = vector.shape_cast %mul3A_930 : vector<16xf32> to vector<1x16xf32>
        tpu.vector_store %arg13[%swap3A_933, %swap3A_934], %swap3A_937 {strides = array<i32>} : memref<80x128xf32, #tpu.memory_space<vmem>>, vector<1x16xf32>,
        %add3A_938 = arith.constant 7 : i32
        %add3A_939 = arith.addi %mul3A_103, %add3A_938 : i32
        %get3A_940 = arith.index_cast %add3A_939 : i32 to index
        %get3A_941 = arith.constant 32 : index
        %get3A_942 = tpu.vector_load %arg13[%get3A_940, %get3A_941] {strides = array<i32>} : memref<80x128xf32, #tpu.memory_space<vmem>>, vector<1x16xf32>,
        %get3A_943 = vector.shape_cast %get3A_942 : vector<1x16xf32> to vector<16xf32>
        %mul3A_944 = arith.mulf %get3A_943, %broadcast_in_dim3A_909 : vector<16xf32>
        %add3A_945 = arith.constant 7 : i32
        %add3A_946 = arith.addi %mul3A_103, %add3A_945 : i32
        %swap3A_947 = arith.index_cast %add3A_946 : i32 to index
        %swap3A_948 = arith.constant 32 : index
        %swap3A_949 = tpu.vector_load %arg13[%swap3A_947, %swap3A_948] {strides = array<i32>} : memref<80x128xf32, #tpu.memory_space<vmem>>, vector<1x16xf32>,
        %swap3A_950 = vector.shape_cast %swap3A_949 : vector<1x16xf32> to vector<16xf32>
        %swap3A_951 = vector.shape_cast %mul3A_944 : vector<16xf32> to vector<1x16xf32>
        tpu.vector_store %arg13[%swap3A_947, %swap3A_948], %swap3A_951 {strides = array<i32>} : memref<80x128xf32, #tpu.memory_space<vmem>>, vector<1x16xf32>,
        %add3A_952 = arith.constant 7 : i32
        %add3A_953 = arith.addi %mul3A_103, %add3A_952 : i32
        %get3A_954 = arith.index_cast %add3A_953 : i32 to index
        %get3A_955 = arith.constant 48 : index
        %get3A_956 = tpu.vector_load %arg13[%get3A_954, %get3A_955] {strides = array<i32>} : memref<80x128xf32, #tpu.memory_space<vmem>>, vector<1x16xf32>,
        %get3A_957 = vector.shape_cast %get3A_956 : vector<1x16xf32> to vector<16xf32>
        %mul3A_958 = arith.mulf %get3A_957, %broadcast_in_dim3A_909 : vector<16xf32>
        %add3A_959 = arith.constant 7 : i32
        %add3A_960 = arith.addi %mul3A_103, %add3A_959 : i32
        %swap3A_961 = arith.index_cast %add3A_960 : i32 to index
        %swap3A_962 = arith.constant 48 : index
        %swap3A_963 = tpu.vector_load %arg13[%swap3A_961, %swap3A_962] {strides = array<i32>} : memref<80x128xf32, #tpu.memory_space<vmem>>, vector<1x16xf32>,
        %swap3A_964 = vector.shape_cast %swap3A_963 : vector<1x16xf32> to vector<16xf32>
        %swap3A_965 = vector.shape_cast %mul3A_958 : vector<16xf32> to vector<1x16xf32>
        tpu.vector_store %arg13[%swap3A_961, %swap3A_962], %swap3A_965 {strides = array<i32>} : memref<80x128xf32, #tpu.memory_space<vmem>>, vector<1x16xf32>,
        %add3A_966 = arith.constant 7 : i32
        %add3A_967 = arith.addi %mul3A_103, %add3A_966 : i32
        %get3A_968 = arith.index_cast %add3A_967 : i32 to index
        %get3A_969 = arith.constant 64 : index
        %get3A_970 = tpu.vector_load %arg13[%get3A_968, %get3A_969] {strides = array<i32>} : memref<80x128xf32, #tpu.memory_space<vmem>>, vector<1x16xf32>,
        %get3A_971 = vector.shape_cast %get3A_970 : vector<1x16xf32> to vector<16xf32>
        %mul3A_972 = arith.mulf %get3A_971, %broadcast_in_dim3A_909 : vector<16xf32>
        %add3A_973 = arith.constant 7 : i32
        %add3A_974 = arith.addi %mul3A_103, %add3A_973 : i32
        %swap3A_975 = arith.index_cast %add3A_974 : i32 to index
        %swap3A_976 = arith.constant 64 : index
        %swap3A_977 = tpu.vector_load %arg13[%swap3A_975, %swap3A_976] {strides = array<i32>} : memref<80x128xf32, #tpu.memory_space<vmem>>, vector<1x16xf32>,
        %swap3A_978 = vector.shape_cast %swap3A_977 : vector<1x16xf32> to vector<16xf32>
        %swap3A_979 = vector.shape_cast %mul3A_972 : vector<16xf32> to vector<1x16xf32>
        tpu.vector_store %arg13[%swap3A_975, %swap3A_976], %swap3A_979 {strides = array<i32>} : memref<80x128xf32, #tpu.memory_space<vmem>>, vector<1x16xf32>,
        %add3A_980 = arith.constant 7 : i32
        %add3A_981 = arith.addi %mul3A_103, %add3A_980 : i32
        %get3A_982 = arith.index_cast %add3A_981 : i32 to index
        %get3A_983 = arith.constant 80 : index
        %get3A_984 = tpu.vector_load %arg13[%get3A_982, %get3A_983] {strides = array<i32>} : memref<80x128xf32, #tpu.memory_space<vmem>>, vector<1x16xf32>,
        %get3A_985 = vector.shape_cast %get3A_984 : vector<1x16xf32> to vector<16xf32>
        %mul3A_986 = arith.mulf %get3A_985, %broadcast_in_dim3A_909 : vector<16xf32>
        %add3A_987 = arith.constant 7 : i32
        %add3A_988 = arith.addi %mul3A_103, %add3A_987 : i32
        %swap3A_989 = arith.index_cast %add3A_988 : i32 to index
        %swap3A_990 = arith.constant 80 : index
        %swap3A_991 = tpu.vector_load %arg13[%swap3A_989, %swap3A_990] {strides = array<i32>} : memref<80x128xf32, #tpu.memory_space<vmem>>, vector<1x16xf32>,
        %swap3A_992 = vector.shape_cast %swap3A_991 : vector<1x16xf32> to vector<16xf32>
        %swap3A_993 = vector.shape_cast %mul3A_986 : vector<16xf32> to vector<1x16xf32>
        tpu.vector_store %arg13[%swap3A_989, %swap3A_990], %swap3A_993 {strides = array<i32>} : memref<80x128xf32, #tpu.memory_space<vmem>>, vector<1x16xf32>,
        %add3A_994 = arith.constant 7 : i32
        %add3A_995 = arith.addi %mul3A_103, %add3A_994 : i32
        %get3A_996 = arith.index_cast %add3A_995 : i32 to index
        %get3A_997 = arith.constant 96 : index
        %get3A_998 = tpu.vector_load %arg13[%get3A_996, %get3A_997] {strides = array<i32>} : memref<80x128xf32, #tpu.memory_space<vmem>>, vector<1x16xf32>,
        %get3A_999 = vector.shape_cast %get3A_998 : vector<1x16xf32> to vector<16xf32>
        %mul3A_1000 = arith.mulf %get3A_999, %broadcast_in_dim3A_909 : vector<16xf32>
        %add3A_1001 = arith.constant 7 : i32
        %add3A_1002 = arith.addi %mul3A_103, %add3A_1001 : i32
        %swap3A_1003 = arith.index_cast %add3A_1002 : i32 to index
        %swap3A_1004 = arith.constant 96 : index
        %swap3A_1005 = tpu.vector_load %arg13[%swap3A_1003, %swap3A_1004] {strides = array<i32>} : memref<80x128xf32, #tpu.memory_space<vmem>>, vector<1x16xf32>,
        %swap3A_1006 = vector.shape_cast %swap3A_1005 : vector<1x16xf32> to vector<16xf32>
        %swap3A_1007 = vector.shape_cast %mul3A_1000 : vector<16xf32> to vector<1x16xf32>
        tpu.vector_store %arg13[%swap3A_1003, %swap3A_1004], %swap3A_1007 {strides = array<i32>} : memref<80x128xf32, #tpu.memory_space<vmem>>, vector<1x16xf32>,
        %add3A_1008 = arith.constant 7 : i32
        %add3A_1009 = arith.addi %mul3A_103, %add3A_1008 : i32
        %get3A_1010 = arith.index_cast %add3A_1009 : i32 to index
        %get3A_1011 = arith.constant 112 : index
        %get3A_1012 = tpu.vector_load %arg13[%get3A_1010, %get3A_1011] {strides = array<i32>} : memref<80x128xf32, #tpu.memory_space<vmem>>, vector<1x16xf32>,
        %get3A_1013 = vector.shape_cast %get3A_1012 : vector<1x16xf32> to vector<16xf32>
        %mul3A_1014 = arith.mulf %get3A_1013, %broadcast_in_dim3A_909 : vector<16xf32>
        %add3A_1015 = arith.constant 7 : i32
        %add3A_1016 = arith.addi %mul3A_103, %add3A_1015 : i32
        %swap3A_1017 = arith.index_cast %add3A_1016 : i32 to index
        %swap3A_1018 = arith.constant 112 : index
        %swap3A_1019 = tpu.vector_load %arg13[%swap3A_1017, %swap3A_1018] {strides = array<i32>} : memref<80x128xf32, #tpu.memory_space<vmem>>, vector<1x16xf32>,
        %swap3A_1020 = vector.shape_cast %swap3A_1019 : vector<1x16xf32> to vector<16xf32>
        %swap3A_1021 = vector.shape_cast %mul3A_1014 : vector<16xf32> to vector<1x16xf32>
        tpu.vector_store %arg13[%swap3A_1017, %swap3A_1018], %swap3A_1021 {strides = array<i32>} : memref<80x128xf32, #tpu.memory_space<vmem>>, vector<1x16xf32>,
        %slice3A_1022 = vector.extract_strided_slice %get3A_81 {offsets = [8], sizes = [1], strides = [1]} : vector<16xf32> to vector<1xf32>
        %squeeze3A_1023 = vector.extract %slice3A_1022[0] : f32 from vector<1xf32>
        %broadcast_in_dim3A_1024 = vector.broadcast %squeeze3A_1023 : f32 to vector<16xf32>
        %add3A_1025 = arith.constant 8 : i32
        %add3A_1026 = arith.addi %mul3A_103, %add3A_1025 : i32
        %get3A_1027 = arith.index_cast %add3A_1026 : i32 to index
        %get3A_1028 = arith.constant 0 : index
        %get3A_1029 = tpu.vector_load %arg13[%get3A_1027, %get3A_1028] {strides = array<i32>} : memref<80x128xf32, #tpu.memory_space<vmem>>, vector<1x16xf32>,
        %get3A_1030 = vector.shape_cast %get3A_1029 : vector<1x16xf32> to vector<16xf32>
        %mul3A_1031 = arith.mulf %get3A_1030, %broadcast_in_dim3A_1024 : vector<16xf32>
        %add3A_1032 = arith.constant 8 : i32
        %add3A_1033 = arith.addi %mul3A_103, %add3A_1032 : i32
        %swap3A_1034 = arith.index_cast %add3A_1033 : i32 to index
        %swap3A_1035 = arith.constant 0 : index
        %swap3A_1036 = tpu.vector_load %arg13[%swap3A_1034, %swap3A_1035] {strides = array<i32>} : memref<80x128xf32, #tpu.memory_space<vmem>>, vector<1x16xf32>,
        %swap3A_1037 = vector.shape_cast %swap3A_1036 : vector<1x16xf32> to vector<16xf32>
        %swap3A_1038 = vector.shape_cast %mul3A_1031 : vector<16xf32> to vector<1x16xf32>
        tpu.vector_store %arg13[%swap3A_1034, %swap3A_1035], %swap3A_1038 {strides = array<i32>} : memref<80x128xf32, #tpu.memory_space<vmem>>, vector<1x16xf32>,
        %add3A_1039 = arith.constant 8 : i32
        %add3A_1040 = arith.addi %mul3A_103, %add3A_1039 : i32
        %get3A_1041 = arith.index_cast %add3A_1040 : i32 to index
        %get3A_1042 = arith.constant 16 : index
        %get3A_1043 = tpu.vector_load %arg13[%get3A_1041, %get3A_1042] {strides = array<i32>} : memref<80x128xf32, #tpu.memory_space<vmem>>, vector<1x16xf32>,
        %get3A_1044 = vector.shape_cast %get3A_1043 : vector<1x16xf32> to vector<16xf32>
        %mul3A_1045 = arith.mulf %get3A_1044, %broadcast_in_dim3A_1024 : vector<16xf32>
        %add3A_1046 = arith.constant 8 : i32
        %add3A_1047 = arith.addi %mul3A_103, %add3A_1046 : i32
        %swap3A_1048 = arith.index_cast %add3A_1047 : i32 to index
        %swap3A_1049 = arith.constant 16 : index
        %swap3A_1050 = tpu.vector_load %arg13[%swap3A_1048, %swap3A_1049] {strides = array<i32>} : memref<80x128xf32, #tpu.memory_space<vmem>>, vector<1x16xf32>,
        %swap3A_1051 = vector.shape_cast %swap3A_1050 : vector<1x16xf32> to vector<16xf32>
        %swap3A_1052 = vector.shape_cast %mul3A_1045 : vector<16xf32> to vector<1x16xf32>
        tpu.vector_store %arg13[%swap3A_1048, %swap3A_1049], %swap3A_1052 {strides = array<i32>} : memref<80x128xf32, #tpu.memory_space<vmem>>, vector<1x16xf32>,
        %add3A_1053 = arith.constant 8 : i32
        %add3A_1054 = arith.addi %mul3A_103, %add3A_1053 : i32
        %get3A_1055 = arith.index_cast %add3A_1054 : i32 to index
        %get3A_1056 = arith.constant 32 : index
        %get3A_1057 = tpu.vector_load %arg13[%get3A_1055, %get3A_1056] {strides = array<i32>} : memref<80x128xf32, #tpu.memory_space<vmem>>, vector<1x16xf32>,
        %get3A_1058 = vector.shape_cast %get3A_1057 : vector<1x16xf32> to vector<16xf32>
        %mul3A_1059 = arith.mulf %get3A_1058, %broadcast_in_dim3A_1024 : vector<16xf32>
        %add3A_1060 = arith.constant 8 : i32
        %add3A_1061 = arith.addi %mul3A_103, %add3A_1060 : i32
        %swap3A_1062 = arith.index_cast %add3A_1061 : i32 to index
        %swap3A_1063 = arith.constant 32 : index
        %swap3A_1064 = tpu.vector_load %arg13[%swap3A_1062, %swap3A_1063] {strides = array<i32>} : memref<80x128xf32, #tpu.memory_space<vmem>>, vector<1x16xf32>,
        %swap3A_1065 = vector.shape_cast %swap3A_1064 : vector<1x16xf32> to vector<16xf32>
        %swap3A_1066 = vector.shape_cast %mul3A_1059 : vector<16xf32> to vector<1x16xf32>
        tpu.vector_store %arg13[%swap3A_1062, %swap3A_1063], %swap3A_1066 {strides = array<i32>} : memref<80x128xf32, #tpu.memory_space<vmem>>, vector<1x16xf32>,
        %add3A_1067 = arith.constant 8 : i32
        %add3A_1068 = arith.addi %mul3A_103, %add3A_1067 : i32
        %get3A_1069 = arith.index_cast %add3A_1068 : i32 to index
        %get3A_1070 = arith.constant 48 : index
        %get3A_1071 = tpu.vector_load %arg13[%get3A_1069, %get3A_1070] {strides = array<i32>} : memref<80x128xf32, #tpu.memory_space<vmem>>, vector<1x16xf32>,
        %get3A_1072 = vector.shape_cast %get3A_1071 : vector<1x16xf32> to vector<16xf32>
        %mul3A_1073 = arith.mulf %get3A_1072, %broadcast_in_dim3A_1024 : vector<16xf32>
        %add3A_1074 = arith.constant 8 : i32
        %add3A_1075 = arith.addi %mul3A_103, %add3A_1074 : i32
        %swap3A_1076 = arith.index_cast %add3A_1075 : i32 to index
        %swap3A_1077 = arith.constant 48 : index
        %swap3A_1078 = tpu.vector_load %arg13[%swap3A_1076, %swap3A_1077] {strides = array<i32>} : memref<80x128xf32, #tpu.memory_space<vmem>>, vector<1x16xf32>,
        %swap3A_1079 = vector.shape_cast %swap3A_1078 : vector<1x16xf32> to vector<16xf32>
        %swap3A_1080 = vector.shape_cast %mul3A_1073 : vector<16xf32> to vector<1x16xf32>
        tpu.vector_store %arg13[%swap3A_1076, %swap3A_1077], %swap3A_1080 {strides = array<i32>} : memref<80x128xf32, #tpu.memory_space<vmem>>, vector<1x16xf32>,
        %add3A_1081 = arith.constant 8 : i32
        %add3A_1082 = arith.addi %mul3A_103, %add3A_1081 : i32
        %get3A_1083 = arith.index_cast %add3A_1082 : i32 to index
        %get3A_1084 = arith.constant 64 : index
        %get3A_1085 = tpu.vector_load %arg13[%get3A_1083, %get3A_1084] {strides = array<i32>} : memref<80x128xf32, #tpu.memory_space<vmem>>, vector<1x16xf32>,
        %get3A_1086 = vector.shape_cast %get3A_1085 : vector<1x16xf32> to vector<16xf32>
        %mul3A_1087 = arith.mulf %get3A_1086, %broadcast_in_dim3A_1024 : vector<16xf32>
        %add3A_1088 = arith.constant 8 : i32
        %add3A_1089 = arith.addi %mul3A_103, %add3A_1088 : i32
        %swap3A_1090 = arith.index_cast %add3A_1089 : i32 to index
        %swap3A_1091 = arith.constant 64 : index
        %swap3A_1092 = tpu.vector_load %arg13[%swap3A_1090, %swap3A_1091] {strides = array<i32>} : memref<80x128xf32, #tpu.memory_space<vmem>>, vector<1x16xf32>,
        %swap3A_1093 = vector.shape_cast %swap3A_1092 : vector<1x16xf32> to vector<16xf32>
        %swap3A_1094 = vector.shape_cast %mul3A_1087 : vector<16xf32> to vector<1x16xf32>
        tpu.vector_store %arg13[%swap3A_1090, %swap3A_1091], %swap3A_1094 {strides = array<i32>} : memref<80x128xf32, #tpu.memory_space<vmem>>, vector<1x16xf32>,
        %add3A_1095 = arith.constant 8 : i32
        %add3A_1096 = arith.addi %mul3A_103, %add3A_1095 : i32
        %get3A_1097 = arith.index_cast %add3A_1096 : i32 to index
        %get3A_1098 = arith.constant 80 : index
        %get3A_1099 = tpu.vector_load %arg13[%get3A_1097, %get3A_1098] {strides = array<i32>} : memref<80x128xf32, #tpu.memory_space<vmem>>, vector<1x16xf32>,
        %get3A_1100 = vector.shape_cast %get3A_1099 : vector<1x16xf32> to vector<16xf32>
        %mul3A_1101 = arith.mulf %get3A_1100, %broadcast_in_dim3A_1024 : vector<16xf32>
        %add3A_1102 = arith.constant 8 : i32
        %add3A_1103 = arith.addi %mul3A_103, %add3A_1102 : i32
        %swap3A_1104 = arith.index_cast %add3A_1103 : i32 to index
        %swap3A_1105 = arith.constant 80 : index
        %swap3A_1106 = tpu.vector_load %arg13[%swap3A_1104, %swap3A_1105] {strides = array<i32>} : memref<80x128xf32, #tpu.memory_space<vmem>>, vector<1x16xf32>,
        %swap3A_1107 = vector.shape_cast %swap3A_1106 : vector<1x16xf32> to vector<16xf32>
        %swap3A_1108 = vector.shape_cast %mul3A_1101 : vector<16xf32> to vector<1x16xf32>
        tpu.vector_store %arg13[%swap3A_1104, %swap3A_1105], %swap3A_1108 {strides = array<i32>} : memref<80x128xf32, #tpu.memory_space<vmem>>, vector<1x16xf32>,
        %add3A_1109 = arith.constant 8 : i32
        %add3A_1110 = arith.addi %mul3A_103, %add3A_1109 : i32
        %get3A_1111 = arith.index_cast %add3A_1110 : i32 to index
        %get3A_1112 = arith.constant 96 : index
        %get3A_1113 = tpu.vector_load %arg13[%get3A_1111, %get3A_1112] {strides = array<i32>} : memref<80x128xf32, #tpu.memory_space<vmem>>, vector<1x16xf32>,
        %get3A_1114 = vector.shape_cast %get3A_1113 : vector<1x16xf32> to vector<16xf32>
        %mul3A_1115 = arith.mulf %get3A_1114, %broadcast_in_dim3A_1024 : vector<16xf32>
        %add3A_1116 = arith.constant 8 : i32
        %add3A_1117 = arith.addi %mul3A_103, %add3A_1116 : i32
        %swap3A_1118 = arith.index_cast %add3A_1117 : i32 to index
        %swap3A_1119 = arith.constant 96 : index
        %swap3A_1120 = tpu.vector_load %arg13[%swap3A_1118, %swap3A_1119] {strides = array<i32>} : memref<80x128xf32, #tpu.memory_space<vmem>>, vector<1x16xf32>,
        %swap3A_1121 = vector.shape_cast %swap3A_1120 : vector<1x16xf32> to vector<16xf32>
        %swap3A_1122 = vector.shape_cast %mul3A_1115 : vector<16xf32> to vector<1x16xf32>
        tpu.vector_store %arg13[%swap3A_1118, %swap3A_1119], %swap3A_1122 {strides = array<i32>} : memref<80x128xf32, #tpu.memory_space<vmem>>, vector<1x16xf32>,
        %add3A_1123 = arith.constant 8 : i32
        %add3A_1124 = arith.addi %mul3A_103, %add3A_1123 : i32
        %get3A_1125 = arith.index_cast %add3A_1124 : i32 to index
        %get3A_1126 = arith.constant 112 : index
        %get3A_1127 = tpu.vector_load %arg13[%get3A_1125, %get3A_1126] {strides = array<i32>} : memref<80x128xf32, #tpu.memory_space<vmem>>, vector<1x16xf32>,
        %get3A_1128 = vector.shape_cast %get3A_1127 : vector<1x16xf32> to vector<16xf32>
        %mul3A_1129 = arith.mulf %get3A_1128, %broadcast_in_dim3A_1024 : vector<16xf32>
        %add3A_1130 = arith.constant 8 : i32
        %add3A_1131 = arith.addi %mul3A_103, %add3A_1130 : i32
        %swap3A_1132 = arith.index_cast %add3A_1131 : i32 to index
        %swap3A_1133 = arith.constant 112 : index
        %swap3A_1134 = tpu.vector_load %arg13[%swap3A_1132, %swap3A_1133] {strides = array<i32>} : memref<80x128xf32, #tpu.memory_space<vmem>>, vector<1x16xf32>,
        %swap3A_1135 = vector.shape_cast %swap3A_1134 : vector<1x16xf32> to vector<16xf32>
        %swap3A_1136 = vector.shape_cast %mul3A_1129 : vector<16xf32> to vector<1x16xf32>
        tpu.vector_store %arg13[%swap3A_1132, %swap3A_1133], %swap3A_1136 {strides = array<i32>} : memref<80x128xf32, #tpu.memory_space<vmem>>, vector<1x16xf32>,
        %slice3A_1137 = vector.extract_strided_slice %get3A_81 {offsets = [9], sizes = [1], strides = [1]} : vector<16xf32> to vector<1xf32>
        %squeeze3A_1138 = vector.extract %slice3A_1137[0] : f32 from vector<1xf32>
        %broadcast_in_dim3A_1139 = vector.broadcast %squeeze3A_1138 : f32 to vector<16xf32>
        %add3A_1140 = arith.constant 9 : i32
        %add3A_1141 = arith.addi %mul3A_103, %add3A_1140 : i32
        %get3A_1142 = arith.index_cast %add3A_1141 : i32 to index
        %get3A_1143 = arith.constant 0 : index
        %get3A_1144 = tpu.vector_load %arg13[%get3A_1142, %get3A_1143] {strides = array<i32>} : memref<80x128xf32, #tpu.memory_space<vmem>>, vector<1x16xf32>,
        %get3A_1145 = vector.shape_cast %get3A_1144 : vector<1x16xf32> to vector<16xf32>
        %mul3A_1146 = arith.mulf %get3A_1145, %broadcast_in_dim3A_1139 : vector<16xf32>
        %add3A_1147 = arith.constant 9 : i32
        %add3A_1148 = arith.addi %mul3A_103, %add3A_1147 : i32
        %swap3A_1149 = arith.index_cast %add3A_1148 : i32 to index
        %swap3A_1150 = arith.constant 0 : index
        %swap3A_1151 = tpu.vector_load %arg13[%swap3A_1149, %swap3A_1150] {strides = array<i32>} : memref<80x128xf32, #tpu.memory_space<vmem>>, vector<1x16xf32>,
        %swap3A_1152 = vector.shape_cast %swap3A_1151 : vector<1x16xf32> to vector<16xf32>
        %swap3A_1153 = vector.shape_cast %mul3A_1146 : vector<16xf32> to vector<1x16xf32>
        tpu.vector_store %arg13[%swap3A_1149, %swap3A_1150], %swap3A_1153 {strides = array<i32>} : memref<80x128xf32, #tpu.memory_space<vmem>>, vector<1x16xf32>,
        %add3A_1154 = arith.constant 9 : i32
        %add3A_1155 = arith.addi %mul3A_103, %add3A_1154 : i32
        %get3A_1156 = arith.index_cast %add3A_1155 : i32 to index
        %get3A_1157 = arith.constant 16 : index
        %get3A_1158 = tpu.vector_load %arg13[%get3A_1156, %get3A_1157] {strides = array<i32>} : memref<80x128xf32, #tpu.memory_space<vmem>>, vector<1x16xf32>,
        %get3A_1159 = vector.shape_cast %get3A_1158 : vector<1x16xf32> to vector<16xf32>
        %mul3A_1160 = arith.mulf %get3A_1159, %broadcast_in_dim3A_1139 : vector<16xf32>
        %add3A_1161 = arith.constant 9 : i32
        %add3A_1162 = arith.addi %mul3A_103, %add3A_1161 : i32
        %swap3A_1163 = arith.index_cast %add3A_1162 : i32 to index
        %swap3A_1164 = arith.constant 16 : index
        %swap3A_1165 = tpu.vector_load %arg13[%swap3A_1163, %swap3A_1164] {strides = array<i32>} : memref<80x128xf32, #tpu.memory_space<vmem>>, vector<1x16xf32>,
        %swap3A_1166 = vector.shape_cast %swap3A_1165 : vector<1x16xf32> to vector<16xf32>
        %swap3A_1167 = vector.shape_cast %mul3A_1160 : vector<16xf32> to vector<1x16xf32>
        tpu.vector_store %arg13[%swap3A_1163, %swap3A_1164], %swap3A_1167 {strides = array<i32>} : memref<80x128xf32, #tpu.memory_space<vmem>>, vector<1x16xf32>,
        %add3A_1168 = arith.constant 9 : i32
        %add3A_1169 = arith.addi %mul3A_103, %add3A_1168 : i32
        %get3A_1170 = arith.index_cast %add3A_1169 : i32 to index
        %get3A_1171 = arith.constant 32 : index
        %get3A_1172 = tpu.vector_load %arg13[%get3A_1170, %get3A_1171] {strides = array<i32>} : memref<80x128xf32, #tpu.memory_space<vmem>>, vector<1x16xf32>,
        %get3A_1173 = vector.shape_cast %get3A_1172 : vector<1x16xf32> to vector<16xf32>
        %mul3A_1174 = arith.mulf %get3A_1173, %broadcast_in_dim3A_1139 : vector<16xf32>
        %add3A_1175 = arith.constant 9 : i32
        %add3A_1176 = arith.addi %mul3A_103, %add3A_1175 : i32
        %swap3A_1177 = arith.index_cast %add3A_1176 : i32 to index
        %swap3A_1178 = arith.constant 32 : index
        %swap3A_1179 = tpu.vector_load %arg13[%swap3A_1177, %swap3A_1178] {strides = array<i32>} : memref<80x128xf32, #tpu.memory_space<vmem>>, vector<1x16xf32>,
        %swap3A_1180 = vector.shape_cast %swap3A_1179 : vector<1x16xf32> to vector<16xf32>
        %swap3A_1181 = vector.shape_cast %mul3A_1174 : vector<16xf32> to vector<1x16xf32>
        tpu.vector_store %arg13[%swap3A_1177, %swap3A_1178], %swap3A_1181 {strides = array<i32>} : memref<80x128xf32, #tpu.memory_space<vmem>>, vector<1x16xf32>,
        %add3A_1182 = arith.constant 9 : i32
        %add3A_1183 = arith.addi %mul3A_103, %add3A_1182 : i32
        %get3A_1184 = arith.index_cast %add3A_1183 : i32 to index
        %get3A_1185 = arith.constant 48 : index
        %get3A_1186 = tpu.vector_load %arg13[%get3A_1184, %get3A_1185] {strides = array<i32>} : memref<80x128xf32, #tpu.memory_space<vmem>>, vector<1x16xf32>,
        %get3A_1187 = vector.shape_cast %get3A_1186 : vector<1x16xf32> to vector<16xf32>
        %mul3A_1188 = arith.mulf %get3A_1187, %broadcast_in_dim3A_1139 : vector<16xf32>
        %add3A_1189 = arith.constant 9 : i32
        %add3A_1190 = arith.addi %mul3A_103, %add3A_1189 : i32
        %swap3A_1191 = arith.index_cast %add3A_1190 : i32 to index
        %swap3A_1192 = arith.constant 48 : index
        %swap3A_1193 = tpu.vector_load %arg13[%swap3A_1191, %swap3A_1192] {strides = array<i32>} : memref<80x128xf32, #tpu.memory_space<vmem>>, vector<1x16xf32>,
        %swap3A_1194 = vector.shape_cast %swap3A_1193 : vector<1x16xf32> to vector<16xf32>
        %swap3A_1195 = vector.shape_cast %mul3A_1188 : vector<16xf32> to vector<1x16xf32>
        tpu.vector_store %arg13[%swap3A_1191, %swap3A_1192], %swap3A_1195 {strides = array<i32>} : memref<80x128xf32, #tpu.memory_space<vmem>>, vector<1x16xf32>,
        %add3A_1196 = arith.constant 9 : i32
        %add3A_1197 = arith.addi %mul3A_103, %add3A_1196 : i32
        %get3A_1198 = arith.index_cast %add3A_1197 : i32 to index
        %get3A_1199 = arith.constant 64 : index
        %get3A_1200 = tpu.vector_load %arg13[%get3A_1198, %get3A_1199] {strides = array<i32>} : memref<80x128xf32, #tpu.memory_space<vmem>>, vector<1x16xf32>,
        %get3A_1201 = vector.shape_cast %get3A_1200 : vector<1x16xf32> to vector<16xf32>
        %mul3A_1202 = arith.mulf %get3A_1201, %broadcast_in_dim3A_1139 : vector<16xf32>
        %add3A_1203 = arith.constant 9 : i32
        %add3A_1204 = arith.addi %mul3A_103, %add3A_1203 : i32
        %swap3A_1205 = arith.index_cast %add3A_1204 : i32 to index
        %swap3A_1206 = arith.constant 64 : index
        %swap3A_1207 = tpu.vector_load %arg13[%swap3A_1205, %swap3A_1206] {strides = array<i32>} : memref<80x128xf32, #tpu.memory_space<vmem>>, vector<1x16xf32>,
        %swap3A_1208 = vector.shape_cast %swap3A_1207 : vector<1x16xf32> to vector<16xf32>
        %swap3A_1209 = vector.shape_cast %mul3A_1202 : vector<16xf32> to vector<1x16xf32>
        tpu.vector_store %arg13[%swap3A_1205, %swap3A_1206], %swap3A_1209 {strides = array<i32>} : memref<80x128xf32, #tpu.memory_space<vmem>>, vector<1x16xf32>,
        %add3A_1210 = arith.constant 9 : i32
        %add3A_1211 = arith.addi %mul3A_103, %add3A_1210 : i32
        %get3A_1212 = arith.index_cast %add3A_1211 : i32 to index
        %get3A_1213 = arith.constant 80 : index
        %get3A_1214 = tpu.vector_load %arg13[%get3A_1212, %get3A_1213] {strides = array<i32>} : memref<80x128xf32, #tpu.memory_space<vmem>>, vector<1x16xf32>,
        %get3A_1215 = vector.shape_cast %get3A_1214 : vector<1x16xf32> to vector<16xf32>
        %mul3A_1216 = arith.mulf %get3A_1215, %broadcast_in_dim3A_1139 : vector<16xf32>
        %add3A_1217 = arith.constant 9 : i32
        %add3A_1218 = arith.addi %mul3A_103, %add3A_1217 : i32
        %swap3A_1219 = arith.index_cast %add3A_1218 : i32 to index
        %swap3A_1220 = arith.constant 80 : index
        %swap3A_1221 = tpu.vector_load %arg13[%swap3A_1219, %swap3A_1220] {strides = array<i32>} : memref<80x128xf32, #tpu.memory_space<vmem>>, vector<1x16xf32>,
        %swap3A_1222 = vector.shape_cast %swap3A_1221 : vector<1x16xf32> to vector<16xf32>
        %swap3A_1223 = vector.shape_cast %mul3A_1216 : vector<16xf32> to vector<1x16xf32>
        tpu.vector_store %arg13[%swap3A_1219, %swap3A_1220], %swap3A_1223 {strides = array<i32>} : memref<80x128xf32, #tpu.memory_space<vmem>>, vector<1x16xf32>,
        %add3A_1224 = arith.constant 9 : i32
        %add3A_1225 = arith.addi %mul3A_103, %add3A_1224 : i32
        %get3A_1226 = arith.index_cast %add3A_1225 : i32 to index
        %get3A_1227 = arith.constant 96 : index
        %get3A_1228 = tpu.vector_load %arg13[%get3A_1226, %get3A_1227] {strides = array<i32>} : memref<80x128xf32, #tpu.memory_space<vmem>>, vector<1x16xf32>,
        %get3A_1229 = vector.shape_cast %get3A_1228 : vector<1x16xf32> to vector<16xf32>
        %mul3A_1230 = arith.mulf %get3A_1229, %broadcast_in_dim3A_1139 : vector<16xf32>
        %add3A_1231 = arith.constant 9 : i32
        %add3A_1232 = arith.addi %mul3A_103, %add3A_1231 : i32
        %swap3A_1233 = arith.index_cast %add3A_1232 : i32 to index
        %swap3A_1234 = arith.constant 96 : index
        %swap3A_1235 = tpu.vector_load %arg13[%swap3A_1233, %swap3A_1234] {strides = array<i32>} : memref<80x128xf32, #tpu.memory_space<vmem>>, vector<1x16xf32>,
        %swap3A_1236 = vector.shape_cast %swap3A_1235 : vector<1x16xf32> to vector<16xf32>
        %swap3A_1237 = vector.shape_cast %mul3A_1230 : vector<16xf32> to vector<1x16xf32>
        tpu.vector_store %arg13[%swap3A_1233, %swap3A_1234], %swap3A_1237 {strides = array<i32>} : memref<80x128xf32, #tpu.memory_space<vmem>>, vector<1x16xf32>,
        %add3A_1238 = arith.constant 9 : i32
        %add3A_1239 = arith.addi %mul3A_103, %add3A_1238 : i32
        %get3A_1240 = arith.index_cast %add3A_1239 : i32 to index
        %get3A_1241 = arith.constant 112 : index
        %get3A_1242 = tpu.vector_load %arg13[%get3A_1240, %get3A_1241] {strides = array<i32>} : memref<80x128xf32, #tpu.memory_space<vmem>>, vector<1x16xf32>,
        %get3A_1243 = vector.shape_cast %get3A_1242 : vector<1x16xf32> to vector<16xf32>
        %mul3A_1244 = arith.mulf %get3A_1243, %broadcast_in_dim3A_1139 : vector<16xf32>
        %add3A_1245 = arith.constant 9 : i32
        %add3A_1246 = arith.addi %mul3A_103, %add3A_1245 : i32
        %swap3A_1247 = arith.index_cast %add3A_1246 : i32 to index
        %swap3A_1248 = arith.constant 112 : index
        %swap3A_1249 = tpu.vector_load %arg13[%swap3A_1247, %swap3A_1248] {strides = array<i32>} : memref<80x128xf32, #tpu.memory_space<vmem>>, vector<1x16xf32>,
        %swap3A_1250 = vector.shape_cast %swap3A_1249 : vector<1x16xf32> to vector<16xf32>
        %swap3A_1251 = vector.shape_cast %mul3A_1244 : vector<16xf32> to vector<1x16xf32>
        tpu.vector_store %arg13[%swap3A_1247, %swap3A_1248], %swap3A_1251 {strides = array<i32>} : memref<80x128xf32, #tpu.memory_space<vmem>>, vector<1x16xf32>,
        %slice3A_1252 = vector.extract_strided_slice %get3A_81 {offsets = [10], sizes = [1], strides = [1]} : vector<16xf32> to vector<1xf32>
        %squeeze3A_1253 = vector.extract %slice3A_1252[0] : f32 from vector<1xf32>
        %broadcast_in_dim3A_1254 = vector.broadcast %squeeze3A_1253 : f32 to vector<16xf32>
        %add3A_1255 = arith.constant 10 : i32
        %add3A_1256 = arith.addi %mul3A_103, %add3A_1255 : i32
        %get3A_1257 = arith.index_cast %add3A_1256 : i32 to index
        %get3A_1258 = arith.constant 0 : index
        %get3A_1259 = tpu.vector_load %arg13[%get3A_1257, %get3A_1258] {strides = array<i32>} : memref<80x128xf32, #tpu.memory_space<vmem>>, vector<1x16xf32>,
        %get3A_1260 = vector.shape_cast %get3A_1259 : vector<1x16xf32> to vector<16xf32>
        %mul3A_1261 = arith.mulf %get3A_1260, %broadcast_in_dim3A_1254 : vector<16xf32>
        %add3A_1262 = arith.constant 10 : i32
        %add3A_1263 = arith.addi %mul3A_103, %add3A_1262 : i32
        %swap3A_1264 = arith.index_cast %add3A_1263 : i32 to index
        %swap3A_1265 = arith.constant 0 : index
        %swap3A_1266 = tpu.vector_load %arg13[%swap3A_1264, %swap3A_1265] {strides = array<i32>} : memref<80x128xf32, #tpu.memory_space<vmem>>, vector<1x16xf32>,
        %swap3A_1267 = vector.shape_cast %swap3A_1266 : vector<1x16xf32> to vector<16xf32>
        %swap3A_1268 = vector.shape_cast %mul3A_1261 : vector<16xf32> to vector<1x16xf32>
        tpu.vector_store %arg13[%swap3A_1264, %swap3A_1265], %swap3A_1268 {strides = array<i32>} : memref<80x128xf32, #tpu.memory_space<vmem>>, vector<1x16xf32>,
        %add3A_1269 = arith.constant 10 : i32
        %add3A_1270 = arith.addi %mul3A_103, %add3A_1269 : i32
        %get3A_1271 = arith.index_cast %add3A_1270 : i32 to index
        %get3A_1272 = arith.constant 16 : index
        %get3A_1273 = tpu.vector_load %arg13[%get3A_1271, %get3A_1272] {strides = array<i32>} : memref<80x128xf32, #tpu.memory_space<vmem>>, vector<1x16xf32>,
        %get3A_1274 = vector.shape_cast %get3A_1273 : vector<1x16xf32> to vector<16xf32>
        %mul3A_1275 = arith.mulf %get3A_1274, %broadcast_in_dim3A_1254 : vector<16xf32>
        %add3A_1276 = arith.constant 10 : i32
        %add3A_1277 = arith.addi %mul3A_103, %add3A_1276 : i32
        %swap3A_1278 = arith.index_cast %add3A_1277 : i32 to index
        %swap3A_1279 = arith.constant 16 : index
        %swap3A_1280 = tpu.vector_load %arg13[%swap3A_1278, %swap3A_1279] {strides = array<i32>} : memref<80x128xf32, #tpu.memory_space<vmem>>, vector<1x16xf32>,
        %swap3A_1281 = vector.shape_cast %swap3A_1280 : vector<1x16xf32> to vector<16xf32>
        %swap3A_1282 = vector.shape_cast %mul3A_1275 : vector<16xf32> to vector<1x16xf32>
        tpu.vector_store %arg13[%swap3A_1278, %swap3A_1279], %swap3A_1282 {strides = array<i32>} : memref<80x128xf32, #tpu.memory_space<vmem>>, vector<1x16xf32>,
        %add3A_1283 = arith.constant 10 : i32
        %add3A_1284 = arith.addi %mul3A_103, %add3A_1283 : i32
        %get3A_1285 = arith.index_cast %add3A_1284 : i32 to index
        %get3A_1286 = arith.constant 32 : index
        %get3A_1287 = tpu.vector_load %arg13[%get3A_1285, %get3A_1286] {strides = array<i32>} : memref<80x128xf32, #tpu.memory_space<vmem>>, vector<1x16xf32>,
        %get3A_1288 = vector.shape_cast %get3A_1287 : vector<1x16xf32> to vector<16xf32>
        %mul3A_1289 = arith.mulf %get3A_1288, %broadcast_in_dim3A_1254 : vector<16xf32>
        %add3A_1290 = arith.constant 10 : i32
        %add3A_1291 = arith.addi %mul3A_103, %add3A_1290 : i32
        %swap3A_1292 = arith.index_cast %add3A_1291 : i32 to index
        %swap3A_1293 = arith.constant 32 : index
        %swap3A_1294 = tpu.vector_load %arg13[%swap3A_1292, %swap3A_1293] {strides = array<i32>} : memref<80x128xf32, #tpu.memory_space<vmem>>, vector<1x16xf32>,
        %swap3A_1295 = vector.shape_cast %swap3A_1294 : vector<1x16xf32> to vector<16xf32>
        %swap3A_1296 = vector.shape_cast %mul3A_1289 : vector<16xf32> to vector<1x16xf32>
        tpu.vector_store %arg13[%swap3A_1292, %swap3A_1293], %swap3A_1296 {strides = array<i32>} : memref<80x128xf32, #tpu.memory_space<vmem>>, vector<1x16xf32>,
        %add3A_1297 = arith.constant 10 : i32
        %add3A_1298 = arith.addi %mul3A_103, %add3A_1297 : i32
        %get3A_1299 = arith.index_cast %add3A_1298 : i32 to index
        %get3A_1300 = arith.constant 48 : index
        %get3A_1301 = tpu.vector_load %arg13[%get3A_1299, %get3A_1300] {strides = array<i32>} : memref<80x128xf32, #tpu.memory_space<vmem>>, vector<1x16xf32>,
        %get3A_1302 = vector.shape_cast %get3A_1301 : vector<1x16xf32> to vector<16xf32>
        %mul3A_1303 = arith.mulf %get3A_1302, %broadcast_in_dim3A_1254 : vector<16xf32>
        %add3A_1304 = arith.constant 10 : i32
        %add3A_1305 = arith.addi %mul3A_103, %add3A_1304 : i32
        %swap3A_1306 = arith.index_cast %add3A_1305 : i32 to index
        %swap3A_1307 = arith.constant 48 : index
        %swap3A_1308 = tpu.vector_load %arg13[%swap3A_1306, %swap3A_1307] {strides = array<i32>} : memref<80x128xf32, #tpu.memory_space<vmem>>, vector<1x16xf32>,
        %swap3A_1309 = vector.shape_cast %swap3A_1308 : vector<1x16xf32> to vector<16xf32>
        %swap3A_1310 = vector.shape_cast %mul3A_1303 : vector<16xf32> to vector<1x16xf32>
        tpu.vector_store %arg13[%swap3A_1306, %swap3A_1307], %swap3A_1310 {strides = array<i32>} : memref<80x128xf32, #tpu.memory_space<vmem>>, vector<1x16xf32>,
        %add3A_1311 = arith.constant 10 : i32
        %add3A_1312 = arith.addi %mul3A_103, %add3A_1311 : i32
        %get3A_1313 = arith.index_cast %add3A_1312 : i32 to index
        %get3A_1314 = arith.constant 64 : index
        %get3A_1315 = tpu.vector_load %arg13[%get3A_1313, %get3A_1314] {strides = array<i32>} : memref<80x128xf32, #tpu.memory_space<vmem>>, vector<1x16xf32>,
        %get3A_1316 = vector.shape_cast %get3A_1315 : vector<1x16xf32> to vector<16xf32>
        %mul3A_1317 = arith.mulf %get3A_1316, %broadcast_in_dim3A_1254 : vector<16xf32>
        %add3A_1318 = arith.constant 10 : i32
        %add3A_1319 = arith.addi %mul3A_103, %add3A_1318 : i32
        %swap3A_1320 = arith.index_cast %add3A_1319 : i32 to index
        %swap3A_1321 = arith.constant 64 : index
        %swap3A_1322 = tpu.vector_load %arg13[%swap3A_1320, %swap3A_1321] {strides = array<i32>} : memref<80x128xf32, #tpu.memory_space<vmem>>, vector<1x16xf32>,
        %swap3A_1323 = vector.shape_cast %swap3A_1322 : vector<1x16xf32> to vector<16xf32>
        %swap3A_1324 = vector.shape_cast %mul3A_1317 : vector<16xf32> to vector<1x16xf32>
        tpu.vector_store %arg13[%swap3A_1320, %swap3A_1321], %swap3A_1324 {strides = array<i32>} : memref<80x128xf32, #tpu.memory_space<vmem>>, vector<1x16xf32>,
        %add3A_1325 = arith.constant 10 : i32
        %add3A_1326 = arith.addi %mul3A_103, %add3A_1325 : i32
        %get3A_1327 = arith.index_cast %add3A_1326 : i32 to index
        %get3A_1328 = arith.constant 80 : index
        %get3A_1329 = tpu.vector_load %arg13[%get3A_1327, %get3A_1328] {strides = array<i32>} : memref<80x128xf32, #tpu.memory_space<vmem>>, vector<1x16xf32>,
        %get3A_1330 = vector.shape_cast %get3A_1329 : vector<1x16xf32> to vector<16xf32>
        %mul3A_1331 = arith.mulf %get3A_1330, %broadcast_in_dim3A_1254 : vector<16xf32>
        %add3A_1332 = arith.constant 10 : i32
        %add3A_1333 = arith.addi %mul3A_103, %add3A_1332 : i32
        %swap3A_1334 = arith.index_cast %add3A_1333 : i32 to index
        %swap3A_1335 = arith.constant 80 : index
        %swap3A_1336 = tpu.vector_load %arg13[%swap3A_1334, %swap3A_1335] {strides = array<i32>} : memref<80x128xf32, #tpu.memory_space<vmem>>, vector<1x16xf32>,
        %swap3A_1337 = vector.shape_cast %swap3A_1336 : vector<1x16xf32> to vector<16xf32>
        %swap3A_1338 = vector.shape_cast %mul3A_1331 : vector<16xf32> to vector<1x16xf32>
        tpu.vector_store %arg13[%swap3A_1334, %swap3A_1335], %swap3A_1338 {strides = array<i32>} : memref<80x128xf32, #tpu.memory_space<vmem>>, vector<1x16xf32>,
        %add3A_1339 = arith.constant 10 : i32
        %add3A_1340 = arith.addi %mul3A_103, %add3A_1339 : i32
        %get3A_1341 = arith.index_cast %add3A_1340 : i32 to index
        %get3A_1342 = arith.constant 96 : index
        %get3A_1343 = tpu.vector_load %arg13[%get3A_1341, %get3A_1342] {strides = array<i32>} : memref<80x128xf32, #tpu.memory_space<vmem>>, vector<1x16xf32>,
        %get3A_1344 = vector.shape_cast %get3A_1343 : vector<1x16xf32> to vector<16xf32>
        %mul3A_1345 = arith.mulf %get3A_1344, %broadcast_in_dim3A_1254 : vector<16xf32>
        %add3A_1346 = arith.constant 10 : i32
        %add3A_1347 = arith.addi %mul3A_103, %add3A_1346 : i32
        %swap3A_1348 = arith.index_cast %add3A_1347 : i32 to index
        %swap3A_1349 = arith.constant 96 : index
        %swap3A_1350 = tpu.vector_load %arg13[%swap3A_1348, %swap3A_1349] {strides = array<i32>} : memref<80x128xf32, #tpu.memory_space<vmem>>, vector<1x16xf32>,
        %swap3A_1351 = vector.shape_cast %swap3A_1350 : vector<1x16xf32> to vector<16xf32>
        %swap3A_1352 = vector.shape_cast %mul3A_1345 : vector<16xf32> to vector<1x16xf32>
        tpu.vector_store %arg13[%swap3A_1348, %swap3A_1349], %swap3A_1352 {strides = array<i32>} : memref<80x128xf32, #tpu.memory_space<vmem>>, vector<1x16xf32>,
        %add3A_1353 = arith.constant 10 : i32
        %add3A_1354 = arith.addi %mul3A_103, %add3A_1353 : i32
        %get3A_1355 = arith.index_cast %add3A_1354 : i32 to index
        %get3A_1356 = arith.constant 112 : index
        %get3A_1357 = tpu.vector_load %arg13[%get3A_1355, %get3A_1356] {strides = array<i32>} : memref<80x128xf32, #tpu.memory_space<vmem>>, vector<1x16xf32>,
        %get3A_1358 = vector.shape_cast %get3A_1357 : vector<1x16xf32> to vector<16xf32>
        %mul3A_1359 = arith.mulf %get3A_1358, %broadcast_in_dim3A_1254 : vector<16xf32>
        %add3A_1360 = arith.constant 10 : i32
        %add3A_1361 = arith.addi %mul3A_103, %add3A_1360 : i32
        %swap3A_1362 = arith.index_cast %add3A_1361 : i32 to index
        %swap3A_1363 = arith.constant 112 : index
        %swap3A_1364 = tpu.vector_load %arg13[%swap3A_1362, %swap3A_1363] {strides = array<i32>} : memref<80x128xf32, #tpu.memory_space<vmem>>, vector<1x16xf32>,
        %swap3A_1365 = vector.shape_cast %swap3A_1364 : vector<1x16xf32> to vector<16xf32>
        %swap3A_1366 = vector.shape_cast %mul3A_1359 : vector<16xf32> to vector<1x16xf32>
        tpu.vector_store %arg13[%swap3A_1362, %swap3A_1363], %swap3A_1366 {strides = array<i32>} : memref<80x128xf32, #tpu.memory_space<vmem>>, vector<1x16xf32>,
        %slice3A_1367 = vector.extract_strided_slice %get3A_81 {offsets = [11], sizes = [1], strides = [1]} : vector<16xf32> to vector<1xf32>
        %squeeze3A_1368 = vector.extract %slice3A_1367[0] : f32 from vector<1xf32>
        %broadcast_in_dim3A_1369 = vector.broadcast %squeeze3A_1368 : f32 to vector<16xf32>
        %add3A_1370 = arith.constant 11 : i32
        %add3A_1371 = arith.addi %mul3A_103, %add3A_1370 : i32
        %get3A_1372 = arith.index_cast %add3A_1371 : i32 to index
        %get3A_1373 = arith.constant 0 : index
        %get3A_1374 = tpu.vector_load %arg13[%get3A_1372, %get3A_1373] {strides = array<i32>} : memref<80x128xf32, #tpu.memory_space<vmem>>, vector<1x16xf32>,
        %get3A_1375 = vector.shape_cast %get3A_1374 : vector<1x16xf32> to vector<16xf32>
        %mul3A_1376 = arith.mulf %get3A_1375, %broadcast_in_dim3A_1369 : vector<16xf32>
        %add3A_1377 = arith.constant 11 : i32
        %add3A_1378 = arith.addi %mul3A_103, %add3A_1377 : i32
        %swap3A_1379 = arith.index_cast %add3A_1378 : i32 to index
        %swap3A_1380 = arith.constant 0 : index
        %swap3A_1381 = tpu.vector_load %arg13[%swap3A_1379, %swap3A_1380] {strides = array<i32>} : memref<80x128xf32, #tpu.memory_space<vmem>>, vector<1x16xf32>,
        %swap3A_1382 = vector.shape_cast %swap3A_1381 : vector<1x16xf32> to vector<16xf32>
        %swap3A_1383 = vector.shape_cast %mul3A_1376 : vector<16xf32> to vector<1x16xf32>
        tpu.vector_store %arg13[%swap3A_1379, %swap3A_1380], %swap3A_1383 {strides = array<i32>} : memref<80x128xf32, #tpu.memory_space<vmem>>, vector<1x16xf32>,
        %add3A_1384 = arith.constant 11 : i32
        %add3A_1385 = arith.addi %mul3A_103, %add3A_1384 : i32
        %get3A_1386 = arith.index_cast %add3A_1385 : i32 to index
        %get3A_1387 = arith.constant 16 : index
        %get3A_1388 = tpu.vector_load %arg13[%get3A_1386, %get3A_1387] {strides = array<i32>} : memref<80x128xf32, #tpu.memory_space<vmem>>, vector<1x16xf32>,
        %get3A_1389 = vector.shape_cast %get3A_1388 : vector<1x16xf32> to vector<16xf32>
        %mul3A_1390 = arith.mulf %get3A_1389, %broadcast_in_dim3A_1369 : vector<16xf32>
        %add3A_1391 = arith.constant 11 : i32
        %add3A_1392 = arith.addi %mul3A_103, %add3A_1391 : i32
        %swap3A_1393 = arith.index_cast %add3A_1392 : i32 to index
        %swap3A_1394 = arith.constant 16 : index
        %swap3A_1395 = tpu.vector_load %arg13[%swap3A_1393, %swap3A_1394] {strides = array<i32>} : memref<80x128xf32, #tpu.memory_space<vmem>>, vector<1x16xf32>,
        %swap3A_1396 = vector.shape_cast %swap3A_1395 : vector<1x16xf32> to vector<16xf32>
        %swap3A_1397 = vector.shape_cast %mul3A_1390 : vector<16xf32> to vector<1x16xf32>
        tpu.vector_store %arg13[%swap3A_1393, %swap3A_1394], %swap3A_1397 {strides = array<i32>} : memref<80x128xf32, #tpu.memory_space<vmem>>, vector<1x16xf32>,
        %add3A_1398 = arith.constant 11 : i32
        %add3A_1399 = arith.addi %mul3A_103, %add3A_1398 : i32
        %get3A_1400 = arith.index_cast %add3A_1399 : i32 to index
        %get3A_1401 = arith.constant 32 : index
        %get3A_1402 = tpu.vector_load %arg13[%get3A_1400, %get3A_1401] {strides = array<i32>} : memref<80x128xf32, #tpu.memory_space<vmem>>, vector<1x16xf32>,
        %get3A_1403 = vector.shape_cast %get3A_1402 : vector<1x16xf32> to vector<16xf32>
        %mul3A_1404 = arith.mulf %get3A_1403, %broadcast_in_dim3A_1369 : vector<16xf32>
        %add3A_1405 = arith.constant 11 : i32
        %add3A_1406 = arith.addi %mul3A_103, %add3A_1405 : i32
        %swap3A_1407 = arith.index_cast %add3A_1406 : i32 to index
        %swap3A_1408 = arith.constant 32 : index
        %swap3A_1409 = tpu.vector_load %arg13[%swap3A_1407, %swap3A_1408] {strides = array<i32>} : memref<80x128xf32, #tpu.memory_space<vmem>>, vector<1x16xf32>,
        %swap3A_1410 = vector.shape_cast %swap3A_1409 : vector<1x16xf32> to vector<16xf32>
        %swap3A_1411 = vector.shape_cast %mul3A_1404 : vector<16xf32> to vector<1x16xf32>
        tpu.vector_store %arg13[%swap3A_1407, %swap3A_1408], %swap3A_1411 {strides = array<i32>} : memref<80x128xf32, #tpu.memory_space<vmem>>, vector<1x16xf32>,
        %add3A_1412 = arith.constant 11 : i32
        %add3A_1413 = arith.addi %mul3A_103, %add3A_1412 : i32
        %get3A_1414 = arith.index_cast %add3A_1413 : i32 to index
        %get3A_1415 = arith.constant 48 : index
        %get3A_1416 = tpu.vector_load %arg13[%get3A_1414, %get3A_1415] {strides = array<i32>} : memref<80x128xf32, #tpu.memory_space<vmem>>, vector<1x16xf32>,
        %get3A_1417 = vector.shape_cast %get3A_1416 : vector<1x16xf32> to vector<16xf32>
        %mul3A_1418 = arith.mulf %get3A_1417, %broadcast_in_dim3A_1369 : vector<16xf32>
        %add3A_1419 = arith.constant 11 : i32
        %add3A_1420 = arith.addi %mul3A_103, %add3A_1419 : i32
        %swap3A_1421 = arith.index_cast %add3A_1420 : i32 to index
        %swap3A_1422 = arith.constant 48 : index
        %swap3A_1423 = tpu.vector_load %arg13[%swap3A_1421, %swap3A_1422] {strides = array<i32>} : memref<80x128xf32, #tpu.memory_space<vmem>>, vector<1x16xf32>,
        %swap3A_1424 = vector.shape_cast %swap3A_1423 : vector<1x16xf32> to vector<16xf32>
        %swap3A_1425 = vector.shape_cast %mul3A_1418 : vector<16xf32> to vector<1x16xf32>
        tpu.vector_store %arg13[%swap3A_1421, %swap3A_1422], %swap3A_1425 {strides = array<i32>} : memref<80x128xf32, #tpu.memory_space<vmem>>, vector<1x16xf32>,
        %add3A_1426 = arith.constant 11 : i32
        %add3A_1427 = arith.addi %mul3A_103, %add3A_1426 : i32
        %get3A_1428 = arith.index_cast %add3A_1427 : i32 to index
        %get3A_1429 = arith.constant 64 : index
        %get3A_1430 = tpu.vector_load %arg13[%get3A_1428, %get3A_1429] {strides = array<i32>} : memref<80x128xf32, #tpu.memory_space<vmem>>, vector<1x16xf32>,
        %get3A_1431 = vector.shape_cast %get3A_1430 : vector<1x16xf32> to vector<16xf32>
        %mul3A_1432 = arith.mulf %get3A_1431, %broadcast_in_dim3A_1369 : vector<16xf32>
        %add3A_1433 = arith.constant 11 : i32
        %add3A_1434 = arith.addi %mul3A_103, %add3A_1433 : i32
        %swap3A_1435 = arith.index_cast %add3A_1434 : i32 to index
        %swap3A_1436 = arith.constant 64 : index
        %swap3A_1437 = tpu.vector_load %arg13[%swap3A_1435, %swap3A_1436] {strides = array<i32>} : memref<80x128xf32, #tpu.memory_space<vmem>>, vector<1x16xf32>,
        %swap3A_1438 = vector.shape_cast %swap3A_1437 : vector<1x16xf32> to vector<16xf32>
        %swap3A_1439 = vector.shape_cast %mul3A_1432 : vector<16xf32> to vector<1x16xf32>
        tpu.vector_store %arg13[%swap3A_1435, %swap3A_1436], %swap3A_1439 {strides = array<i32>} : memref<80x128xf32, #tpu.memory_space<vmem>>, vector<1x16xf32>,
        %add3A_1440 = arith.constant 11 : i32
        %add3A_1441 = arith.addi %mul3A_103, %add3A_1440 : i32
        %get3A_1442 = arith.index_cast %add3A_1441 : i32 to index
        %get3A_1443 = arith.constant 80 : index
        %get3A_1444 = tpu.vector_load %arg13[%get3A_1442, %get3A_1443] {strides = array<i32>} : memref<80x128xf32, #tpu.memory_space<vmem>>, vector<1x16xf32>,
        %get3A_1445 = vector.shape_cast %get3A_1444 : vector<1x16xf32> to vector<16xf32>
        %mul3A_1446 = arith.mulf %get3A_1445, %broadcast_in_dim3A_1369 : vector<16xf32>
        %add3A_1447 = arith.constant 11 : i32
        %add3A_1448 = arith.addi %mul3A_103, %add3A_1447 : i32
        %swap3A_1449 = arith.index_cast %add3A_1448 : i32 to index
        %swap3A_1450 = arith.constant 80 : index
        %swap3A_1451 = tpu.vector_load %arg13[%swap3A_1449, %swap3A_1450] {strides = array<i32>} : memref<80x128xf32, #tpu.memory_space<vmem>>, vector<1x16xf32>,
        %swap3A_1452 = vector.shape_cast %swap3A_1451 : vector<1x16xf32> to vector<16xf32>
        %swap3A_1453 = vector.shape_cast %mul3A_1446 : vector<16xf32> to vector<1x16xf32>
        tpu.vector_store %arg13[%swap3A_1449, %swap3A_1450], %swap3A_1453 {strides = array<i32>} : memref<80x128xf32, #tpu.memory_space<vmem>>, vector<1x16xf32>,
        %add3A_1454 = arith.constant 11 : i32
        %add3A_1455 = arith.addi %mul3A_103, %add3A_1454 : i32
        %get3A_1456 = arith.index_cast %add3A_1455 : i32 to index
        %get3A_1457 = arith.constant 96 : index
        %get3A_1458 = tpu.vector_load %arg13[%get3A_1456, %get3A_1457] {strides = array<i32>} : memref<80x128xf32, #tpu.memory_space<vmem>>, vector<1x16xf32>,
        %get3A_1459 = vector.shape_cast %get3A_1458 : vector<1x16xf32> to vector<16xf32>
        %mul3A_1460 = arith.mulf %get3A_1459, %broadcast_in_dim3A_1369 : vector<16xf32>
        %add3A_1461 = arith.constant 11 : i32
        %add3A_1462 = arith.addi %mul3A_103, %add3A_1461 : i32
        %swap3A_1463 = arith.index_cast %add3A_1462 : i32 to index
        %swap3A_1464 = arith.constant 96 : index
        %swap3A_1465 = tpu.vector_load %arg13[%swap3A_1463, %swap3A_1464] {strides = array<i32>} : memref<80x128xf32, #tpu.memory_space<vmem>>, vector<1x16xf32>,
        %swap3A_1466 = vector.shape_cast %swap3A_1465 : vector<1x16xf32> to vector<16xf32>
        %swap3A_1467 = vector.shape_cast %mul3A_1460 : vector<16xf32> to vector<1x16xf32>
        tpu.vector_store %arg13[%swap3A_1463, %swap3A_1464], %swap3A_1467 {strides = array<i32>} : memref<80x128xf32, #tpu.memory_space<vmem>>, vector<1x16xf32>,
        %add3A_1468 = arith.constant 11 : i32
        %add3A_1469 = arith.addi %mul3A_103, %add3A_1468 : i32
        %get3A_1470 = arith.index_cast %add3A_1469 : i32 to index
        %get3A_1471 = arith.constant 112 : index
        %get3A_1472 = tpu.vector_load %arg13[%get3A_1470, %get3A_1471] {strides = array<i32>} : memref<80x128xf32, #tpu.memory_space<vmem>>, vector<1x16xf32>,
        %get3A_1473 = vector.shape_cast %get3A_1472 : vector<1x16xf32> to vector<16xf32>
        %mul3A_1474 = arith.mulf %get3A_1473, %broadcast_in_dim3A_1369 : vector<16xf32>
        %add3A_1475 = arith.constant 11 : i32
        %add3A_1476 = arith.addi %mul3A_103, %add3A_1475 : i32
        %swap3A_1477 = arith.index_cast %add3A_1476 : i32 to index
        %swap3A_1478 = arith.constant 112 : index
        %swap3A_1479 = tpu.vector_load %arg13[%swap3A_1477, %swap3A_1478] {strides = array<i32>} : memref<80x128xf32, #tpu.memory_space<vmem>>, vector<1x16xf32>,
        %swap3A_1480 = vector.shape_cast %swap3A_1479 : vector<1x16xf32> to vector<16xf32>
        %swap3A_1481 = vector.shape_cast %mul3A_1474 : vector<16xf32> to vector<1x16xf32>
        tpu.vector_store %arg13[%swap3A_1477, %swap3A_1478], %swap3A_1481 {strides = array<i32>} : memref<80x128xf32, #tpu.memory_space<vmem>>, vector<1x16xf32>,
        %slice3A_1482 = vector.extract_strided_slice %get3A_81 {offsets = [12], sizes = [1], strides = [1]} : vector<16xf32> to vector<1xf32>
        %squeeze3A_1483 = vector.extract %slice3A_1482[0] : f32 from vector<1xf32>
        %broadcast_in_dim3A_1484 = vector.broadcast %squeeze3A_1483 : f32 to vector<16xf32>
        %add3A_1485 = arith.constant 12 : i32
        %add3A_1486 = arith.addi %mul3A_103, %add3A_1485 : i32
        %get3A_1487 = arith.index_cast %add3A_1486 : i32 to index
        %get3A_1488 = arith.constant 0 : index
        %get3A_1489 = tpu.vector_load %arg13[%get3A_1487, %get3A_1488] {strides = array<i32>} : memref<80x128xf32, #tpu.memory_space<vmem>>, vector<1x16xf32>,
        %get3A_1490 = vector.shape_cast %get3A_1489 : vector<1x16xf32> to vector<16xf32>
        %mul3A_1491 = arith.mulf %get3A_1490, %broadcast_in_dim3A_1484 : vector<16xf32>
        %add3A_1492 = arith.constant 12 : i32
        %add3A_1493 = arith.addi %mul3A_103, %add3A_1492 : i32
        %swap3A_1494 = arith.index_cast %add3A_1493 : i32 to index
        %swap3A_1495 = arith.constant 0 : index
        %swap3A_1496 = tpu.vector_load %arg13[%swap3A_1494, %swap3A_1495] {strides = array<i32>} : memref<80x128xf32, #tpu.memory_space<vmem>>, vector<1x16xf32>,
        %swap3A_1497 = vector.shape_cast %swap3A_1496 : vector<1x16xf32> to vector<16xf32>
        %swap3A_1498 = vector.shape_cast %mul3A_1491 : vector<16xf32> to vector<1x16xf32>
        tpu.vector_store %arg13[%swap3A_1494, %swap3A_1495], %swap3A_1498 {strides = array<i32>} : memref<80x128xf32, #tpu.memory_space<vmem>>, vector<1x16xf32>,
        %add3A_1499 = arith.constant 12 : i32
        %add3A_1500 = arith.addi %mul3A_103, %add3A_1499 : i32
        %get3A_1501 = arith.index_cast %add3A_1500 : i32 to index
        %get3A_1502 = arith.constant 16 : index
        %get3A_1503 = tpu.vector_load %arg13[%get3A_1501, %get3A_1502] {strides = array<i32>} : memref<80x128xf32, #tpu.memory_space<vmem>>, vector<1x16xf32>,
        %get3A_1504 = vector.shape_cast %get3A_1503 : vector<1x16xf32> to vector<16xf32>
        %mul3A_1505 = arith.mulf %get3A_1504, %broadcast_in_dim3A_1484 : vector<16xf32>
        %add3A_1506 = arith.constant 12 : i32
        %add3A_1507 = arith.addi %mul3A_103, %add3A_1506 : i32
        %swap3A_1508 = arith.index_cast %add3A_1507 : i32 to index
        %swap3A_1509 = arith.constant 16 : index
        %swap3A_1510 = tpu.vector_load %arg13[%swap3A_1508, %swap3A_1509] {strides = array<i32>} : memref<80x128xf32, #tpu.memory_space<vmem>>, vector<1x16xf32>,
        %swap3A_1511 = vector.shape_cast %swap3A_1510 : vector<1x16xf32> to vector<16xf32>
        %swap3A_1512 = vector.shape_cast %mul3A_1505 : vector<16xf32> to vector<1x16xf32>
        tpu.vector_store %arg13[%swap3A_1508, %swap3A_1509], %swap3A_1512 {strides = array<i32>} : memref<80x128xf32, #tpu.memory_space<vmem>>, vector<1x16xf32>,
        %add3A_1513 = arith.constant 12 : i32
        %add3A_1514 = arith.addi %mul3A_103, %add3A_1513 : i32
        %get3A_1515 = arith.index_cast %add3A_1514 : i32 to index
        %get3A_1516 = arith.constant 32 : index
        %get3A_1517 = tpu.vector_load %arg13[%get3A_1515, %get3A_1516] {strides = array<i32>} : memref<80x128xf32, #tpu.memory_space<vmem>>, vector<1x16xf32>,
        %get3A_1518 = vector.shape_cast %get3A_1517 : vector<1x16xf32> to vector<16xf32>
        %mul3A_1519 = arith.mulf %get3A_1518, %broadcast_in_dim3A_1484 : vector<16xf32>
        %add3A_1520 = arith.constant 12 : i32
        %add3A_1521 = arith.addi %mul3A_103, %add3A_1520 : i32
        %swap3A_1522 = arith.index_cast %add3A_1521 : i32 to index
        %swap3A_1523 = arith.constant 32 : index
        %swap3A_1524 = tpu.vector_load %arg13[%swap3A_1522, %swap3A_1523] {strides = array<i32>} : memref<80x128xf32, #tpu.memory_space<vmem>>, vector<1x16xf32>,
        %swap3A_1525 = vector.shape_cast %swap3A_1524 : vector<1x16xf32> to vector<16xf32>
        %swap3A_1526 = vector.shape_cast %mul3A_1519 : vector<16xf32> to vector<1x16xf32>
        tpu.vector_store %arg13[%swap3A_1522, %swap3A_1523], %swap3A_1526 {strides = array<i32>} : memref<80x128xf32, #tpu.memory_space<vmem>>, vector<1x16xf32>,
        %add3A_1527 = arith.constant 12 : i32
        %add3A_1528 = arith.addi %mul3A_103, %add3A_1527 : i32
        %get3A_1529 = arith.index_cast %add3A_1528 : i32 to index
        %get3A_1530 = arith.constant 48 : index
        %get3A_1531 = tpu.vector_load %arg13[%get3A_1529, %get3A_1530] {strides = array<i32>} : memref<80x128xf32, #tpu.memory_space<vmem>>, vector<1x16xf32>,
        %get3A_1532 = vector.shape_cast %get3A_1531 : vector<1x16xf32> to vector<16xf32>
        %mul3A_1533 = arith.mulf %get3A_1532, %broadcast_in_dim3A_1484 : vector<16xf32>
        %add3A_1534 = arith.constant 12 : i32
        %add3A_1535 = arith.addi %mul3A_103, %add3A_1534 : i32
        %swap3A_1536 = arith.index_cast %add3A_1535 : i32 to index
        %swap3A_1537 = arith.constant 48 : index
        %swap3A_1538 = tpu.vector_load %arg13[%swap3A_1536, %swap3A_1537] {strides = array<i32>} : memref<80x128xf32, #tpu.memory_space<vmem>>, vector<1x16xf32>,
        %swap3A_1539 = vector.shape_cast %swap3A_1538 : vector<1x16xf32> to vector<16xf32>
        %swap3A_1540 = vector.shape_cast %mul3A_1533 : vector<16xf32> to vector<1x16xf32>
        tpu.vector_store %arg13[%swap3A_1536, %swap3A_1537], %swap3A_1540 {strides = array<i32>} : memref<80x128xf32, #tpu.memory_space<vmem>>, vector<1x16xf32>,
        %add3A_1541 = arith.constant 12 : i32
        %add3A_1542 = arith.addi %mul3A_103, %add3A_1541 : i32
        %get3A_1543 = arith.index_cast %add3A_1542 : i32 to index
        %get3A_1544 = arith.constant 64 : index
        %get3A_1545 = tpu.vector_load %arg13[%get3A_1543, %get3A_1544] {strides = array<i32>} : memref<80x128xf32, #tpu.memory_space<vmem>>, vector<1x16xf32>,
        %get3A_1546 = vector.shape_cast %get3A_1545 : vector<1x16xf32> to vector<16xf32>
        %mul3A_1547 = arith.mulf %get3A_1546, %broadcast_in_dim3A_1484 : vector<16xf32>
        %add3A_1548 = arith.constant 12 : i32
        %add3A_1549 = arith.addi %mul3A_103, %add3A_1548 : i32
        %swap3A_1550 = arith.index_cast %add3A_1549 : i32 to index
        %swap3A_1551 = arith.constant 64 : index
        %swap3A_1552 = tpu.vector_load %arg13[%swap3A_1550, %swap3A_1551] {strides = array<i32>} : memref<80x128xf32, #tpu.memory_space<vmem>>, vector<1x16xf32>,
        %swap3A_1553 = vector.shape_cast %swap3A_1552 : vector<1x16xf32> to vector<16xf32>
        %swap3A_1554 = vector.shape_cast %mul3A_1547 : vector<16xf32> to vector<1x16xf32>
        tpu.vector_store %arg13[%swap3A_1550, %swap3A_1551], %swap3A_1554 {strides = array<i32>} : memref<80x128xf32, #tpu.memory_space<vmem>>, vector<1x16xf32>,
        %add3A_1555 = arith.constant 12 : i32
        %add3A_1556 = arith.addi %mul3A_103, %add3A_1555 : i32
        %get3A_1557 = arith.index_cast %add3A_1556 : i32 to index
        %get3A_1558 = arith.constant 80 : index
        %get3A_1559 = tpu.vector_load %arg13[%get3A_1557, %get3A_1558] {strides = array<i32>} : memref<80x128xf32, #tpu.memory_space<vmem>>, vector<1x16xf32>,
        %get3A_1560 = vector.shape_cast %get3A_1559 : vector<1x16xf32> to vector<16xf32>
        %mul3A_1561 = arith.mulf %get3A_1560, %broadcast_in_dim3A_1484 : vector<16xf32>
        %add3A_1562 = arith.constant 12 : i32
        %add3A_1563 = arith.addi %mul3A_103, %add3A_1562 : i32
        %swap3A_1564 = arith.index_cast %add3A_1563 : i32 to index
        %swap3A_1565 = arith.constant 80 : index
        %swap3A_1566 = tpu.vector_load %arg13[%swap3A_1564, %swap3A_1565] {strides = array<i32>} : memref<80x128xf32, #tpu.memory_space<vmem>>, vector<1x16xf32>,
        %swap3A_1567 = vector.shape_cast %swap3A_1566 : vector<1x16xf32> to vector<16xf32>
        %swap3A_1568 = vector.shape_cast %mul3A_1561 : vector<16xf32> to vector<1x16xf32>
        tpu.vector_store %arg13[%swap3A_1564, %swap3A_1565], %swap3A_1568 {strides = array<i32>} : memref<80x128xf32, #tpu.memory_space<vmem>>, vector<1x16xf32>,
        %add3A_1569 = arith.constant 12 : i32
        %add3A_1570 = arith.addi %mul3A_103, %add3A_1569 : i32
        %get3A_1571 = arith.index_cast %add3A_1570 : i32 to index
        %get3A_1572 = arith.constant 96 : index
        %get3A_1573 = tpu.vector_load %arg13[%get3A_1571, %get3A_1572] {strides = array<i32>} : memref<80x128xf32, #tpu.memory_space<vmem>>, vector<1x16xf32>,
        %get3A_1574 = vector.shape_cast %get3A_1573 : vector<1x16xf32> to vector<16xf32>
        %mul3A_1575 = arith.mulf %get3A_1574, %broadcast_in_dim3A_1484 : vector<16xf32>
        %add3A_1576 = arith.constant 12 : i32
        %add3A_1577 = arith.addi %mul3A_103, %add3A_1576 : i32
        %swap3A_1578 = arith.index_cast %add3A_1577 : i32 to index
        %swap3A_1579 = arith.constant 96 : index
        %swap3A_1580 = tpu.vector_load %arg13[%swap3A_1578, %swap3A_1579] {strides = array<i32>} : memref<80x128xf32, #tpu.memory_space<vmem>>, vector<1x16xf32>,
        %swap3A_1581 = vector.shape_cast %swap3A_1580 : vector<1x16xf32> to vector<16xf32>
        %swap3A_1582 = vector.shape_cast %mul3A_1575 : vector<16xf32> to vector<1x16xf32>
        tpu.vector_store %arg13[%swap3A_1578, %swap3A_1579], %swap3A_1582 {strides = array<i32>} : memref<80x128xf32, #tpu.memory_space<vmem>>, vector<1x16xf32>,
        %add3A_1583 = arith.constant 12 : i32
        %add3A_1584 = arith.addi %mul3A_103, %add3A_1583 : i32
        %get3A_1585 = arith.index_cast %add3A_1584 : i32 to index
        %get3A_1586 = arith.constant 112 : index
        %get3A_1587 = tpu.vector_load %arg13[%get3A_1585, %get3A_1586] {strides = array<i32>} : memref<80x128xf32, #tpu.memory_space<vmem>>, vector<1x16xf32>,
        %get3A_1588 = vector.shape_cast %get3A_1587 : vector<1x16xf32> to vector<16xf32>
        %mul3A_1589 = arith.mulf %get3A_1588, %broadcast_in_dim3A_1484 : vector<16xf32>
        %add3A_1590 = arith.constant 12 : i32
        %add3A_1591 = arith.addi %mul3A_103, %add3A_1590 : i32
        %swap3A_1592 = arith.index_cast %add3A_1591 : i32 to index
        %swap3A_1593 = arith.constant 112 : index
        %swap3A_1594 = tpu.vector_load %arg13[%swap3A_1592, %swap3A_1593] {strides = array<i32>} : memref<80x128xf32, #tpu.memory_space<vmem>>, vector<1x16xf32>,
        %swap3A_1595 = vector.shape_cast %swap3A_1594 : vector<1x16xf32> to vector<16xf32>
        %swap3A_1596 = vector.shape_cast %mul3A_1589 : vector<16xf32> to vector<1x16xf32>
        tpu.vector_store %arg13[%swap3A_1592, %swap3A_1593], %swap3A_1596 {strides = array<i32>} : memref<80x128xf32, #tpu.memory_space<vmem>>, vector<1x16xf32>,
        %slice3A_1597 = vector.extract_strided_slice %get3A_81 {offsets = [13], sizes = [1], strides = [1]} : vector<16xf32> to vector<1xf32>
        %squeeze3A_1598 = vector.extract %slice3A_1597[0] : f32 from vector<1xf32>
        %broadcast_in_dim3A_1599 = vector.broadcast %squeeze3A_1598 : f32 to vector<16xf32>
        %add3A_1600 = arith.constant 13 : i32
        %add3A_1601 = arith.addi %mul3A_103, %add3A_1600 : i32
        %get3A_1602 = arith.index_cast %add3A_1601 : i32 to index
        %get3A_1603 = arith.constant 0 : index
        %get3A_1604 = tpu.vector_load %arg13[%get3A_1602, %get3A_1603] {strides = array<i32>} : memref<80x128xf32, #tpu.memory_space<vmem>>, vector<1x16xf32>,
        %get3A_1605 = vector.shape_cast %get3A_1604 : vector<1x16xf32> to vector<16xf32>
        %mul3A_1606 = arith.mulf %get3A_1605, %broadcast_in_dim3A_1599 : vector<16xf32>
        %add3A_1607 = arith.constant 13 : i32
        %add3A_1608 = arith.addi %mul3A_103, %add3A_1607 : i32
        %swap3A_1609 = arith.index_cast %add3A_1608 : i32 to index
        %swap3A_1610 = arith.constant 0 : index
        %swap3A_1611 = tpu.vector_load %arg13[%swap3A_1609, %swap3A_1610] {strides = array<i32>} : memref<80x128xf32, #tpu.memory_space<vmem>>, vector<1x16xf32>,
        %swap3A_1612 = vector.shape_cast %swap3A_1611 : vector<1x16xf32> to vector<16xf32>
        %swap3A_1613 = vector.shape_cast %mul3A_1606 : vector<16xf32> to vector<1x16xf32>
        tpu.vector_store %arg13[%swap3A_1609, %swap3A_1610], %swap3A_1613 {strides = array<i32>} : memref<80x128xf32, #tpu.memory_space<vmem>>, vector<1x16xf32>,
        %add3A_1614 = arith.constant 13 : i32
        %add3A_1615 = arith.addi %mul3A_103, %add3A_1614 : i32
        %get3A_1616 = arith.index_cast %add3A_1615 : i32 to index
        %get3A_1617 = arith.constant 16 : index
        %get3A_1618 = tpu.vector_load %arg13[%get3A_1616, %get3A_1617] {strides = array<i32>} : memref<80x128xf32, #tpu.memory_space<vmem>>, vector<1x16xf32>,
        %get3A_1619 = vector.shape_cast %get3A_1618 : vector<1x16xf32> to vector<16xf32>
        %mul3A_1620 = arith.mulf %get3A_1619, %broadcast_in_dim3A_1599 : vector<16xf32>
        %add3A_1621 = arith.constant 13 : i32
        %add3A_1622 = arith.addi %mul3A_103, %add3A_1621 : i32
        %swap3A_1623 = arith.index_cast %add3A_1622 : i32 to index
        %swap3A_1624 = arith.constant 16 : index
        %swap3A_1625 = tpu.vector_load %arg13[%swap3A_1623, %swap3A_1624] {strides = array<i32>} : memref<80x128xf32, #tpu.memory_space<vmem>>, vector<1x16xf32>,
        %swap3A_1626 = vector.shape_cast %swap3A_1625 : vector<1x16xf32> to vector<16xf32>
        %swap3A_1627 = vector.shape_cast %mul3A_1620 : vector<16xf32> to vector<1x16xf32>
        tpu.vector_store %arg13[%swap3A_1623, %swap3A_1624], %swap3A_1627 {strides = array<i32>} : memref<80x128xf32, #tpu.memory_space<vmem>>, vector<1x16xf32>,
        %add3A_1628 = arith.constant 13 : i32
        %add3A_1629 = arith.addi %mul3A_103, %add3A_1628 : i32
        %get3A_1630 = arith.index_cast %add3A_1629 : i32 to index
        %get3A_1631 = arith.constant 32 : index
        %get3A_1632 = tpu.vector_load %arg13[%get3A_1630, %get3A_1631] {strides = array<i32>} : memref<80x128xf32, #tpu.memory_space<vmem>>, vector<1x16xf32>,
        %get3A_1633 = vector.shape_cast %get3A_1632 : vector<1x16xf32> to vector<16xf32>
        %mul3A_1634 = arith.mulf %get3A_1633, %broadcast_in_dim3A_1599 : vector<16xf32>
        %add3A_1635 = arith.constant 13 : i32
        %add3A_1636 = arith.addi %mul3A_103, %add3A_1635 : i32
        %swap3A_1637 = arith.index_cast %add3A_1636 : i32 to index
        %swap3A_1638 = arith.constant 32 : index
        %swap3A_1639 = tpu.vector_load %arg13[%swap3A_1637, %swap3A_1638] {strides = array<i32>} : memref<80x128xf32, #tpu.memory_space<vmem>>, vector<1x16xf32>,
        %swap3A_1640 = vector.shape_cast %swap3A_1639 : vector<1x16xf32> to vector<16xf32>
        %swap3A_1641 = vector.shape_cast %mul3A_1634 : vector<16xf32> to vector<1x16xf32>
        tpu.vector_store %arg13[%swap3A_1637, %swap3A_1638], %swap3A_1641 {strides = array<i32>} : memref<80x128xf32, #tpu.memory_space<vmem>>, vector<1x16xf32>,
        %add3A_1642 = arith.constant 13 : i32
        %add3A_1643 = arith.addi %mul3A_103, %add3A_1642 : i32
        %get3A_1644 = arith.index_cast %add3A_1643 : i32 to index
        %get3A_1645 = arith.constant 48 : index
        %get3A_1646 = tpu.vector_load %arg13[%get3A_1644, %get3A_1645] {strides = array<i32>} : memref<80x128xf32, #tpu.memory_space<vmem>>, vector<1x16xf32>,
        %get3A_1647 = vector.shape_cast %get3A_1646 : vector<1x16xf32> to vector<16xf32>
        %mul3A_1648 = arith.mulf %get3A_1647, %broadcast_in_dim3A_1599 : vector<16xf32>
        %add3A_1649 = arith.constant 13 : i32
        %add3A_1650 = arith.addi %mul3A_103, %add3A_1649 : i32
        %swap3A_1651 = arith.index_cast %add3A_1650 : i32 to index
        %swap3A_1652 = arith.constant 48 : index
        %swap3A_1653 = tpu.vector_load %arg13[%swap3A_1651, %swap3A_1652] {strides = array<i32>} : memref<80x128xf32, #tpu.memory_space<vmem>>, vector<1x16xf32>,
        %swap3A_1654 = vector.shape_cast %swap3A_1653 : vector<1x16xf32> to vector<16xf32>
        %swap3A_1655 = vector.shape_cast %mul3A_1648 : vector<16xf32> to vector<1x16xf32>
        tpu.vector_store %arg13[%swap3A_1651, %swap3A_1652], %swap3A_1655 {strides = array<i32>} : memref<80x128xf32, #tpu.memory_space<vmem>>, vector<1x16xf32>,
        %add3A_1656 = arith.constant 13 : i32
        %add3A_1657 = arith.addi %mul3A_103, %add3A_1656 : i32
        %get3A_1658 = arith.index_cast %add3A_1657 : i32 to index
        %get3A_1659 = arith.constant 64 : index
        %get3A_1660 = tpu.vector_load %arg13[%get3A_1658, %get3A_1659] {strides = array<i32>} : memref<80x128xf32, #tpu.memory_space<vmem>>, vector<1x16xf32>,
        %get3A_1661 = vector.shape_cast %get3A_1660 : vector<1x16xf32> to vector<16xf32>
        %mul3A_1662 = arith.mulf %get3A_1661, %broadcast_in_dim3A_1599 : vector<16xf32>
        %add3A_1663 = arith.constant 13 : i32
        %add3A_1664 = arith.addi %mul3A_103, %add3A_1663 : i32
        %swap3A_1665 = arith.index_cast %add3A_1664 : i32 to index
        %swap3A_1666 = arith.constant 64 : index
        %swap3A_1667 = tpu.vector_load %arg13[%swap3A_1665, %swap3A_1666] {strides = array<i32>} : memref<80x128xf32, #tpu.memory_space<vmem>>, vector<1x16xf32>,
        %swap3A_1668 = vector.shape_cast %swap3A_1667 : vector<1x16xf32> to vector<16xf32>
        %swap3A_1669 = vector.shape_cast %mul3A_1662 : vector<16xf32> to vector<1x16xf32>
        tpu.vector_store %arg13[%swap3A_1665, %swap3A_1666], %swap3A_1669 {strides = array<i32>} : memref<80x128xf32, #tpu.memory_space<vmem>>, vector<1x16xf32>,
        %add3A_1670 = arith.constant 13 : i32
        %add3A_1671 = arith.addi %mul3A_103, %add3A_1670 : i32
        %get3A_1672 = arith.index_cast %add3A_1671 : i32 to index
        %get3A_1673 = arith.constant 80 : index
        %get3A_1674 = tpu.vector_load %arg13[%get3A_1672, %get3A_1673] {strides = array<i32>} : memref<80x128xf32, #tpu.memory_space<vmem>>, vector<1x16xf32>,
        %get3A_1675 = vector.shape_cast %get3A_1674 : vector<1x16xf32> to vector<16xf32>
        %mul3A_1676 = arith.mulf %get3A_1675, %broadcast_in_dim3A_1599 : vector<16xf32>
        %add3A_1677 = arith.constant 13 : i32
        %add3A_1678 = arith.addi %mul3A_103, %add3A_1677 : i32
        %swap3A_1679 = arith.index_cast %add3A_1678 : i32 to index
        %swap3A_1680 = arith.constant 80 : index
        %swap3A_1681 = tpu.vector_load %arg13[%swap3A_1679, %swap3A_1680] {strides = array<i32>} : memref<80x128xf32, #tpu.memory_space<vmem>>, vector<1x16xf32>,
        %swap3A_1682 = vector.shape_cast %swap3A_1681 : vector<1x16xf32> to vector<16xf32>
        %swap3A_1683 = vector.shape_cast %mul3A_1676 : vector<16xf32> to vector<1x16xf32>
        tpu.vector_store %arg13[%swap3A_1679, %swap3A_1680], %swap3A_1683 {strides = array<i32>} : memref<80x128xf32, #tpu.memory_space<vmem>>, vector<1x16xf32>,
        %add3A_1684 = arith.constant 13 : i32
        %add3A_1685 = arith.addi %mul3A_103, %add3A_1684 : i32
        %get3A_1686 = arith.index_cast %add3A_1685 : i32 to index
        %get3A_1687 = arith.constant 96 : index
        %get3A_1688 = tpu.vector_load %arg13[%get3A_1686, %get3A_1687] {strides = array<i32>} : memref<80x128xf32, #tpu.memory_space<vmem>>, vector<1x16xf32>,
        %get3A_1689 = vector.shape_cast %get3A_1688 : vector<1x16xf32> to vector<16xf32>
        %mul3A_1690 = arith.mulf %get3A_1689, %broadcast_in_dim3A_1599 : vector<16xf32>
        %add3A_1691 = arith.constant 13 : i32
        %add3A_1692 = arith.addi %mul3A_103, %add3A_1691 : i32
        %swap3A_1693 = arith.index_cast %add3A_1692 : i32 to index
        %swap3A_1694 = arith.constant 96 : index
        %swap3A_1695 = tpu.vector_load %arg13[%swap3A_1693, %swap3A_1694] {strides = array<i32>} : memref<80x128xf32, #tpu.memory_space<vmem>>, vector<1x16xf32>,
        %swap3A_1696 = vector.shape_cast %swap3A_1695 : vector<1x16xf32> to vector<16xf32>
        %swap3A_1697 = vector.shape_cast %mul3A_1690 : vector<16xf32> to vector<1x16xf32>
        tpu.vector_store %arg13[%swap3A_1693, %swap3A_1694], %swap3A_1697 {strides = array<i32>} : memref<80x128xf32, #tpu.memory_space<vmem>>, vector<1x16xf32>,
        %add3A_1698 = arith.constant 13 : i32
        %add3A_1699 = arith.addi %mul3A_103, %add3A_1698 : i32
        %get3A_1700 = arith.index_cast %add3A_1699 : i32 to index
        %get3A_1701 = arith.constant 112 : index
        %get3A_1702 = tpu.vector_load %arg13[%get3A_1700, %get3A_1701] {strides = array<i32>} : memref<80x128xf32, #tpu.memory_space<vmem>>, vector<1x16xf32>,
        %get3A_1703 = vector.shape_cast %get3A_1702 : vector<1x16xf32> to vector<16xf32>
        %mul3A_1704 = arith.mulf %get3A_1703, %broadcast_in_dim3A_1599 : vector<16xf32>
        %add3A_1705 = arith.constant 13 : i32
        %add3A_1706 = arith.addi %mul3A_103, %add3A_1705 : i32
        %swap3A_1707 = arith.index_cast %add3A_1706 : i32 to index
        %swap3A_1708 = arith.constant 112 : index
        %swap3A_1709 = tpu.vector_load %arg13[%swap3A_1707, %swap3A_1708] {strides = array<i32>} : memref<80x128xf32, #tpu.memory_space<vmem>>, vector<1x16xf32>,
        %swap3A_1710 = vector.shape_cast %swap3A_1709 : vector<1x16xf32> to vector<16xf32>
        %swap3A_1711 = vector.shape_cast %mul3A_1704 : vector<16xf32> to vector<1x16xf32>
        tpu.vector_store %arg13[%swap3A_1707, %swap3A_1708], %swap3A_1711 {strides = array<i32>} : memref<80x128xf32, #tpu.memory_space<vmem>>, vector<1x16xf32>,
        %slice3A_1712 = vector.extract_strided_slice %get3A_81 {offsets = [14], sizes = [1], strides = [1]} : vector<16xf32> to vector<1xf32>
        %squeeze3A_1713 = vector.extract %slice3A_1712[0] : f32 from vector<1xf32>
        %broadcast_in_dim3A_1714 = vector.broadcast %squeeze3A_1713 : f32 to vector<16xf32>
        %add3A_1715 = arith.constant 14 : i32
        %add3A_1716 = arith.addi %mul3A_103, %add3A_1715 : i32
        %get3A_1717 = arith.index_cast %add3A_1716 : i32 to index
        %get3A_1718 = arith.constant 0 : index
        %get3A_1719 = tpu.vector_load %arg13[%get3A_1717, %get3A_1718] {strides = array<i32>} : memref<80x128xf32, #tpu.memory_space<vmem>>, vector<1x16xf32>,
        %get3A_1720 = vector.shape_cast %get3A_1719 : vector<1x16xf32> to vector<16xf32>
        %mul3A_1721 = arith.mulf %get3A_1720, %broadcast_in_dim3A_1714 : vector<16xf32>
        %add3A_1722 = arith.constant 14 : i32
        %add3A_1723 = arith.addi %mul3A_103, %add3A_1722 : i32
        %swap3A_1724 = arith.index_cast %add3A_1723 : i32 to index
        %swap3A_1725 = arith.constant 0 : index
        %swap3A_1726 = tpu.vector_load %arg13[%swap3A_1724, %swap3A_1725] {strides = array<i32>} : memref<80x128xf32, #tpu.memory_space<vmem>>, vector<1x16xf32>,
        %swap3A_1727 = vector.shape_cast %swap3A_1726 : vector<1x16xf32> to vector<16xf32>
        %swap3A_1728 = vector.shape_cast %mul3A_1721 : vector<16xf32> to vector<1x16xf32>
        tpu.vector_store %arg13[%swap3A_1724, %swap3A_1725], %swap3A_1728 {strides = array<i32>} : memref<80x128xf32, #tpu.memory_space<vmem>>, vector<1x16xf32>,
        %add3A_1729 = arith.constant 14 : i32
        %add3A_1730 = arith.addi %mul3A_103, %add3A_1729 : i32
        %get3A_1731 = arith.index_cast %add3A_1730 : i32 to index
        %get3A_1732 = arith.constant 16 : index
        %get3A_1733 = tpu.vector_load %arg13[%get3A_1731, %get3A_1732] {strides = array<i32>} : memref<80x128xf32, #tpu.memory_space<vmem>>, vector<1x16xf32>,
        %get3A_1734 = vector.shape_cast %get3A_1733 : vector<1x16xf32> to vector<16xf32>
        %mul3A_1735 = arith.mulf %get3A_1734, %broadcast_in_dim3A_1714 : vector<16xf32>
        %add3A_1736 = arith.constant 14 : i32
        %add3A_1737 = arith.addi %mul3A_103, %add3A_1736 : i32
        %swap3A_1738 = arith.index_cast %add3A_1737 : i32 to index
        %swap3A_1739 = arith.constant 16 : index
        %swap3A_1740 = tpu.vector_load %arg13[%swap3A_1738, %swap3A_1739] {strides = array<i32>} : memref<80x128xf32, #tpu.memory_space<vmem>>, vector<1x16xf32>,
        %swap3A_1741 = vector.shape_cast %swap3A_1740 : vector<1x16xf32> to vector<16xf32>
        %swap3A_1742 = vector.shape_cast %mul3A_1735 : vector<16xf32> to vector<1x16xf32>
        tpu.vector_store %arg13[%swap3A_1738, %swap3A_1739], %swap3A_1742 {strides = array<i32>} : memref<80x128xf32, #tpu.memory_space<vmem>>, vector<1x16xf32>,
        %add3A_1743 = arith.constant 14 : i32
        %add3A_1744 = arith.addi %mul3A_103, %add3A_1743 : i32
        %get3A_1745 = arith.index_cast %add3A_1744 : i32 to index
        %get3A_1746 = arith.constant 32 : index
        %get3A_1747 = tpu.vector_load %arg13[%get3A_1745, %get3A_1746] {strides = array<i32>} : memref<80x128xf32, #tpu.memory_space<vmem>>, vector<1x16xf32>,
        %get3A_1748 = vector.shape_cast %get3A_1747 : vector<1x16xf32> to vector<16xf32>
        %mul3A_1749 = arith.mulf %get3A_1748, %broadcast_in_dim3A_1714 : vector<16xf32>
        %add3A_1750 = arith.constant 14 : i32
        %add3A_1751 = arith.addi %mul3A_103, %add3A_1750 : i32
        %swap3A_1752 = arith.index_cast %add3A_1751 : i32 to index
        %swap3A_1753 = arith.constant 32 : index
        %swap3A_1754 = tpu.vector_load %arg13[%swap3A_1752, %swap3A_1753] {strides = array<i32>} : memref<80x128xf32, #tpu.memory_space<vmem>>, vector<1x16xf32>,
        %swap3A_1755 = vector.shape_cast %swap3A_1754 : vector<1x16xf32> to vector<16xf32>
        %swap3A_1756 = vector.shape_cast %mul3A_1749 : vector<16xf32> to vector<1x16xf32>
        tpu.vector_store %arg13[%swap3A_1752, %swap3A_1753], %swap3A_1756 {strides = array<i32>} : memref<80x128xf32, #tpu.memory_space<vmem>>, vector<1x16xf32>,
        %add3A_1757 = arith.constant 14 : i32
        %add3A_1758 = arith.addi %mul3A_103, %add3A_1757 : i32
        %get3A_1759 = arith.index_cast %add3A_1758 : i32 to index
        %get3A_1760 = arith.constant 48 : index
        %get3A_1761 = tpu.vector_load %arg13[%get3A_1759, %get3A_1760] {strides = array<i32>} : memref<80x128xf32, #tpu.memory_space<vmem>>, vector<1x16xf32>,
        %get3A_1762 = vector.shape_cast %get3A_1761 : vector<1x16xf32> to vector<16xf32>
        %mul3A_1763 = arith.mulf %get3A_1762, %broadcast_in_dim3A_1714 : vector<16xf32>
        %add3A_1764 = arith.constant 14 : i32
        %add3A_1765 = arith.addi %mul3A_103, %add3A_1764 : i32
        %swap3A_1766 = arith.index_cast %add3A_1765 : i32 to index
        %swap3A_1767 = arith.constant 48 : index
        %swap3A_1768 = tpu.vector_load %arg13[%swap3A_1766, %swap3A_1767] {strides = array<i32>} : memref<80x128xf32, #tpu.memory_space<vmem>>, vector<1x16xf32>,
        %swap3A_1769 = vector.shape_cast %swap3A_1768 : vector<1x16xf32> to vector<16xf32>
        %swap3A_1770 = vector.shape_cast %mul3A_1763 : vector<16xf32> to vector<1x16xf32>
        tpu.vector_store %arg13[%swap3A_1766, %swap3A_1767], %swap3A_1770 {strides = array<i32>} : memref<80x128xf32, #tpu.memory_space<vmem>>, vector<1x16xf32>,
        %add3A_1771 = arith.constant 14 : i32
        %add3A_1772 = arith.addi %mul3A_103, %add3A_1771 : i32
        %get3A_1773 = arith.index_cast %add3A_1772 : i32 to index
        %get3A_1774 = arith.constant 64 : index
        %get3A_1775 = tpu.vector_load %arg13[%get3A_1773, %get3A_1774] {strides = array<i32>} : memref<80x128xf32, #tpu.memory_space<vmem>>, vector<1x16xf32>,
        %get3A_1776 = vector.shape_cast %get3A_1775 : vector<1x16xf32> to vector<16xf32>
        %mul3A_1777 = arith.mulf %get3A_1776, %broadcast_in_dim3A_1714 : vector<16xf32>
        %add3A_1778 = arith.constant 14 : i32
        %add3A_1779 = arith.addi %mul3A_103, %add3A_1778 : i32
        %swap3A_1780 = arith.index_cast %add3A_1779 : i32 to index
        %swap3A_1781 = arith.constant 64 : index
        %swap3A_1782 = tpu.vector_load %arg13[%swap3A_1780, %swap3A_1781] {strides = array<i32>} : memref<80x128xf32, #tpu.memory_space<vmem>>, vector<1x16xf32>,
        %swap3A_1783 = vector.shape_cast %swap3A_1782 : vector<1x16xf32> to vector<16xf32>
        %swap3A_1784 = vector.shape_cast %mul3A_1777 : vector<16xf32> to vector<1x16xf32>
        tpu.vector_store %arg13[%swap3A_1780, %swap3A_1781], %swap3A_1784 {strides = array<i32>} : memref<80x128xf32, #tpu.memory_space<vmem>>, vector<1x16xf32>,
        %add3A_1785 = arith.constant 14 : i32
        %add3A_1786 = arith.addi %mul3A_103, %add3A_1785 : i32
        %get3A_1787 = arith.index_cast %add3A_1786 : i32 to index
        %get3A_1788 = arith.constant 80 : index
        %get3A_1789 = tpu.vector_load %arg13[%get3A_1787, %get3A_1788] {strides = array<i32>} : memref<80x128xf32, #tpu.memory_space<vmem>>, vector<1x16xf32>,
        %get3A_1790 = vector.shape_cast %get3A_1789 : vector<1x16xf32> to vector<16xf32>
        %mul3A_1791 = arith.mulf %get3A_1790, %broadcast_in_dim3A_1714 : vector<16xf32>
        %add3A_1792 = arith.constant 14 : i32
        %add3A_1793 = arith.addi %mul3A_103, %add3A_1792 : i32
        %swap3A_1794 = arith.index_cast %add3A_1793 : i32 to index
        %swap3A_1795 = arith.constant 80 : index
        %swap3A_1796 = tpu.vector_load %arg13[%swap3A_1794, %swap3A_1795] {strides = array<i32>} : memref<80x128xf32, #tpu.memory_space<vmem>>, vector<1x16xf32>,
        %swap3A_1797 = vector.shape_cast %swap3A_1796 : vector<1x16xf32> to vector<16xf32>
        %swap3A_1798 = vector.shape_cast %mul3A_1791 : vector<16xf32> to vector<1x16xf32>
        tpu.vector_store %arg13[%swap3A_1794, %swap3A_1795], %swap3A_1798 {strides = array<i32>} : memref<80x128xf32, #tpu.memory_space<vmem>>, vector<1x16xf32>,
        %add3A_1799 = arith.constant 14 : i32
        %add3A_1800 = arith.addi %mul3A_103, %add3A_1799 : i32
        %get3A_1801 = arith.index_cast %add3A_1800 : i32 to index
        %get3A_1802 = arith.constant 96 : index
        %get3A_1803 = tpu.vector_load %arg13[%get3A_1801, %get3A_1802] {strides = array<i32>} : memref<80x128xf32, #tpu.memory_space<vmem>>, vector<1x16xf32>,
        %get3A_1804 = vector.shape_cast %get3A_1803 : vector<1x16xf32> to vector<16xf32>
        %mul3A_1805 = arith.mulf %get3A_1804, %broadcast_in_dim3A_1714 : vector<16xf32>
        %add3A_1806 = arith.constant 14 : i32
        %add3A_1807 = arith.addi %mul3A_103, %add3A_1806 : i32
        %swap3A_1808 = arith.index_cast %add3A_1807 : i32 to index
        %swap3A_1809 = arith.constant 96 : index
        %swap3A_1810 = tpu.vector_load %arg13[%swap3A_1808, %swap3A_1809] {strides = array<i32>} : memref<80x128xf32, #tpu.memory_space<vmem>>, vector<1x16xf32>,
        %swap3A_1811 = vector.shape_cast %swap3A_1810 : vector<1x16xf32> to vector<16xf32>
        %swap3A_1812 = vector.shape_cast %mul3A_1805 : vector<16xf32> to vector<1x16xf32>
        tpu.vector_store %arg13[%swap3A_1808, %swap3A_1809], %swap3A_1812 {strides = array<i32>} : memref<80x128xf32, #tpu.memory_space<vmem>>, vector<1x16xf32>,
        %add3A_1813 = arith.constant 14 : i32
        %add3A_1814 = arith.addi %mul3A_103, %add3A_1813 : i32
        %get3A_1815 = arith.index_cast %add3A_1814 : i32 to index
        %get3A_1816 = arith.constant 112 : index
        %get3A_1817 = tpu.vector_load %arg13[%get3A_1815, %get3A_1816] {strides = array<i32>} : memref<80x128xf32, #tpu.memory_space<vmem>>, vector<1x16xf32>,
        %get3A_1818 = vector.shape_cast %get3A_1817 : vector<1x16xf32> to vector<16xf32>
        %mul3A_1819 = arith.mulf %get3A_1818, %broadcast_in_dim3A_1714 : vector<16xf32>
        %add3A_1820 = arith.constant 14 : i32
        %add3A_1821 = arith.addi %mul3A_103, %add3A_1820 : i32
        %swap3A_1822 = arith.index_cast %add3A_1821 : i32 to index
        %swap3A_1823 = arith.constant 112 : index
        %swap3A_1824 = tpu.vector_load %arg13[%swap3A_1822, %swap3A_1823] {strides = array<i32>} : memref<80x128xf32, #tpu.memory_space<vmem>>, vector<1x16xf32>,
        %swap3A_1825 = vector.shape_cast %swap3A_1824 : vector<1x16xf32> to vector<16xf32>
        %swap3A_1826 = vector.shape_cast %mul3A_1819 : vector<16xf32> to vector<1x16xf32>
        tpu.vector_store %arg13[%swap3A_1822, %swap3A_1823], %swap3A_1826 {strides = array<i32>} : memref<80x128xf32, #tpu.memory_space<vmem>>, vector<1x16xf32>,
        %slice3A_1827 = vector.extract_strided_slice %get3A_81 {offsets = [15], sizes = [1], strides = [1]} : vector<16xf32> to vector<1xf32>
        %squeeze3A_1828 = vector.extract %slice3A_1827[0] : f32 from vector<1xf32>
        %broadcast_in_dim3A_1829 = vector.broadcast %squeeze3A_1828 : f32 to vector<16xf32>
        %add3A_1830 = arith.constant 15 : i32
        %add3A_1831 = arith.addi %mul3A_103, %add3A_1830 : i32
        %get3A_1832 = arith.index_cast %add3A_1831 : i32 to index
        %get3A_1833 = arith.constant 0 : index
        %get3A_1834 = tpu.vector_load %arg13[%get3A_1832, %get3A_1833] {strides = array<i32>} : memref<80x128xf32, #tpu.memory_space<vmem>>, vector<1x16xf32>,
        %get3A_1835 = vector.shape_cast %get3A_1834 : vector<1x16xf32> to vector<16xf32>
        %mul3A_1836 = arith.mulf %get3A_1835, %broadcast_in_dim3A_1829 : vector<16xf32>
        %add3A_1837 = arith.constant 15 : i32
        %add3A_1838 = arith.addi %mul3A_103, %add3A_1837 : i32
        %swap3A_1839 = arith.index_cast %add3A_1838 : i32 to index
        %swap3A_1840 = arith.constant 0 : index
        %swap3A_1841 = tpu.vector_load %arg13[%swap3A_1839, %swap3A_1840] {strides = array<i32>} : memref<80x128xf32, #tpu.memory_space<vmem>>, vector<1x16xf32>,
        %swap3A_1842 = vector.shape_cast %swap3A_1841 : vector<1x16xf32> to vector<16xf32>
        %swap3A_1843 = vector.shape_cast %mul3A_1836 : vector<16xf32> to vector<1x16xf32>
        tpu.vector_store %arg13[%swap3A_1839, %swap3A_1840], %swap3A_1843 {strides = array<i32>} : memref<80x128xf32, #tpu.memory_space<vmem>>, vector<1x16xf32>,
        %add3A_1844 = arith.constant 15 : i32
        %add3A_1845 = arith.addi %mul3A_103, %add3A_1844 : i32
        %get3A_1846 = arith.index_cast %add3A_1845 : i32 to index
        %get3A_1847 = arith.constant 16 : index
        %get3A_1848 = tpu.vector_load %arg13[%get3A_1846, %get3A_1847] {strides = array<i32>} : memref<80x128xf32, #tpu.memory_space<vmem>>, vector<1x16xf32>,
        %get3A_1849 = vector.shape_cast %get3A_1848 : vector<1x16xf32> to vector<16xf32>
        %mul3A_1850 = arith.mulf %get3A_1849, %broadcast_in_dim3A_1829 : vector<16xf32>
        %add3A_1851 = arith.constant 15 : i32
        %add3A_1852 = arith.addi %mul3A_103, %add3A_1851 : i32
        %swap3A_1853 = arith.index_cast %add3A_1852 : i32 to index
        %swap3A_1854 = arith.constant 16 : index
        %swap3A_1855 = tpu.vector_load %arg13[%swap3A_1853, %swap3A_1854] {strides = array<i32>} : memref<80x128xf32, #tpu.memory_space<vmem>>, vector<1x16xf32>,
        %swap3A_1856 = vector.shape_cast %swap3A_1855 : vector<1x16xf32> to vector<16xf32>
        %swap3A_1857 = vector.shape_cast %mul3A_1850 : vector<16xf32> to vector<1x16xf32>
        tpu.vector_store %arg13[%swap3A_1853, %swap3A_1854], %swap3A_1857 {strides = array<i32>} : memref<80x128xf32, #tpu.memory_space<vmem>>, vector<1x16xf32>,
        %add3A_1858 = arith.constant 15 : i32
        %add3A_1859 = arith.addi %mul3A_103, %add3A_1858 : i32
        %get3A_1860 = arith.index_cast %add3A_1859 : i32 to index
        %get3A_1861 = arith.constant 32 : index
        %get3A_1862 = tpu.vector_load %arg13[%get3A_1860, %get3A_1861] {strides = array<i32>} : memref<80x128xf32, #tpu.memory_space<vmem>>, vector<1x16xf32>,
        %get3A_1863 = vector.shape_cast %get3A_1862 : vector<1x16xf32> to vector<16xf32>
        %mul3A_1864 = arith.mulf %get3A_1863, %broadcast_in_dim3A_1829 : vector<16xf32>
        %add3A_1865 = arith.constant 15 : i32
        %add3A_1866 = arith.addi %mul3A_103, %add3A_1865 : i32
        %swap3A_1867 = arith.index_cast %add3A_1866 : i32 to index
        %swap3A_1868 = arith.constant 32 : index
        %swap3A_1869 = tpu.vector_load %arg13[%swap3A_1867, %swap3A_1868] {strides = array<i32>} : memref<80x128xf32, #tpu.memory_space<vmem>>, vector<1x16xf32>,
        %swap3A_1870 = vector.shape_cast %swap3A_1869 : vector<1x16xf32> to vector<16xf32>
        %swap3A_1871 = vector.shape_cast %mul3A_1864 : vector<16xf32> to vector<1x16xf32>
        tpu.vector_store %arg13[%swap3A_1867, %swap3A_1868], %swap3A_1871 {strides = array<i32>} : memref<80x128xf32, #tpu.memory_space<vmem>>, vector<1x16xf32>,
        %add3A_1872 = arith.constant 15 : i32
        %add3A_1873 = arith.addi %mul3A_103, %add3A_1872 : i32
        %get3A_1874 = arith.index_cast %add3A_1873 : i32 to index
        %get3A_1875 = arith.constant 48 : index
        %get3A_1876 = tpu.vector_load %arg13[%get3A_1874, %get3A_1875] {strides = array<i32>} : memref<80x128xf32, #tpu.memory_space<vmem>>, vector<1x16xf32>,
        %get3A_1877 = vector.shape_cast %get3A_1876 : vector<1x16xf32> to vector<16xf32>
        %mul3A_1878 = arith.mulf %get3A_1877, %broadcast_in_dim3A_1829 : vector<16xf32>
        %add3A_1879 = arith.constant 15 : i32
        %add3A_1880 = arith.addi %mul3A_103, %add3A_1879 : i32
        %swap3A_1881 = arith.index_cast %add3A_1880 : i32 to index
        %swap3A_1882 = arith.constant 48 : index
        %swap3A_1883 = tpu.vector_load %arg13[%swap3A_1881, %swap3A_1882] {strides = array<i32>} : memref<80x128xf32, #tpu.memory_space<vmem>>, vector<1x16xf32>,
        %swap3A_1884 = vector.shape_cast %swap3A_1883 : vector<1x16xf32> to vector<16xf32>
        %swap3A_1885 = vector.shape_cast %mul3A_1878 : vector<16xf32> to vector<1x16xf32>
        tpu.vector_store %arg13[%swap3A_1881, %swap3A_1882], %swap3A_1885 {strides = array<i32>} : memref<80x128xf32, #tpu.memory_space<vmem>>, vector<1x16xf32>,
        %add3A_1886 = arith.constant 15 : i32
        %add3A_1887 = arith.addi %mul3A_103, %add3A_1886 : i32
        %get3A_1888 = arith.index_cast %add3A_1887 : i32 to index
        %get3A_1889 = arith.constant 64 : index
        %get3A_1890 = tpu.vector_load %arg13[%get3A_1888, %get3A_1889] {strides = array<i32>} : memref<80x128xf32, #tpu.memory_space<vmem>>, vector<1x16xf32>,
        %get3A_1891 = vector.shape_cast %get3A_1890 : vector<1x16xf32> to vector<16xf32>
        %mul3A_1892 = arith.mulf %get3A_1891, %broadcast_in_dim3A_1829 : vector<16xf32>
        %add3A_1893 = arith.constant 15 : i32
        %add3A_1894 = arith.addi %mul3A_103, %add3A_1893 : i32
        %swap3A_1895 = arith.index_cast %add3A_1894 : i32 to index
        %swap3A_1896 = arith.constant 64 : index
        %swap3A_1897 = tpu.vector_load %arg13[%swap3A_1895, %swap3A_1896] {strides = array<i32>} : memref<80x128xf32, #tpu.memory_space<vmem>>, vector<1x16xf32>,
        %swap3A_1898 = vector.shape_cast %swap3A_1897 : vector<1x16xf32> to vector<16xf32>
        %swap3A_1899 = vector.shape_cast %mul3A_1892 : vector<16xf32> to vector<1x16xf32>
        tpu.vector_store %arg13[%swap3A_1895, %swap3A_1896], %swap3A_1899 {strides = array<i32>} : memref<80x128xf32, #tpu.memory_space<vmem>>, vector<1x16xf32>,
        %add3A_1900 = arith.constant 15 : i32
        %add3A_1901 = arith.addi %mul3A_103, %add3A_1900 : i32
        %get3A_1902 = arith.index_cast %add3A_1901 : i32 to index
        %get3A_1903 = arith.constant 80 : index
        %get3A_1904 = tpu.vector_load %arg13[%get3A_1902, %get3A_1903] {strides = array<i32>} : memref<80x128xf32, #tpu.memory_space<vmem>>, vector<1x16xf32>,
        %get3A_1905 = vector.shape_cast %get3A_1904 : vector<1x16xf32> to vector<16xf32>
        %mul3A_1906 = arith.mulf %get3A_1905, %broadcast_in_dim3A_1829 : vector<16xf32>
        %add3A_1907 = arith.constant 15 : i32
        %add3A_1908 = arith.addi %mul3A_103, %add3A_1907 : i32
        %swap3A_1909 = arith.index_cast %add3A_1908 : i32 to index
        %swap3A_1910 = arith.constant 80 : index
        %swap3A_1911 = tpu.vector_load %arg13[%swap3A_1909, %swap3A_1910] {strides = array<i32>} : memref<80x128xf32, #tpu.memory_space<vmem>>, vector<1x16xf32>,
        %swap3A_1912 = vector.shape_cast %swap3A_1911 : vector<1x16xf32> to vector<16xf32>
        %swap3A_1913 = vector.shape_cast %mul3A_1906 : vector<16xf32> to vector<1x16xf32>
        tpu.vector_store %arg13[%swap3A_1909, %swap3A_1910], %swap3A_1913 {strides = array<i32>} : memref<80x128xf32, #tpu.memory_space<vmem>>, vector<1x16xf32>,
        %add3A_1914 = arith.constant 15 : i32
        %add3A_1915 = arith.addi %mul3A_103, %add3A_1914 : i32
        %get3A_1916 = arith.index_cast %add3A_1915 : i32 to index
        %get3A_1917 = arith.constant 96 : index
        %get3A_1918 = tpu.vector_load %arg13[%get3A_1916, %get3A_1917] {strides = array<i32>} : memref<80x128xf32, #tpu.memory_space<vmem>>, vector<1x16xf32>,
        %get3A_1919 = vector.shape_cast %get3A_1918 : vector<1x16xf32> to vector<16xf32>
        %mul3A_1920 = arith.mulf %get3A_1919, %broadcast_in_dim3A_1829 : vector<16xf32>
        %add3A_1921 = arith.constant 15 : i32
        %add3A_1922 = arith.addi %mul3A_103, %add3A_1921 : i32
        %swap3A_1923 = arith.index_cast %add3A_1922 : i32 to index
        %swap3A_1924 = arith.constant 96 : index
        %swap3A_1925 = tpu.vector_load %arg13[%swap3A_1923, %swap3A_1924] {strides = array<i32>} : memref<80x128xf32, #tpu.memory_space<vmem>>, vector<1x16xf32>,
        %swap3A_1926 = vector.shape_cast %swap3A_1925 : vector<1x16xf32> to vector<16xf32>
        %swap3A_1927 = vector.shape_cast %mul3A_1920 : vector<16xf32> to vector<1x16xf32>
        tpu.vector_store %arg13[%swap3A_1923, %swap3A_1924], %swap3A_1927 {strides = array<i32>} : memref<80x128xf32, #tpu.memory_space<vmem>>, vector<1x16xf32>,
        %add3A_1928 = arith.constant 15 : i32
        %add3A_1929 = arith.addi %mul3A_103, %add3A_1928 : i32
        %get3A_1930 = arith.index_cast %add3A_1929 : i32 to index
        %get3A_1931 = arith.constant 112 : index
        %get3A_1932 = tpu.vector_load %arg13[%get3A_1930, %get3A_1931] {strides = array<i32>} : memref<80x128xf32, #tpu.memory_space<vmem>>, vector<1x16xf32>,
        %get3A_1933 = vector.shape_cast %get3A_1932 : vector<1x16xf32> to vector<16xf32>
        %mul3A_1934 = arith.mulf %get3A_1933, %broadcast_in_dim3A_1829 : vector<16xf32>
        %add3A_1935 = arith.constant 15 : i32
        %add3A_1936 = arith.addi %mul3A_103, %add3A_1935 : i32
        %swap3A_1937 = arith.index_cast %add3A_1936 : i32 to index
        %swap3A_1938 = arith.constant 112 : index
        %swap3A_1939 = tpu.vector_load %arg13[%swap3A_1937, %swap3A_1938] {strides = array<i32>} : memref<80x128xf32, #tpu.memory_space<vmem>>, vector<1x16xf32>,
        %swap3A_1940 = vector.shape_cast %swap3A_1939 : vector<1x16xf32> to vector<16xf32>
        %swap3A_1941 = vector.shape_cast %mul3A_1934 : vector<16xf32> to vector<1x16xf32>
        tpu.vector_store %arg13[%swap3A_1937, %swap3A_1938], %swap3A_1941 {strides = array<i32>} : memref<80x128xf32, #tpu.memory_space<vmem>>, vector<1x16xf32>,
      }
      %scan3A_66 = arith.constant 5 : i32
      %dma_start3A_67 = arith.constant 0 : i32
      %dma_start3A_68 = arith.constant 0 : i32
      %dma_start3A_69 = tpu.memref_slice %arg16[%dma_start3A_67, %dma_start3A_68] : memref<128x128xf32, #tpu.memory_space<vmem_shared>> -> memref<128x128xf32, #tpu.memory_space<vmem_shared>>
      tpu.enqueue_indirect_dma source(%dma_start3A_69 : memref<128x128xf32, #tpu.memory_space<vmem_shared>>) target(%arg14 : memref<80x128xf32, #tpu.memory_space<vmem>>) offsets(%arg11 : memref<80xi32, #tpu.memory_space<vmem>>) semaphore(%arg20 : memref<!tpu.dma_semaphore, #tpu.memory_space<semaphore_mem>>)
      %dma_wait3A_70 = arith.constant 0 : i32
      %dma_wait3A_71 = arith.constant 0 : i32
      %dma_wait3A_72 = tpu.memref_slice %arg16[%dma_wait3A_70, %dma_wait3A_71] : memref<128x128xf32, #tpu.memory_space<vmem_shared>> -> memref<128x128xf32, #tpu.memory_space<vmem_shared>>
      tpu.wait_indirect_dma semaphore(%arg20 : memref<!tpu.dma_semaphore, #tpu.memory_space<semaphore_mem>>) src(%dma_wait3A_72 : memref<128x128xf32, #tpu.memory_space<vmem_shared>>) dst(%arg14 : memref<80x128xf32, #tpu.memory_space<vmem>>)
      "tpu.region"() ({
        %run_scoped3A = tpu.sem_alloc : memref<!tpu.dma_semaphore, #tpu.memory_space<semaphore_mem>>
        %dma_start3A_73 = arith.constant 0 : i32
        %dma_start3A_74 = arith.constant 0 : i32
        %dma_start3A_75 = tpu.memref_slice %arg17[%dma_start3A_73, %dma_start3A_74] : memref<10240x128xf32, #tpu.memory_space<vmem_shared>> -> memref<10240x128xf32, #tpu.memory_space<vmem_shared>>
        tpu.enqueue_indirect_dma source(%arg13 : memref<80x128xf32, #tpu.memory_space<vmem>>) target(%dma_start3A_75 : memref<10240x128xf32, #tpu.memory_space<vmem_shared>>) offsets(%arg9 : memref<80xi32, #tpu.memory_space<vmem>>) semaphore(%run_scoped3A : memref<!tpu.dma_semaphore, #tpu.memory_space<semaphore_mem>>) {add = true}
        %dma_wait3A_76 = arith.constant 0 : i32
        %dma_wait3A_77 = arith.constant 0 : i32
        %dma_wait3A_78 = tpu.memref_slice %arg17[%dma_wait3A_76, %dma_wait3A_77] : memref<10240x128xf32, #tpu.memory_space<vmem_shared>> -> memref<10240x128xf32, #tpu.memory_space<vmem_shared>>
        tpu.wait_indirect_dma semaphore(%run_scoped3A : memref<!tpu.dma_semaphore, #tpu.memory_space<semaphore_mem>>) src(%arg13 : memref<80x128xf32, #tpu.memory_space<vmem>>) dst(%dma_wait3A_78 : memref<10240x128xf32, #tpu.memory_space<vmem_shared>>)
        tpu.yield
      }) : () -> ()
      "tpu.region"() ({
        %run_scoped3A = tpu.sem_alloc : memref<!tpu.dma_semaphore, #tpu.memory_space<semaphore_mem>>
        %dma_start3A_73 = arith.constant 0 : i32
        %dma_start3A_74 = arith.constant 0 : i32
        %dma_start3A_75 = tpu.memref_slice %arg18[%dma_start3A_73, %dma_start3A_74] : memref<80x128xf32, #tpu.memory_space<vmem_shared>> -> memref<80x128xf32, #tpu.memory_space<vmem_shared>>
        tpu.enqueue_indirect_dma source(%arg14 : memref<80x128xf32, #tpu.memory_space<vmem>>) target(%dma_start3A_75 : memref<80x128xf32, #tpu.memory_space<vmem_shared>>) offsets(%arg10 : memref<80xi32, #tpu.memory_space<vmem>>) semaphore(%run_scoped3A : memref<!tpu.dma_semaphore, #tpu.memory_space<semaphore_mem>>) {add = true}
        %dma_wait3A_76 = arith.constant 0 : i32
        %dma_wait3A_77 = arith.constant 0 : i32
        %dma_wait3A_78 = tpu.memref_slice %arg18[%dma_wait3A_76, %dma_wait3A_77] : memref<80x128xf32, #tpu.memory_space<vmem_shared>> -> memref<80x128xf32, #tpu.memory_space<vmem_shared>>
        tpu.wait_indirect_dma semaphore(%run_scoped3A : memref<!tpu.dma_semaphore, #tpu.memory_space<semaphore_mem>>) src(%arg14 : memref<80x128xf32, #tpu.memory_space<vmem>>) dst(%dma_wait3A_78 : memref<80x128xf32, #tpu.memory_space<vmem_shared>>)
        tpu.yield
      }) : () -> ()
    }
    %scan3A_39 = arith.constant 125 : i32
    %barrier3A_40 = arith.constant 0 : index
    tpu.barrier barrier_id(%barrier3A_40)
    %mul3A_41 = arith.constant 640 : i32
    %mul3A_42 = arith.muli %arg1, %mul3A_41 : i32
    %mul3A_43 = arith.constant 640 : i32
    %mul3A_44 = arith.muli %arg1, %mul3A_43 : i32
    "tpu.region"() ({
      %run_scoped3A = tpu.sem_alloc : memref<!tpu.dma_semaphore, #tpu.memory_space<semaphore_mem>>
      %dma_start3A = arith.constant 0 : i32
      %dma_start3A_50 = tpu.memref_slice %arg6[%arg0, %mul3A_44, %dma_start3A] : memref<2x10240x128xf32, #tpu.memory_space<hbm>> -> memref<1x640x128xf32, #tpu.memory_space<hbm>>
      %dma_start3A_51 = tpu.memref_squeeze %dma_start3A_50 : memref<1x640x128xf32, #tpu.memory_space<hbm>> -> memref<640x128xf32, #tpu.memory_space<hbm>>
      %dma_start3A_52 = arith.constant 0 : i32
      %dma_start3A_53 = tpu.memref_slice %arg17[%mul3A_42, %dma_start3A_52] : memref<10240x128xf32, #tpu.memory_space<vmem_shared>> -> memref<640x128xf32, #tpu.memory_space<vmem_shared>>
      tpu.enqueue_dma source(%dma_start3A_53 : memref<640x128xf32, #tpu.memory_space<vmem_shared>>) target(%dma_start3A_51 : memref<640x128xf32, #tpu.memory_space<hbm>>) target_semaphore(%run_scoped3A : memref<!tpu.dma_semaphore, #tpu.memory_space<semaphore_mem>>)
      %dma_wait3A = arith.constant 0 : i32
      %dma_wait3A_54 = tpu.memref_slice %arg6[%arg0, %mul3A_44, %dma_wait3A] : memref<2x10240x128xf32, #tpu.memory_space<hbm>> -> memref<1x640x128xf32, #tpu.memory_space<hbm>>
      %dma_wait3A_55 = tpu.memref_squeeze %dma_wait3A_54 : memref<1x640x128xf32, #tpu.memory_space<hbm>> -> memref<640x128xf32, #tpu.memory_space<hbm>>
      %dma_wait3A_56 = arith.constant 0 : i32
      %dma_wait3A_57 = tpu.memref_slice %arg17[%mul3A_42, %dma_wait3A_56] : memref<10240x128xf32, #tpu.memory_space<vmem_shared>> -> memref<640x128xf32, #tpu.memory_space<vmem_shared>>
      tpu.wait_dma2 semaphore(%run_scoped3A : memref<!tpu.dma_semaphore, #tpu.memory_space<semaphore_mem>>) src(%dma_wait3A_57 : memref<640x128xf32, #tpu.memory_space<vmem_shared>>) dst(%dma_wait3A_55 : memref<640x128xf32, #tpu.memory_space<hbm>>)
      tpu.yield
    }) : () -> ()
    %eq3A_45 = arith.constant 0 : i32
    %eq3A_46 = arith.cmpi eq, %arg1, %eq3A_45 : i32
    %convert_element_type3A_47 = arith.extui %eq3A_46 : i1 to i32
    %cond3A_48 = arith.constant 0 : i32
    %cond3A_49 = arith.cmpi ne, %convert_element_type3A_47, %cond3A_48 : i32
    scf.if %cond3A_49 {
      "tpu.region"() ({
        %run_scoped3A = tpu.sem_alloc : memref<!tpu.dma_semaphore, #tpu.memory_space<semaphore_mem>>
        %dma_start3A = arith.constant 0 : i32
        %dma_start3A_50 = arith.constant 0 : i32
        %dma_start3A_51 = tpu.memref_slice %arg7[%arg0, %dma_start3A, %dma_start3A_50] : memref<2x80x128xf32, #tpu.memory_space<hbm>> -> memref<1x80x128xf32, #tpu.memory_space<hbm>>
        %dma_start3A_52 = tpu.memref_squeeze %dma_start3A_51 : memref<1x80x128xf32, #tpu.memory_space<hbm>> -> memref<80x128xf32, #tpu.memory_space<hbm>>
        tpu.enqueue_dma source(%arg18 : memref<80x128xf32, #tpu.memory_space<vmem_shared>>) target(%dma_start3A_52 : memref<80x128xf32, #tpu.memory_space<hbm>>) target_semaphore(%run_scoped3A : memref<!tpu.dma_semaphore, #tpu.memory_space<semaphore_mem>>)
        %dma_wait3A = arith.constant 0 : i32
        %dma_wait3A_53 = arith.constant 0 : i32
        %dma_wait3A_54 = tpu.memref_slice %arg7[%arg0, %dma_wait3A, %dma_wait3A_53] : memref<2x80x128xf32, #tpu.memory_space<hbm>> -> memref<1x80x128xf32, #tpu.memory_space<hbm>>
        %dma_wait3A_55 = tpu.memref_squeeze %dma_wait3A_54 : memref<1x80x128xf32, #tpu.memory_space<hbm>> -> memref<80x128xf32, #tpu.memory_space<hbm>>
        tpu.wait_dma2 semaphore(%run_scoped3A : memref<!tpu.dma_semaphore, #tpu.memory_space<semaphore_mem>>) src(%arg18 : memref<80x128xf32, #tpu.memory_space<vmem_shared>>) dst(%dma_wait3A_55 : memref<80x128xf32, #tpu.memory_space<hbm>>)
        tpu.yield
      }) : () -> ()
    } else {
    }
    return
  }
}

module attributes {stable_mosaic.version = 14 : i64} {
  func.func @_mlp_body(%arg0: i32, %arg1: memref<2x1000x128xf32, #tpu.memory_space<vmem>>, %arg2: memref<1000x1xf32, #tpu.memory_space<vmem>>, %arg3: memref<128x128xf32, #tpu.memory_space<vmem>>, %arg4: memref<1x128xf32, #tpu.memory_space<vmem>>, %arg5: memref<128x128xf32, #tpu.memory_space<vmem>>, %arg6: memref<1x128xf32, #tpu.memory_space<vmem>>, %arg7: memref<1000x128xf32, #tpu.memory_space<vmem>>, %arg8: memref<1000x128xf32, #tpu.memory_space<vmem>>, %arg9: memref<2x128xf32, #tpu.memory_space<vmem>>) attributes {dimension_semantics = [#tpu.dimension_semantics<arbitrary>], iteration_bounds = array<i64: 10>, scalar_prefetch = 0 : i64, scratch_operands = 0 : i64, tpu.core_type = #tpu.core_type<tc>, window_params = [{transform_indices = @transform_0, window_bounds = array<i64: 2, 1000, 128>}, {transform_indices = @transform_1, window_bounds = array<i64: 1000, 1>}, {pipeline_mode = #tpu.pipeline_mode<synchronous>, transform_indices = @transform_2, window_bounds = array<i64: 128, 128>}, {pipeline_mode = #tpu.pipeline_mode<synchronous>, transform_indices = @transform_3, window_bounds = array<i64: 1, 128>}, {pipeline_mode = #tpu.pipeline_mode<synchronous>, transform_indices = @transform_4, window_bounds = array<i64: 128, 128>}, {pipeline_mode = #tpu.pipeline_mode<synchronous>, transform_indices = @transform_5, window_bounds = array<i64: 1, 128>}, {transform_indices = @transform_6, window_bounds = array<i64: 1000, 128>}, {transform_indices = @transform_7, window_bounds = array<i64: 1000, 128>}, {pipeline_mode = #tpu.pipeline_mode<synchronous>, transform_indices = @transform_8, window_bounds = array<i64: 2, 128>}]} {
    %get3A = arith.constant 0 : index
    %get3A_0 = arith.constant 0 : index
    %get3A_1 = arith.constant 0 : index
    %get3A_2 = vector.load %arg1[%get3A, %get3A_0, %get3A_1] : memref<2x1000x128xf32, #tpu.memory_space<vmem>>, vector<1x1000x128xf32>
    %get3A_3 = vector.shape_cast %get3A_2 : vector<1x1000x128xf32> to vector<1000x128xf32>
    %get3A_4 = arith.constant 1 : index
    %get3A_5 = arith.constant 0 : index
    %get3A_6 = arith.constant 0 : index
    %get3A_7 = vector.load %arg1[%get3A_4, %get3A_5, %get3A_6] : memref<2x1000x128xf32, #tpu.memory_space<vmem>>, vector<1x1000x128xf32>
    %get3A_8 = vector.shape_cast %get3A_7 : vector<1x1000x128xf32> to vector<1000x128xf32>
    %add3A = arith.addf %get3A_3, %get3A_8 : vector<1000x128xf32>
    %get3A_9 = arith.constant 0 : index
    %get3A_10 = arith.constant 0 : index
    %get3A_11 = vector.load %arg2[%get3A_9, %get3A_10] : memref<1000x1xf32, #tpu.memory_space<vmem>>, vector<1000x1xf32>
    %max3A = arith.constant 1.000000e+00 : f32
    %max3A_12 = vector.broadcast %max3A : f32 to vector<1000x1xf32>
    %max3A_13 = arith.maximumf %get3A_11, %max3A_12 : vector<1000x1xf32>
    %div3A = vector.broadcast %max3A_13 : vector<1000x1xf32> to vector<1000x128xf32>
    %div3A_14 = arith.divf %add3A, %div3A : vector<1000x128xf32>
    %get3A_15 = arith.constant 0 : index
    %get3A_16 = arith.constant 0 : index
    %get3A_17 = vector.load %arg3[%get3A_15, %get3A_16] : memref<128x128xf32, #tpu.memory_space<vmem>>, vector<128x128xf32>
    %dot_general3A = arith.constant dense<0.000000e+00> : vector<1000x128xf32>
    %dot_general3A_18 = tpu.matmul %div3A_14, %get3A_17, %dot_general3A {dimension_numbers = #tpu.dot_dimension_numbers<[1], [0], [0], [1], [0, 0, 1, 1], [], []>, precision = #tpu.contract_precision<fp32>, transpose_lhs_hint = false} : vector<1000x128xf32>, vector<128x128xf32>, vector<1000x128xf32> -> vector<1000x128xf32>
    %get3A_19 = arith.constant 0 : index
    %get3A_20 = arith.constant 0 : index
    %get3A_21 = vector.load %arg4[%get3A_19, %get3A_20] : memref<1x128xf32, #tpu.memory_space<vmem>>, vector<1x128xf32>
    %add3A_22 = vector.broadcast %get3A_21 : vector<1x128xf32> to vector<1000x128xf32>
    %add3A_23 = arith.addf %dot_general3A_18, %add3A_22 : vector<1000x128xf32>
    %max3A_24 = arith.constant 0.000000e+00 : f32
    %max3A_25 = vector.broadcast %max3A_24 : f32 to vector<1000x128xf32>
    %max3A_26 = arith.maximumf %add3A_23, %max3A_25 : vector<1000x128xf32>
    %get3A_27 = arith.constant 0 : index
    %get3A_28 = arith.constant 0 : index
    %get3A_29 = vector.load %arg5[%get3A_27, %get3A_28] : memref<128x128xf32, #tpu.memory_space<vmem>>, vector<128x128xf32>
    %dot_general3A_30 = arith.constant dense<0.000000e+00> : vector<1000x128xf32>
    %dot_general3A_31 = tpu.matmul %max3A_26, %get3A_29, %dot_general3A_30 {dimension_numbers = #tpu.dot_dimension_numbers<[1], [0], [0], [1], [0, 0, 1, 1], [], []>, precision = #tpu.contract_precision<fp32>, transpose_lhs_hint = false} : vector<1000x128xf32>, vector<128x128xf32>, vector<1000x128xf32> -> vector<1000x128xf32>
    %get3A_32 = arith.constant 0 : index
    %get3A_33 = arith.constant 0 : index
    %get3A_34 = vector.load %arg6[%get3A_32, %get3A_33] : memref<1x128xf32, #tpu.memory_space<vmem>>, vector<1x128xf32>
    %add3A_35 = vector.broadcast %get3A_34 : vector<1x128xf32> to vector<1000x128xf32>
    %add3A_36 = arith.addf %dot_general3A_31, %add3A_35 : vector<1000x128xf32>
    %max3A_37 = arith.constant 0.000000e+00 : f32
    %max3A_38 = vector.broadcast %max3A_37 : f32 to vector<1000x128xf32>
    %max3A_39 = arith.maximumf %add3A_36, %max3A_38 : vector<1000x128xf32>
    %swap3A = arith.constant 0 : index
    %swap3A_40 = arith.constant 0 : index
    %swap3A_41 = vector.load %arg7[%swap3A, %swap3A_40] : memref<1000x128xf32, #tpu.memory_space<vmem>>, vector<1000x128xf32>
    tpu.vector_store %arg7[%swap3A, %swap3A_40], %div3A_14 {strides = array<i32>} : memref<1000x128xf32, #tpu.memory_space<vmem>>, vector<1000x128xf32>,
    %swap3A_42 = arith.constant 0 : index
    %swap3A_43 = arith.constant 0 : index
    %swap3A_44 = vector.load %arg8[%swap3A_42, %swap3A_43] : memref<1000x128xf32, #tpu.memory_space<vmem>>, vector<1000x128xf32>
    tpu.vector_store %arg8[%swap3A_42, %swap3A_43], %max3A_39 {strides = array<i32>} : memref<1000x128xf32, #tpu.memory_space<vmem>>, vector<1000x128xf32>,
    %eq3A = arith.constant 0 : i32
    %eq3A_45 = arith.cmpi eq, %arg0, %eq3A : i32
    %convert_element_type3A = arith.extui %eq3A_45 : i1 to i32
    %cond3A = arith.constant 0 : i32
    %cond3A_46 = arith.cmpi ne, %convert_element_type3A, %cond3A : i32
    scf.if %cond3A_46 {
      %broadcast_in_dim3A_65 = arith.constant 0.000000e+00 : f32
      %broadcast_in_dim3A_66 = vector.broadcast %broadcast_in_dim3A_65 : f32 to vector<2x128xf32>
      %swap3A_67 = arith.constant 0 : index
      %swap3A_68 = arith.constant 0 : index
      %swap3A_69 = vector.load %arg9[%swap3A_67, %swap3A_68] : memref<2x128xf32, #tpu.memory_space<vmem>>, vector<2x128xf32>
      tpu.vector_store %arg9[%swap3A_67, %swap3A_68], %broadcast_in_dim3A_66 {strides = array<i32>} : memref<2x128xf32, #tpu.memory_space<vmem>>, vector<2x128xf32>,
    } else {
    }
    %get3A_47 = arith.constant 0 : index
    %get3A_48 = arith.constant 0 : index
    %get3A_49 = vector.load %arg9[%get3A_47, %get3A_48] : memref<2x128xf32, #tpu.memory_space<vmem>>, vector<1x128xf32>
    %reduce_sum3A = arith.constant dense<0.000000e+00> : vector<128xf32>
    %reduce_sum3A_50 = vector.multi_reduction <add>, %max3A_39, %reduce_sum3A [0] : vector<1000x128xf32> to vector<128xf32>
    %broadcast_in_dim3A = vector.shape_cast %reduce_sum3A_50 : vector<128xf32> to vector<1x128xf32>
    %add3A_51 = arith.addf %get3A_49, %broadcast_in_dim3A : vector<1x128xf32>
    %swap3A_52 = arith.constant 0 : index
    %swap3A_53 = arith.constant 0 : index
    %swap3A_54 = vector.load %arg9[%swap3A_52, %swap3A_53] : memref<2x128xf32, #tpu.memory_space<vmem>>, vector<1x128xf32>
    tpu.vector_store %arg9[%swap3A_52, %swap3A_53], %add3A_51 {strides = array<i32>} : memref<2x128xf32, #tpu.memory_space<vmem>>, vector<1x128xf32>,
    %get3A_55 = arith.constant 1 : index
    %get3A_56 = arith.constant 0 : index
    %get3A_57 = vector.load %arg9[%get3A_55, %get3A_56] : memref<2x128xf32, #tpu.memory_space<vmem>>, vector<1x128xf32>
    %mul3A = arith.mulf %max3A_39, %max3A_39 : vector<1000x128xf32>
    %reduce_sum3A_58 = arith.constant dense<0.000000e+00> : vector<128xf32>
    %reduce_sum3A_59 = vector.multi_reduction <add>, %mul3A, %reduce_sum3A_58 [0] : vector<1000x128xf32> to vector<128xf32>
    %broadcast_in_dim3A_60 = vector.shape_cast %reduce_sum3A_59 : vector<128xf32> to vector<1x128xf32>
    %add3A_61 = arith.addf %get3A_57, %broadcast_in_dim3A_60 : vector<1x128xf32>
    %swap3A_62 = arith.constant 1 : index
    %swap3A_63 = arith.constant 0 : index
    %swap3A_64 = vector.load %arg9[%swap3A_62, %swap3A_63] : memref<2x128xf32, #tpu.memory_space<vmem>>, vector<1x128xf32>
    tpu.vector_store %arg9[%swap3A_62, %swap3A_63], %add3A_61 {strides = array<i32>} : memref<2x128xf32, #tpu.memory_space<vmem>>, vector<1x128xf32>,
    return
  }
  func.func @transform_0(%arg0: i32) -> (i32, i32, i32) {
    %c0_i32 = arith.constant 0 : i32
    %c0_i32_0 = arith.constant 0 : i32
    %c0_i32_1 = arith.constant 0 : i32
    return %c0_i32, %arg0, %c0_i32_0 : i32, i32, i32
  }
  func.func @transform_1(%arg0: i32) -> (i32, i32) {
    %c0_i32 = arith.constant 0 : i32
    %c0_i32_0 = arith.constant 0 : i32
    return %arg0, %c0_i32 : i32, i32
  }
  func.func @transform_2(%arg0: i32) -> (i32, i32) {
    %c0_i32 = arith.constant 0 : i32
    %c0_i32_0 = arith.constant 0 : i32
    %c0_i32_1 = arith.constant 0 : i32
    return %c0_i32, %c0_i32_0 : i32, i32
  }
  func.func @transform_3(%arg0: i32) -> (i32, i32) {
    %c0_i32 = arith.constant 0 : i32
    %c0_i32_0 = arith.constant 0 : i32
    %c0_i32_1 = arith.constant 0 : i32
    return %c0_i32, %c0_i32_0 : i32, i32
  }
  func.func @transform_4(%arg0: i32) -> (i32, i32) {
    %c0_i32 = arith.constant 0 : i32
    %c0_i32_0 = arith.constant 0 : i32
    %c0_i32_1 = arith.constant 0 : i32
    return %c0_i32, %c0_i32_0 : i32, i32
  }
  func.func @transform_5(%arg0: i32) -> (i32, i32) {
    %c0_i32 = arith.constant 0 : i32
    %c0_i32_0 = arith.constant 0 : i32
    %c0_i32_1 = arith.constant 0 : i32
    return %c0_i32, %c0_i32_0 : i32, i32
  }
  func.func @transform_6(%arg0: i32) -> (i32, i32) {
    %c0_i32 = arith.constant 0 : i32
    %c0_i32_0 = arith.constant 0 : i32
    return %arg0, %c0_i32 : i32, i32
  }
  func.func @transform_7(%arg0: i32) -> (i32, i32) {
    %c0_i32 = arith.constant 0 : i32
    %c0_i32_0 = arith.constant 0 : i32
    return %arg0, %c0_i32 : i32, i32
  }
  func.func @transform_8(%arg0: i32) -> (i32, i32) {
    %c0_i32 = arith.constant 0 : i32
    %c0_i32_0 = arith.constant 0 : i32
    %c0_i32_1 = arith.constant 0 : i32
    return %c0_i32, %c0_i32_0 : i32, i32
  }
}

module attributes {stable_mosaic.version = 14 : i64} {
  func.func @_bn_body(%arg0: i32, %arg1: memref<1000x128xf32, #tpu.memory_space<vmem>>, %arg2: memref<1000x128xf32, #tpu.memory_space<vmem>>, %arg3: memref<2x128xf32, #tpu.memory_space<vmem>>, %arg4: memref<1x128xf32, #tpu.memory_space<vmem>>, %arg5: memref<1x128xf32, #tpu.memory_space<vmem>>, %arg6: memref<1000x128xf32, #tpu.memory_space<vmem>>) attributes {dimension_semantics = [#tpu.dimension_semantics<arbitrary>], iteration_bounds = array<i64: 10>, scalar_prefetch = 0 : i64, scratch_operands = 0 : i64, tpu.core_type = #tpu.core_type<tc>, window_params = [{transform_indices = @transform_0, window_bounds = array<i64: 1000, 128>}, {transform_indices = @transform_1, window_bounds = array<i64: 1000, 128>}, {pipeline_mode = #tpu.pipeline_mode<synchronous>, transform_indices = @transform_2, window_bounds = array<i64: 2, 128>}, {pipeline_mode = #tpu.pipeline_mode<synchronous>, transform_indices = @transform_3, window_bounds = array<i64: 1, 128>}, {pipeline_mode = #tpu.pipeline_mode<synchronous>, transform_indices = @transform_4, window_bounds = array<i64: 1, 128>}, {transform_indices = @transform_5, window_bounds = array<i64: 1000, 128>}]} {
    %get3A = arith.constant 0 : index
    %get3A_0 = arith.constant 0 : index
    %get3A_1 = vector.load %arg3[%get3A, %get3A_0] : memref<2x128xf32, #tpu.memory_space<vmem>>, vector<1x128xf32>
    %div3A = arith.constant 1.000000e+04 : f32
    %div3A_2 = vector.broadcast %div3A : f32 to vector<1x128xf32>
    %div3A_3 = arith.divf %get3A_1, %div3A_2 : vector<1x128xf32>
    %get3A_4 = arith.constant 1 : index
    %get3A_5 = arith.constant 0 : index
    %get3A_6 = vector.load %arg3[%get3A_4, %get3A_5] : memref<2x128xf32, #tpu.memory_space<vmem>>, vector<1x128xf32>
    %div3A_7 = arith.constant 1.000000e+04 : f32
    %div3A_8 = vector.broadcast %div3A_7 : f32 to vector<1x128xf32>
    %div3A_9 = arith.divf %get3A_6, %div3A_8 : vector<1x128xf32>
    %mul3A = arith.mulf %div3A_3, %div3A_3 : vector<1x128xf32>
    %sub3A = arith.subf %div3A_9, %mul3A : vector<1x128xf32>
    %add3A = arith.constant 9.99999974E-6 : f32
    %add3A_10 = vector.broadcast %add3A : f32 to vector<1x128xf32>
    %add3A_11 = arith.addf %sub3A, %add3A_10 : vector<1x128xf32>
    %rsqrt3A = math.rsqrt %add3A_11 : vector<1x128xf32>
    %get3A_12 = arith.constant 0 : index
    %get3A_13 = arith.constant 0 : index
    %get3A_14 = vector.load %arg1[%get3A_12, %get3A_13] : memref<1000x128xf32, #tpu.memory_space<vmem>>, vector<1000x128xf32>
    %sub3A_15 = vector.broadcast %div3A_3 : vector<1x128xf32> to vector<1000x128xf32>
    %sub3A_16 = arith.subf %get3A_14, %sub3A_15 : vector<1000x128xf32>
    %mul3A_17 = vector.broadcast %rsqrt3A : vector<1x128xf32> to vector<1000x128xf32>
    %mul3A_18 = arith.mulf %sub3A_16, %mul3A_17 : vector<1000x128xf32>
    %get3A_19 = arith.constant 0 : index
    %get3A_20 = arith.constant 0 : index
    %get3A_21 = vector.load %arg4[%get3A_19, %get3A_20] : memref<1x128xf32, #tpu.memory_space<vmem>>, vector<1x128xf32>
    %mul3A_22 = vector.broadcast %get3A_21 : vector<1x128xf32> to vector<1000x128xf32>
    %mul3A_23 = arith.mulf %mul3A_18, %mul3A_22 : vector<1000x128xf32>
    %get3A_24 = arith.constant 0 : index
    %get3A_25 = arith.constant 0 : index
    %get3A_26 = vector.load %arg5[%get3A_24, %get3A_25] : memref<1x128xf32, #tpu.memory_space<vmem>>, vector<1x128xf32>
    %add3A_27 = vector.broadcast %get3A_26 : vector<1x128xf32> to vector<1000x128xf32>
    %add3A_28 = arith.addf %mul3A_23, %add3A_27 : vector<1000x128xf32>
    %get3A_29 = arith.constant 0 : index
    %get3A_30 = arith.constant 0 : index
    %get3A_31 = vector.load %arg2[%get3A_29, %get3A_30] : memref<1000x128xf32, #tpu.memory_space<vmem>>, vector<1000x128xf32>
    %add3A_32 = arith.addf %add3A_28, %get3A_31 : vector<1000x128xf32>
    %swap3A = arith.constant 0 : index
    %swap3A_33 = arith.constant 0 : index
    %swap3A_34 = vector.load %arg6[%swap3A, %swap3A_33] : memref<1000x128xf32, #tpu.memory_space<vmem>>, vector<1000x128xf32>
    tpu.vector_store %arg6[%swap3A, %swap3A_33], %add3A_32 {strides = array<i32>} : memref<1000x128xf32, #tpu.memory_space<vmem>>, vector<1000x128xf32>,
    return
  }
  func.func @transform_0(%arg0: i32) -> (i32, i32) {
    %c0_i32 = arith.constant 0 : i32
    %c0_i32_0 = arith.constant 0 : i32
    return %arg0, %c0_i32 : i32, i32
  }
  func.func @transform_1(%arg0: i32) -> (i32, i32) {
    %c0_i32 = arith.constant 0 : i32
    %c0_i32_0 = arith.constant 0 : i32
    return %arg0, %c0_i32 : i32, i32
  }
  func.func @transform_2(%arg0: i32) -> (i32, i32) {
    %c0_i32 = arith.constant 0 : i32
    %c0_i32_0 = arith.constant 0 : i32
    %c0_i32_1 = arith.constant 0 : i32
    return %c0_i32, %c0_i32_0 : i32, i32
  }
  func.func @transform_3(%arg0: i32) -> (i32, i32) {
    %c0_i32 = arith.constant 0 : i32
    %c0_i32_0 = arith.constant 0 : i32
    %c0_i32_1 = arith.constant 0 : i32
    return %c0_i32, %c0_i32_0 : i32, i32
  }
  func.func @transform_4(%arg0: i32) -> (i32, i32) {
    %c0_i32 = arith.constant 0 : i32
    %c0_i32_0 = arith.constant 0 : i32
    %c0_i32_1 = arith.constant 0 : i32
    return %c0_i32, %c0_i32_0 : i32, i32
  }
  func.func @transform_5(%arg0: i32) -> (i32, i32) {
    %c0_i32 = arith.constant 0 : i32
    %c0_i32_0 = arith.constant 0 : i32
    return %arg0, %c0_i32 : i32, i32
  }
}

</mosaic_0001>

<sc_bundles>
// kernel: kernel.5.cloned.1.call-start
scs
__scs_entry_jumppad:
0x0: {  	(pc) =	sbr.rel $0x88, $3  }
0x1: {  	(tag) =	ssettag $0x0;
	lr =	simm.s32 $0x1  }
0x2: {  	[smem:$0x3F98] =	sst lr;
	_ =	strace $0xD0000000  }
0x3: {  	_ = 	snop  }
0x4: {  	_ = 	snop  }
0x5: {  	_ = 	snop  }
0x6: {  	_ = 	snop  }
0x7: {  	_ = 	snop  }
__scs_overlays_trampoline_lowered:
0x8: {  	[smem:$0x3FA7] =	sst s0  }
0x9: {  	[smem:$0x3FA8] =	sst s1  }
0xa: {  	[smem:$0x3FA9] =	sst s2  }
0xb: {  	[smem:$0x3FAA] =	sst s3  }
0xc: {  	[smem:$0x3FAB] =	sst s4  }
0xd: {  	[smem:$0x3FAC] =	sst s5  }
0xe: {  	[smem:$0x3FAD] =	sst s6  }
0xf: {  	[smem:$0x3FAE] =	sst s7  }
0x10: {  	[smem:$0x3FAF] =	sst s8  }
0x11: {  	[smem:$0x3FB0] =	sst s9;
	s0 =	simm.s32 @!p0 $0x0  }
0x12: {  	s1 =	sld [smem:$0x3F96];
	s0 =	simm.s32 @p0 $0x1  }
0x13: {  	[smem:$0x3FB1] =	sst s0;
	s0 =	simm.s32 @!p1 $0x0  }
0x14: {  	s2 =	sld [smem:$0x3F95];
	s0 =	simm.s32 @p1 $0x1  }
0x15: {  	[smem:$0x3FB2] =	sst s0;
	s0 =	simm.s32 @!p2 $0x0  }
0x16: {  	s3 =	sld [smem:$0x3FDB];
	s0 =	simm.s32 @p2 $0x1  }
0x17: {  	s4 =	simm.s32 $0x1BF5;
	[smem:$0x3FB4] =	sst s0  }
0x18: {  	s0 =	sld [smem:$0x3F97];
	_ =	swait.ge [sflag:s4], $0x0  }
0x19: {  	s7 =	sld [smem:$0x3F98]  }
0x1a: {  	s8 =	sadd.s32 $0xFFFFE003, lr  }
0x1b: {  	s9 =	sadd.s32 $0xFFFFFEF7, lr;
	s5 =	simm.s32 $0xFFFFFFFF;
	p2 =	slt.u32 s8, $0xFFFFF086  }
0x1c: {  	p1 =	slt.u32 s9, $0xF7A;
	s5 =	simm.s32 @!p2 $0x0  }
0x1d: {  	s5 =	simm.s32 @p1 $0x1;
	p0 =	seq.s32 s7, s2  }
0x1e: {  	s7 =	smul.u32 @!p0 $0xF7A, s2;
	p2 =	seq.s32 @!p0 s5, $0x0  }
0x1f: {  	s9 =	smul.u32 $0xF7A, s1;
	s8 =	simm.s32 @!p0 $0x1BF5;
	p2 =	por !p2, p0  }
0x20: {  	[sflag:s8] =	ssyncset.s32 @!p0 $0xFFFFF086;
	s6 =	sadd.s32 @!p0 s3, s7;
	s7 =	simm.s32 @!p0 $0x108  }
0x21: {  	s3 =	sadd.s32 s3, s9;
	s6 =	sadd.s32 @!p0 $0x88, s6;
	s7 =	simm.s32 @p2 $0x1082  }
0x22: {  	[simem:s7], [sflag:s8] =	dma.local @!p0 [hbm:s6], $0xF7A  }
0x23: {  	s9 =	sor.u32 $0xD0000000, s2;
	s6 =	simm.s32 $0x108;
	_ =	swait.ge @!p0 [sflag:s8], $0x0  }
0x24: {  	s3 =	sadd.s32 $0x88, s3;
	s6 =	simm.s32 @!p1 $0x1082;
	[sflag:s4] =	ssyncset.s32 $0xFFFFF086  }
0x25: {  	[simem:s6], [sflag:s4] =	dma.local [hbm:s3], $0xF7A  }
0x26: {  	[smem:$0x3F98] =	sst s1;
	(tag) =	ssettag s2;
	_ =	strace s9  }
0x27: {  	s1 =	sld [smem:$0x3FA8]  }
0x28: {  	s2 =	sld [smem:$0x3FA9]  }
0x29: {  	s4 =	sld [smem:$0x3FAB]  }
0x2a: {  	p0 =	seq.s32 s5, $0x0;
	s5 =	sld [smem:$0x3FAC]  }
0x2b: {  	s6 =	sld [smem:$0x3FAD]  }
0x2c: {  	s7 =	sld [smem:$0x3FAE]  }
0x2d: {  	s3 =	simm.s32 $0x108;
	s8 =	sld [smem:$0x3FAF]  }
0x2e: {  	s3 =	simm.s32 @!p0 $0x1082;
	s9 =	sld [smem:$0x3FB0]  }
0x2f: {  	lr =	sadd.s32 s0, s3;
	s0 =	sld [smem:$0x3FA7]  }
0x30: {  	s3 =	sld [smem:$0x3FAA]  }
0x31: {  	[smem:$0x3FB3] =	sst s10  }
0x32: {  	s10 =	sld [smem:$0x3FB1];
	_ =	sdelay $0x3  }
0x33: {  	p0 =	seq.s32 s10, $0x1;
	s10 =	sld [smem:$0x3FB3];
	_ =	sdelay $0x3  }
0x34: {  	[smem:$0x3FB3] =	sst s10  }
0x35: {  	s10 =	sld [smem:$0x3FB2];
	_ =	sdelay $0x3  }
0x36: {  	p1 =	seq.s32 s10, $0x1;
	s10 =	sld [smem:$0x3FB3];
	_ =	sdelay $0x3  }
0x37: {  	[smem:$0x3FB3] =	sst s10  }
0x38: {  	s10 =	sld [smem:$0x3FB4]  }
0x39: {  	_ = 	snop;
	(pc) =	sbr.ind lr, $3  }
0x3a: {  	_ = 	snop  }
0x3b: {  	_ = 	snop  }
0x3c: {  	p2 =	seq.s32 s10, $0x1;
	s10 =	sld [smem:$0x3FB3]  }
0x3d: {  	_ =	shalt  }
0x3e: {  	_ =	shalt  }
0x3f: {  	_ =	shalt  }
0x40: {  	_ =	shalt  }
0x41: {  	_ =	shalt  }
0x42: {  	_ =	shalt  }
0x43: {  	_ =	shalt  }
0x44: {  	_ =	shalt  }
0x45: {  	_ =	shalt  }
0x46: {  	_ =	shalt  }
0x47: {  	_ =	shalt  }
0x48: {  	_ =	shalt  }
0x49: {  	_ =	shalt  }
0x4a: {  	_ =	shalt  }
0x4b: {  	_ =	shalt  }
0x4c: {  	_ =	shalt  }
0x4d: {  	_ =	shalt  }
0x4e: {  	_ =	shalt  }
0x4f: {  	_ =	shalt  }
0x50: {  	_ =	shalt  }
0x51: {  	_ =	shalt  }
0x52: {  	_ =	shalt  }
0x53: {  	_ =	shalt  }
0x54: {  	_ =	shalt  }
0x55: {  	_ =	shalt  }
0x56: {  	_ =	shalt  }
0x57: {  	_ =	shalt  }
0x58: {  	_ =	shalt  }
0x59: {  	_ =	shalt  }
0x5a: {  	_ =	shalt  }
0x5b: {  	_ =	shalt  }
0x5c: {  	_ =	shalt  }
0x5d: {  	_ =	shalt  }
0x5e: {  	_ =	shalt  }
0x5f: {  	_ =	shalt  }
0x60: {  	_ =	shalt  }
0x61: {  	_ =	shalt  }
0x62: {  	_ =	shalt  }
0x63: {  	_ =	shalt  }
0x64: {  	_ =	shalt  }
0x65: {  	_ =	shalt  }
0x66: {  	_ =	shalt  }
0x67: {  	_ =	shalt  }
0x68: {  	_ =	shalt  }
0x69: {  	_ =	shalt  }
0x6a: {  	_ =	shalt  }
0x6b: {  	_ =	shalt  }
0x6c: {  	_ =	shalt  }
0x6d: {  	_ =	shalt  }
0x6e: {  	_ =	shalt  }
0x6f: {  	_ =	shalt  }
0x70: {  	_ =	shalt  }
0x71: {  	_ =	shalt  }
0x72: {  	_ =	shalt  }
0x73: {  	_ =	shalt  }
0x74: {  	_ =	shalt  }
0x75: {  	_ =	shalt  }
0x76: {  	_ =	shalt  }
0x77: {  	_ =	shalt  }
0x78: {  	_ =	shalt  }
0x79: {  	_ =	shalt  }
0x7a: {  	_ =	shalt  }
0x7b: {  	_ =	shalt  }
0x7c: {  	_ =	shalt  }
0x7d: {  	_ =	shalt  }
0x7e: {  	_ =	shalt  }
0x7f: {  	_ =	shalt  }
0x80: {  	_ =	shalt  }
0x81: {  	_ =	shalt  }
0x82: {  	_ =	shalt  }
0x83: {  	_ =	shalt  }
0x84: {  	_ =	shalt  }
0x85: {  	_ =	shalt  }
0x86: {  	_ =	shalt  }
0x87: {  	_ =	shalt  }
.Lfunc_end0:
.L_simem_size_0:
called_computation_lowered:
.L_overlay_start_0:
0x88: {  	s2 =	sld [smem:$0x3FD9]  }
0x89: {  	s3 =	sld [smem:$0x3FFE];
	_ =	sdelay $0x1  }
0x8a: {  	s1 =	srdreg.scid  }
0x8b: {  	s0 =	sand.u32 $0x1, s1  }
0x8c: {  	s17 =	sshll.u32 s0, $0xA;
	s2 =	sadd.s32 s3, s2  }
0x8d: {  	s2 =	sadd.s32 s2, s17  }
0x8e: {  	[smem:$0x3FBF] =	sst s2  }
0x8f: {  	_ = 	snop  }
0x90: {  	s2 =	sld [smem:$0x3FC9]  }
0x91: {  	s18 =	sld [smem:$0x3FD0];
	(tm) =	ssettm $0x1  }
0x92: {  	s4 =	sld [smem:$0x3FFB];
	_ =	sdelay $0x3  }
0x93: {  	_ =	strace s4  }
0x94: {  	s4 =	sld [smem:$0x3FFC];
	_ =	sdelay $0x3  }
0x95: {  	_ =	strace s4  }
0x96: {  	s4 =	sld [smem:$0x3FFD];
	_ =	sdelay $0x3  }
0x97: {  	_ =	strace s4  }
0x98: {  	_ =	strace $0x8FFFFFFF  }
0x99: {  	s19 =	sld [smem:$0x3FDB];
	_ =	sdelay $0x1  }
0x9a: {  	s5 =	simm.s32 $_scs_section_size  }
0x9b: {  	s6 =	simm.s32 $_size__tile_overlayer_lowered;
	s7 =	simm.s32 $_tile_overlayer_lowered  }
0x9c: {  	s22 =	simm.s32 $0x1BFF;
	s21 =	sshll.u32 s7, $0x1;
	s4 =	sadd.s32 s5, s19  }
0x9d: {  	s8 =	simm.s32 $0x0;
	s20 =	sshll.u32 s6, $0x1;
	s6 =	sadd.s32 s21, s4  }
0x9e: {  	[timem:s8], [sflag:s22] =	dma.local [hbm:s6], s20  }
0x9f: {  	_ =	swait.ge [sflag:s22], s20  }
0xa0: {  	s5 =	ssub.s32 $0x0, s20;
	[sflag:s22] =	ssyncset.done $0x0  }
0xa1: {  	[sflag:s22] =	ssyncadd.s32 s5;
	_ =	sdelay $0x1  }
0xa2: {  	s23 =	simm.s32 $0x1B8B  }
0xa3: {  	_ =	swait.ge [sflag:s23], $0x1  }
0xa4: {  	[sflag:s23] =	ssyncset.done $0x0  }
0xa5: {  	s25 =	simm.s32 $0x1B8E;
	s24 =	sld [smem:$0x3FFE];
	[sflag:s23] =	ssyncadd.s32 $0xFFFFFFFF  }
0xa6: {  	s26 =	simm.s32 $execute0_lowered;
	[smem:$0x3FD2] =	sst s25  }
0xa7: {  	s6 =	sshll.u32 s26, $0x1;
	_ =	strace $0x80000046;
	[dreg:$0x1] =	wrdreg $0xFFFFFFFF  }
0xa8: {  	s28 =	simm.s32 $_size_execute0_lowered;
	s4 =	sadd.s32 s4, s6;
	[dreg:$0x0] =	wrdreg $0x0  }
0xa9: {  	s6 =	sshll.u32 s28, $0x1;
	[dreg:$0x2] =	wrdreg s4  }
0xaa: {  	[dreg:$0x3] =	wrdreg s6  }
0xab: {  	[dreg:$0x4] =	wrdreg $0xC0  }
0xac: {  	_ =	task [dreg:s8], $0x5FFFF  }
0xad: {  	[dreg:$0x1] =	wrdreg $0xFFFFFFFF  }
0xae: {  	[dreg:$0x0] =	wrdreg $0x60  }
0xaf: {  	[dreg:$0x2] =	wrdreg s2  }
0xb0: {  	[dreg:$0x3] =	wrdreg s24  }
0xb1: {  	[dreg:$0x4] =	wrdreg s18  }
0xb2: {  	[dreg:$0x5] =	wrdreg $0x92800  }
0xb3: {  	[dreg:$0x6] =	wrdreg $0x96800  }
0xb4: {  	[dreg:$0x7] =	wrdreg $0x1D6800  }
0xb5: {  	[dreg:$0x8] =	wrdreg $0x9  }
0xb6: {  	_ =	task.clear_ibuf [dreg:s8], $0x9FFFF;
	_ =	strace $0x90000046  }
0xb7: {  	s29 =	simm.s32 $0x9;
	_ =	strace $0x80000048  }
0xb8: {  	_ =	swait.ge [sflag:s29], $0x1  }
0xb9: {  	[sflag:s29] =	ssyncadd.s32 $0xFFFFFFFF  }
0xba: {  	_ =	strace $0x90000048  }
0xbb: {  	_ =	sfence  }
0xbc: {  	s30 =	sld [smem:$0x0];
	_ =	sdelay $0x2  }
0xbd: {  	s31 =	sshll.u32 s1, $0xD;
	s1 =	sshrl.u32 s1, $0x2  }
0xbe: {  	s3 =	sand.u32 $0x4000, s31;
	s1 =	sadd.s32 s1, s30  }
0xbf: {  	s0 =	sor.u32 s3, s0;
	s1 =	sshll.u32 s1, $0x11  }
0xc0: {  	s0 =	sor.u32 s1, s0  }
0xc1: {  	s0 =	sadd.s32 $0x8F2B, s0  }
0xc2: {  	[sflag:s0] =	ssyncadd.remote.s32 $0x1  }
0xc3: {  	_ =	sfence.sel $0xFFFF  }
0xc4: {  	[dreg:$0x0] =	wrdreg $0xFFFFFFFF;
	(pc) =	sbr.abs _section_cstart, $3  }
0xc5: {  	[dreg:$0x1] =	wrdreg $0xFFFFFFFF  }
0xc6: {  	_ =	task.clear_ibuf [dreg:s8], $0x2FFFF;
	_ =	strace $0x9FFFFFFF  }
0xc7: {  	(tm) =	ssettm $0x7FFFFFFF  }
tec
execute0_lowered:
.L_overlay_start_1:
0x0: {  	(tag) =	ssettag $0x1  }
0x1: {  	s0 =	rddreg [dreg:$0x0]  }
0x2: {  	s4 =	rddreg [dreg:$0x1]  }
0x3: {  	s1 =	rddreg [dreg:$0x2]  }
0x4: {  	s2 =	rddreg [dreg:$0x3]  }
0x5: {  	s3 =	rddreg [dreg:$0x4];
	s6 =	srdreg.scid  }
0x6: {  	s5 =	rddreg [dreg:$0x5];
	s19 =	stileid.u32;
	s7 =	simm.s32 $0x0  }
0x7: {  	s20 =	simm.s32 $0x3;
	s21 =	simm.s32 $0x80;
	s22 =	simm.s32 $0x200  }
0x8: {  	s23 =	simm.s32 $0x50;
	s24 =	simm.s32 $0x280;
	s28 =	simm.s32 $0x2A80  }
0x9: {  	s29 =	simm.s32 $0x2;
	s30 =	simm.s32 $0x100;
	s9 =	smul.u32 $0x14000, s19  }
0xa: {  	s6 =	sand.u32 $0x1, s6;
	[smem:$0x7FF] =	sst s7;
	s12 =	smul.u32 $0x50000, s19  }
0xb: {  	s26 =	sshll.u32 s19, $0x1;
	p0 =	sne.s32 s19, $0x0;
	s8 =	smul.u32 $0x140000, s6  }
0xc: {  	s19 =	simm.s32 $0x5280;
	_ =	strace $0x80000047;
	s10 =	smul.u32 $0x500, s6  }
0xd: {  	s13 =	ssub.s32 $0x2, s6;
	s6 =	sor.u32 s6, s26;
	s26 =	simm.s32 $0x180  }
0xe: {  	s25 =	sshrl.u32 s13, $0x1;
	s12 =	sshrl.u32 s12, $0x2;
	s15 =	smul.u32 $0x2710, s6  }
0xf: {  	s9 =	sadd.s32 s9, s8;
	s8 =	sadd.s32 $0xA00, s4;
	s18 =	ssub.s32 s13, s25  }
0x10: {  	s25 =	simm.s32 $0x1;
	s11 =	sshrl.u32 s9, $0x3;
	s9 =	sadd.s32 $0xA800, s4  }
0x11: {  	v0 =	vlaneseq.u32;
	s11 =	sadd.s32 s11, s4;
	s4 =	sadd.s32 s10, s4;
	s10 =	sadd.s32 s12, s3  }
0x12: {  	v1 =	vimm.f32 $0.0e+00;
	v2 =	vor.u32 $0x10, v0;
	s18 =	smax.u32 s18, $0x1;
	s12 =	sadd.s32 $0x4000, s10;
	s31 =	sadd.s32 $0x8000, s10  }
0x13: {  	v3 =	vor.u32 $0x20, v0;
	v4 =	vor.u32 $0x30, v0;
	v5 =	vor.u32 $0x40, v0;
	s13 =	sadd.s32 $0xC000, s10;
	s14 =	sadd.s32 $0x10000, s10;
	[dreg:$0x7] =	wrdreg s12  }
0x14: {  	v6 =	vor.u32 $0x50, v0;
	v7 =	vor.u32 $0x60, v0;
	v8 =	vor.u32 $0x70, v0;
	s16 =	sadd.s32 $0x15000, s11;
	s17 =	sadd.s32 $0x14600, s4;
	[dreg:$0x8] =	wrdreg s31  }
.LBB2_1:
0x15: {  	s4 =	simm.s32 $0x0;
	s6 =	simm.s32 $0x200  }
.LBB2_2:
0x16: {  	p1 =	sne.s32 s6, $0xFE00;
	[tilespmem:s4+$0x52F0] =	vst v1  }
0x17: {  	[tilespmem:s4+$0x5280] =	vst v1  }
0x18: {  	[tilespmem:s4+$0x5290] =	vst v1  }
.Ltmp0:
0x19: {  	[tilespmem:s4+$0x52A0] =	vst v1;
	(pc) =	sbr.rel @p1 .LBB2_2-.Ltmp0, $4  }
0x1a: {  	[tilespmem:s4+$0x52B0] =	vst v1  }
0x1b: {  	[tilespmem:s4+$0x52C0] =	vst v1  }
0x1c: {  	[tilespmem:s4+$0x52D0] =	vst v1  }
0x1d: {  	[tilespmem:s4+$0x52E0] =	vst v1;
	s4 =	sshra.s32 s6, $0x2;
	s6 =	sadd.s32 $0x200, s6  }
0x1e: {  	[tilespmem:s4+$0x52F0] =	vst v1  }
0x1f: {  	[tilespmem:s4+$0x5280] =	vst v1  }
0x20: {  	[tilespmem:s4+$0x5290] =	vst v1  }
0x21: {  	[tilespmem:s4+$0x52A0] =	vst v1  }
0x22: {  	[tilespmem:s4+$0x52B0] =	vst v1;
	s6 =	simm.s32 $0x0  }
0x23: {  	[tilespmem:s4+$0x52C0] =	vst v1;
	v9 =	vmov s6  }
0x24: {  	[tilespmem:s4+$0x52D0] =	vst v1;
	vm0 =	veq.s32 v9, v0;
	vm10 =	veq.s32 v9, v8  }
0x25: {  	[tilespmem:s4+$0x52E0] =	vst v1;
	vm1 =	veq.s32 v9, v7;
	vm11 =	veq.s32 v9, v6;
	v10 =	vsel vm0, $0x3F800000, v1  }
0x26: {  	vm12 =	veq.s32 v9, v5;
	vm14 =	veq.s32 v9, v3;
	v11 =	vsel vm1, $0x3F800000, v1;
	[tilespmem:$0x2A80] =	vst v10  }
0x27: {  	vm13 =	veq.s32 v9, v4;
	vm15 =	veq.s32 v9, v2;
	v9 =	vsel vm14, $0x3F800000, v1;
	[tilespmem:$0x2AE0] =	vst v11  }
0x28: {  	v10 =	vsel vm10, $0x3F800000, v1;
	[tilespmem:$0x2AA0] =	vst v9  }
0x29: {  	v11 =	vsel vm12, $0x3F800000, v1;
	[tilespmem:$0x2AF0] =	vst v10  }
0x2a: {  	v10 =	vsel vm11, $0x3F800000, v1;
	[tilespmem:$0x2AC0] =	vst v11  }
0x2b: {  	[tilespmem:$0x2AD0] =	vst v10;
	v10 =	vsel vm13, $0x3F800000, v1  }
0x2c: {  	s11 =	simm.s32 $0x1;
	[tilespmem:$0x2AB0] =	vst v10;
	v10 =	vsel vm15, $0x3F800000, v1  }
0x2d: {  	s4 =	simm.s32 @!p0 $0x3;
	s31 =	smov.u32 s2;
	s6 =	simm.s32 @!p0 $0x2A80;
	[tilespmem:$0x2A90] =	vst v10  }
0x2e: {  	[spmem:s2] =	stream.linear.scatter @!p0 [tilespmem:s6], [sflag:$0x3], $0x80, $0x38;
	[tilespmem:$0x1D900] =	vst v63  }
.LBB2_4:
0x2f: {  	v9 =	vmov s11;
	_ =	swait.ge @!p0 [sflag:s4], $0x80  }
0x30: {  	vm0 =	veq.s32 v9, v0;
	[sflag:s4] =	ssyncset.done @!p0 $0x0  }
0x31: {  	v10 =	vsel vm0, $0x3F800000, v1;
	vm0 =	veq.s32 v9, v8;
	[sflag:s4] =	ssyncadd.s32 @!p0 $0xFFFFFF80  }
0x32: {  	vm1 =	veq.s32 v9, v7;
	[tilespmem:$0x2A80] =	vst v10;
	v10 =	vsel vm0, $0x3F800000, v1  }
0x33: {  	s11 =	sadd.s32 $0x1, s11;
	v11 =	vsel vm1, $0x3F800000, v1;
	vm0 =	veq.s32 v9, v6;
	[tilespmem:$0x2AF0] =	vst v10  }
0x34: {  	p1 =	sne.s32 s11, $0x80;
	vm1 =	veq.s32 v9, v5;
	v10 =	vsel vm0, $0x3F800000, v1;
	[tilespmem:$0x2AE0] =	vst v11  }
.Ltmp1:
0x35: {  	vm0 =	veq.s32 v9, v4;
	v11 =	vsel vm1, $0x3F800000, v1;
	[tilespmem:$0x2AD0] =	vst v10;
	(pc) =	sbr.rel @p1 .LBB2_4-.Ltmp1, $4  }
0x36: {  	vm1 =	veq.s32 v9, v3;
	v10 =	vsel vm0, $0x3F800000, v1;
	[tilespmem:$0x2AC0] =	vst v11  }
0x37: {  	s31 =	sadd.s32 $0x80, s31;
	vm0 =	veq.s32 v9, v2;
	v9 =	vsel vm1, $0x3F800000, v1;
	[tilespmem:$0x2AB0] =	vst v10  }
0x38: {  	v10 =	vsel vm0, $0x3F800000, v1;
	[tilespmem:$0x2AA0] =	vst v9  }
0x39: {  	[tilespmem:$0x2A90] =	vst v10;
	[spmem:s31] =	stream.linear.scatter @!p0 [tilespmem:s6], [sflag:$0x3], $0x80, $0x38  }
0x3a: {  	_ =	swait.ge @!p0 [sflag:s4], $0x80  }
0x3b: {  	[sflag:s4] =	ssyncset.done @!p0 $0x0  }
0x3c: {  	[sflag:s4] =	ssyncadd.s32 @!p0 $0xFFFFFF80  }
0x3d: {  	[spmem:s10] =	stream.linear.scatter [tilespmem:s19], [sflag:$0x3], $0x4000, $0x38;
	[tilespmem:$0x1D900] =	vst v63  }
0x3e: {  	_ =	swait.ge [sflag:s20], $0x4000  }
0x3f: {  	[sflag:s20] =	ssyncset.done $0x0  }
0x40: {  	s6 =	rddreg [dreg:$0x7];
	[sflag:s20] =	ssyncadd.s32 $0xFFFFC000  }
0x41: {  	[spmem:s6] =	stream.linear.scatter [tilespmem:s19], [sflag:$0x3], $0x4000, $0x38;
	[tilespmem:$0x1D900] =	vst v63  }
0x42: {  	_ =	swait.ge [sflag:s20], $0x4000  }
0x43: {  	[sflag:s20] =	ssyncset.done $0x0  }
0x44: {  	s12 =	rddreg [dreg:$0x8];
	[sflag:s20] =	ssyncadd.s32 $0xFFFFC000  }
0x45: {  	[spmem:s12] =	stream.linear.scatter [tilespmem:s19], [sflag:$0x3], $0x4000, $0x38;
	[tilespmem:$0x1D900] =	vst v63  }
0x46: {  	_ =	swait.ge [sflag:s20], $0x4000  }
0x47: {  	[sflag:s20] =	ssyncset.done $0x0  }
0x48: {  	[sflag:s20] =	ssyncadd.s32 $0xFFFFC000  }
0x49: {  	[spmem:s13] =	stream.linear.scatter [tilespmem:s19], [sflag:$0x3], $0x4000, $0x38;
	[tilespmem:$0x1D900] =	vst v63  }
0x4a: {  	_ =	swait.ge [sflag:s20], $0x4000  }
0x4b: {  	[sflag:s20] =	ssyncset.done $0x0  }
0x4c: {  	[sflag:s20] =	ssyncadd.s32 $0xFFFFC000  }
0x4d: {  	[spmem:s14] =	stream.linear.scatter [tilespmem:s19], [sflag:$0x3], $0x4000, $0x38;
	[tilespmem:$0x1D900] =	vst v63  }
0x4e: {  	_ =	swait.ge [sflag:s20], $0x4000  }
0x4f: {  	[sflag:s20] =	ssyncset.done $0x0  }
0x50: {  	s6 =	simm.s32 @!p0 $0x5280;
	[sflag:s20] =	ssyncadd.s32 $0xFFFFC000  }
0x51: {  	[spmem:s5] =	stream.linear.scatter @!p0 [tilespmem:s6], [sflag:$0x3], $0x2800, $0x38;
	[tilespmem:$0x1D900] =	vst v63  }
0x52: {  	_ =	swait.ge @!p0 [sflag:s4], $0x2800  }
0x53: {  	[sflag:s4] =	ssyncset.done @!p0 $0x0  }
0x54: {  	[sflag:s4] =	ssyncadd.s32 @!p0 $0xFFFFD800  }
0x55: {  	s31 =	simm.s32 $0x0;
	s4 =	simm.s32 $0x0;
	[bflag:$0x0] =	sbarrier.arrive $0xFFFF  }
.LBB2_6:
0x56: {  	s6 =	smul.u32 $0x50, s4;
	_ =	sdelay $0x1  }
0x57: {  	s6 =	sadd.s32 s15, s6  }
0x58: {  	s6 =	sshrl.u32 s6, $0x3  }
0x59: {  	s11 =	sadd.s32 s8, s6  }
0x5a: {  	[tilespmem:s31], [sflag:$0x3] =	stream.linear.gather [hbm4b:s11+s31], $0x50, $0x38;
	[tilespmem:$0x1D900] =	vst v63  }
0x5b: {  	_ =	swait.ge [sflag:s20], $0x50  }
0x5c: {  	[sflag:s20] =	ssyncset.done $0x0  }
0x5d: {  	s12 =	sadd.s32 s1, s6;
	[sflag:s20] =	ssyncadd.s32 $0xFFFFFFB0  }
0x5e: {  	[tilespmem:s21], [sflag:$0x3] =	stream.linear.gather [hbm4b:s12+s31], $0x50, $0x38;
	[tilespmem:$0x1D900] =	vst v63  }
0x5f: {  	_ =	swait.ge [sflag:s20], $0x50  }
0x60: {  	[sflag:s20] =	ssyncset.done $0x0  }
0x61: {  	s6 =	sadd.s32 s9, s6;
	[sflag:s20] =	ssyncadd.s32 $0xFFFFFFB0  }
0x62: {  	[tilespmem:s22], [sflag:$0x3] =	stream.linear.gather [hbm4b:s6+s31], $0x50, $0x38;
	[tilespmem:$0x1D900] =	vst v63  }
0x63: {  	_ =	swait.ge [sflag:s20], $0x50  }
0x64: {  	[sflag:s20] =	ssyncset.done $0x0  }
0x65: {  	[sflag:s20] =	ssyncadd.s32 $0xFFFFFFB0  }
0x66: {  	[tilespmem:s24], [sflag:$0x1] =	stream.indirect.gather [hbm4b:s0+s23], $0x80, s31, s23, $0xb8;
	[tilespmem:$0x1D900] =	vst v63  }
0x67: {  	_ =	swait.ge [sflag:s25], $0x2800  }
0x68: {  	[sflag:s25] =	ssyncset.done $0x0  }
0x69: {  	s6 =	simm.s32 $0x0;
	[sflag:s25] =	ssyncadd.s32 $0xFFFFD800  }
.LBB2_7:
0x6a: {  	s11 =	sshll.u32 s6, $0x4  }
0x6b: {  	v10 =	vld [tilespmem:s11+$0x80];
	_ =	sdelay $0x4  }
0x6c: {  	v11 =	vshrl.u32 v10, $0x7  }
0x6d: {  	s12 =	sshll.u32 s6, $0xB;
	v9 =	vld [tilespmem:s11+$0x200];
	v10 =	vand.u32 $0x7F, v10;
	[tilespmem:s11+$0x100] =	vst v11  }
0x6e: {  	s12 =	sand.u32 $0x3FFFF800, s12;
	[tilespmem:s11+$0x180] =	vst v10  }
0x6f: {  	v10 =	vld [tilespmem:s12+$0x280]  }
0x70: {  	v11 =	vld [tilespmem:s12+$0x290]  }
0x71: {  	v12 =	vld [tilespmem:s12+$0x2A0]  }
0x72: {  	v13 =	vbroadcast v9, $0x0;
	v14 =	vld [tilespmem:s12+$0x2B0]  }
0x73: {  	v15 =	vld [tilespmem:s12+$0x2C0]  }
0x74: {  	v16 =	vld [tilespmem:s12+$0x2D0];
	v10 =	vmul.f32 v10, v13  }
0x75: {  	v17 =	vld [tilespmem:s12+$0x2E0];
	v11 =	vmul.f32 v11, v13  }
0x76: {  	v59 =	vld [tilespmem:s12+$0x2F0];
	[tilespmem:s12+$0x280] =	vst v10;
	v10 =	vmul.f32 v12, v13  }
0x77: {  	v60 =	vld [tilespmem:s12+$0x300];
	[tilespmem:s12+$0x290] =	vst v11;
	v11 =	vmul.f32 v14, v13  }
0x78: {  	v61 =	vld [tilespmem:s12+$0x310];
	[tilespmem:s12+$0x2A0] =	vst v10;
	v10 =	vmul.f32 v15, v13  }
0x79: {  	v62 =	vld [tilespmem:s12+$0x320];
	[tilespmem:s12+$0x2B0] =	vst v11;
	v11 =	vmul.f32 v16, v13  }
0x7a: {  	v63 =	vbroadcast v9, $0x1;
	v18 =	vld [tilespmem:s12+$0x330];
	[tilespmem:s12+$0x2C0] =	vst v10;
	v10 =	vmul.f32 v17, v13  }
0x7b: {  	v21 =	vld [tilespmem:s12+$0x340];
	[tilespmem:s12+$0x2D0] =	vst v11;
	v11 =	vmul.f32 v59, v13  }
0x7c: {  	v22 =	vld [tilespmem:s12+$0x350];
	[tilespmem:s12+$0x2E0] =	vst v10;
	v10 =	vmul.f32 v60, v63  }
0x7d: {  	v23 =	vld [tilespmem:s12+$0x360];
	[tilespmem:s12+$0x2F0] =	vst v11;
	v11 =	vmul.f32 v61, v63  }
0x7e: {  	v24 =	vld [tilespmem:s12+$0x370];
	[tilespmem:s12+$0x300] =	vst v10;
	v10 =	vmul.f32 v62, v63  }
0x7f: {  	v25 =	vld [tilespmem:s12+$0x380];
	[tilespmem:s12+$0x310] =	vst v11;
	v11 =	vmul.f32 v18, v63  }
0x80: {  	v26 =	vld [tilespmem:s12+$0x390];
	[tilespmem:s12+$0x320] =	vst v10;
	v10 =	vmul.f32 v21, v63  }
0x81: {  	v27 =	vld [tilespmem:s12+$0x3A0];
	[tilespmem:s12+$0x330] =	vst v11;
	v11 =	vmul.f32 v22, v63  }
0x82: {  	v28 =	vbroadcast v9, $0x2;
	v29 =	vld [tilespmem:s12+$0x3B0];
	[tilespmem:s12+$0x340] =	vst v10;
	v10 =	vmul.f32 v23, v63  }
0x83: {  	v30 =	vld [tilespmem:s12+$0x3C0];
	[tilespmem:s12+$0x350] =	vst v11;
	v11 =	vmul.f32 v24, v63  }
0x84: {  	v31 =	vld [tilespmem:s12+$0x3D0];
	[tilespmem:s12+$0x360] =	vst v10;
	v10 =	vmul.f32 v25, v28  }
0x85: {  	v32 =	vld [tilespmem:s12+$0x3E0];
	[tilespmem:s12+$0x370] =	vst v11;
	v11 =	vmul.f32 v26, v28  }
0x86: {  	v33 =	vld [tilespmem:s12+$0x3F0];
	[tilespmem:s12+$0x380] =	vst v10;
	v10 =	vmul.f32 v27, v28  }
0x87: {  	v34 =	vld [tilespmem:s12+$0x400];
	[tilespmem:s12+$0x390] =	vst v11;
	v11 =	vmul.f32 v29, v28  }
0x88: {  	v35 =	vld [tilespmem:s12+$0x410];
	[tilespmem:s12+$0x3A0] =	vst v10;
	v10 =	vmul.f32 v30, v28  }
0x89: {  	v36 =	vld [tilespmem:s12+$0x420];
	[tilespmem:s12+$0x3B0] =	vst v11;
	v11 =	vmul.f32 v31, v28  }
0x8a: {  	v37 =	vbroadcast v9, $0x3;
	v38 =	vld [tilespmem:s12+$0x430];
	[tilespmem:s12+$0x3C0] =	vst v10;
	v10 =	vmul.f32 v32, v28  }
0x8b: {  	v39 =	vld [tilespmem:s12+$0x440];
	[tilespmem:s12+$0x3D0] =	vst v11;
	v11 =	vmul.f32 v33, v28  }
0x8c: {  	v40 =	vld [tilespmem:s12+$0x450];
	[tilespmem:s12+$0x3E0] =	vst v10;
	v10 =	vmul.f32 v34, v37  }
0x8d: {  	v41 =	vld [tilespmem:s12+$0x460];
	[tilespmem:s12+$0x3F0] =	vst v11;
	v11 =	vmul.f32 v35, v37  }
0x8e: {  	v42 =	vld [tilespmem:s12+$0x470];
	[tilespmem:s12+$0x400] =	vst v10;
	v10 =	vmul.f32 v36, v37  }
0x8f: {  	v43 =	vld [tilespmem:s12+$0x480];
	[tilespmem:s12+$0x410] =	vst v11;
	v11 =	vmul.f32 v38, v37  }
0x90: {  	v44 =	vld [tilespmem:s12+$0x490];
	[tilespmem:s12+$0x420] =	vst v10;
	v10 =	vmul.f32 v39, v37  }
0x91: {  	v45 =	vld [tilespmem:s12+$0x4A0];
	[tilespmem:s12+$0x430] =	vst v11;
	v11 =	vmul.f32 v40, v37  }
0x92: {  	v46 =	vbroadcast v9, $0x4;
	v47 =	vld [tilespmem:s12+$0x4B0];
	[tilespmem:s12+$0x440] =	vst v10;
	v10 =	vmul.f32 v41, v37  }
0x93: {  	v48 =	vld [tilespmem:s12+$0x4C0];
	[tilespmem:s12+$0x450] =	vst v11;
	v11 =	vmul.f32 v42, v37  }
0x94: {  	v49 =	vld [tilespmem:s12+$0x4D0];
	[tilespmem:s12+$0x460] =	vst v10;
	v10 =	vmul.f32 v43, v46  }
0x95: {  	v50 =	vld [tilespmem:s12+$0x4E0];
	[tilespmem:s12+$0x470] =	vst v11;
	v11 =	vmul.f32 v44, v46  }
0x96: {  	v51 =	vld [tilespmem:s12+$0x4F0];
	[tilespmem:s12+$0x480] =	vst v10;
	v10 =	vmul.f32 v45, v46  }
0x97: {  	v52 =	vld [tilespmem:s12+$0x500];
	[tilespmem:s12+$0x490] =	vst v11;
	v11 =	vmul.f32 v47, v46  }
0x98: {  	v53 =	vld [tilespmem:s12+$0x510];
	[tilespmem:s12+$0x4A0] =	vst v10;
	v10 =	vmul.f32 v48, v46  }
0x99: {  	v54 =	vld [tilespmem:s12+$0x520];
	[tilespmem:s12+$0x4B0] =	vst v11;
	v11 =	vmul.f32 v49, v46  }
0x9a: {  	v55 =	vbroadcast v9, $0x5;
	v56 =	vld [tilespmem:s12+$0x530];
	[tilespmem:s12+$0x4C0] =	vst v10;
	v10 =	vmul.f32 v50, v46  }
0x9b: {  	v57 =	vld [tilespmem:s12+$0x540];
	[tilespmem:s12+$0x4D0] =	vst v11;
	v11 =	vmul.f32 v51, v46  }
0x9c: {  	v58 =	vld [tilespmem:s12+$0x550];
	[tilespmem:s12+$0x4E0] =	vst v10;
	v10 =	vmul.f32 v52, v55  }
0x9d: {  	v59 =	vld [tilespmem:s12+$0x560];
	[tilespmem:s12+$0x4F0] =	vst v11;
	v11 =	vmul.f32 v53, v55  }
0x9e: {  	v60 =	vld [tilespmem:s12+$0x570];
	[tilespmem:s12+$0x500] =	vst v10;
	v10 =	vmul.f32 v54, v55  }
0x9f: {  	v61 =	vld [tilespmem:s12+$0x580];
	[tilespmem:s12+$0x510] =	vst v11;
	v11 =	vmul.f32 v56, v55  }
0xa0: {  	v62 =	vld [tilespmem:s12+$0x590];
	[tilespmem:s12+$0x520] =	vst v10;
	v10 =	vmul.f32 v57, v55  }
0xa1: {  	v63 =	vld [tilespmem:s12+$0x5A0];
	[tilespmem:s12+$0x530] =	vst v11;
	v11 =	vmul.f32 v58, v55  }
0xa2: {  	v21 =	vbroadcast v9, $0x6;
	v22 =	vld [tilespmem:s12+$0x5B0];
	[tilespmem:s12+$0x540] =	vst v10;
	v10 =	vmul.f32 v59, v55  }
0xa3: {  	v23 =	vld [tilespmem:s12+$0x5C0];
	[tilespmem:s12+$0x550] =	vst v11;
	v11 =	vmul.f32 v60, v55  }
0xa4: {  	v24 =	vld [tilespmem:s12+$0x5D0];
	[tilespmem:s12+$0x560] =	vst v10;
	v10 =	vmul.f32 v61, v21  }
0xa5: {  	v25 =	vld [tilespmem:s12+$0x5E0];
	[tilespmem:s12+$0x570] =	vst v11;
	v11 =	vmul.f32 v62, v21  }
0xa6: {  	v26 =	vld [tilespmem:s12+$0x5F0];
	[tilespmem:s12+$0x580] =	vst v10;
	v10 =	vmul.f32 v63, v21  }
0xa7: {  	v27 =	vld [tilespmem:s12+$0x600];
	[tilespmem:s12+$0x590] =	vst v11;
	v11 =	vmul.f32 v22, v21  }
0xa8: {  	v28 =	vld [tilespmem:s12+$0x610];
	[tilespmem:s12+$0x5A0] =	vst v10;
	v10 =	vmul.f32 v23, v21  }
0xa9: {  	v29 =	vld [tilespmem:s12+$0x620];
	[tilespmem:s12+$0x5B0] =	vst v11;
	v11 =	vmul.f32 v24, v21  }
0xaa: {  	v30 =	vbroadcast v9, $0x7;
	v31 =	vld [tilespmem:s12+$0x630];
	[tilespmem:s12+$0x5C0] =	vst v10;
	v10 =	vmul.f32 v25, v21  }
0xab: {  	v32 =	vld [tilespmem:s12+$0x640];
	[tilespmem:s12+$0x5D0] =	vst v11;
	v11 =	vmul.f32 v26, v21  }
0xac: {  	v33 =	vld [tilespmem:s12+$0x650];
	[tilespmem:s12+$0x5E0] =	vst v10;
	v10 =	vmul.f32 v27, v30  }
0xad: {  	v34 =	vld [tilespmem:s12+$0x660];
	[tilespmem:s12+$0x5F0] =	vst v11;
	v11 =	vmul.f32 v28, v30  }
0xae: {  	v35 =	vld [tilespmem:s12+$0x670];
	[tilespmem:s12+$0x600] =	vst v10;
	v10 =	vmul.f32 v29, v30  }
0xaf: {  	v36 =	vld [tilespmem:s12+$0x680];
	[tilespmem:s12+$0x610] =	vst v11;
	v11 =	vmul.f32 v31, v30  }
0xb0: {  	v37 =	vld [tilespmem:s12+$0x690];
	[tilespmem:s12+$0x620] =	vst v10;
	v10 =	vmul.f32 v32, v30  }
0xb1: {  	v38 =	vld [tilespmem:s12+$0x6A0];
	[tilespmem:s12+$0x630] =	vst v11;
	v11 =	vmul.f32 v33, v30  }
0xb2: {  	v39 =	vbroadcast v9, $0x8;
	v40 =	vld [tilespmem:s12+$0x6B0];
	[tilespmem:s12+$0x640] =	vst v10;
	v10 =	vmul.f32 v34, v30  }
0xb3: {  	v41 =	vld [tilespmem:s12+$0x6C0];
	[tilespmem:s12+$0x650] =	vst v11;
	v11 =	vmul.f32 v35, v30  }
0xb4: {  	v42 =	vld [tilespmem:s12+$0x6D0];
	[tilespmem:s12+$0x660] =	vst v10;
	v10 =	vmul.f32 v36, v39  }
0xb5: {  	v43 =	vld [tilespmem:s12+$0x6E0];
	[tilespmem:s12+$0x670] =	vst v11;
	v11 =	vmul.f32 v37, v39  }
0xb6: {  	v44 =	vld [tilespmem:s12+$0x6F0];
	[tilespmem:s12+$0x680] =	vst v10;
	v10 =	vmul.f32 v38, v39  }
0xb7: {  	v45 =	vld [tilespmem:s12+$0x700];
	[tilespmem:s12+$0x690] =	vst v11;
	v11 =	vmul.f32 v40, v39  }
0xb8: {  	v46 =	vld [tilespmem:s12+$0x710];
	[tilespmem:s12+$0x6A0] =	vst v10;
	v10 =	vmul.f32 v41, v39  }
0xb9: {  	v47 =	vld [tilespmem:s12+$0x720];
	[tilespmem:s12+$0x6B0] =	vst v11;
	v11 =	vmul.f32 v42, v39  }
0xba: {  	v48 =	vbroadcast v9, $0x9;
	v49 =	vld [tilespmem:s12+$0x730];
	[tilespmem:s12+$0x6C0] =	vst v10;
	v10 =	vmul.f32 v43, v39  }
0xbb: {  	v50 =	vld [tilespmem:s12+$0x740];
	[tilespmem:s12+$0x6D0] =	vst v11;
	v11 =	vmul.f32 v44, v39  }
0xbc: {  	v51 =	vld [tilespmem:s12+$0x750];
	[tilespmem:s12+$0x6E0] =	vst v10;
	v10 =	vmul.f32 v45, v48  }
0xbd: {  	v52 =	vld [tilespmem:s12+$0x760];
	[tilespmem:s12+$0x6F0] =	vst v11;
	v11 =	vmul.f32 v46, v48  }
0xbe: {  	v53 =	vld [tilespmem:s12+$0x770];
	[tilespmem:s12+$0x700] =	vst v10;
	v10 =	vmul.f32 v47, v48  }
0xbf: {  	v54 =	vld [tilespmem:s12+$0x780];
	[tilespmem:s12+$0x710] =	vst v11;
	v11 =	vmul.f32 v49, v48  }
0xc0: {  	v55 =	vld [tilespmem:s12+$0x790];
	[tilespmem:s12+$0x720] =	vst v10;
	v10 =	vmul.f32 v50, v48  }
0xc1: {  	v56 =	vld [tilespmem:s12+$0x7A0];
	[tilespmem:s12+$0x730] =	vst v11;
	v11 =	vmul.f32 v51, v48  }
0xc2: {  	v57 =	vbroadcast v9, $0xA;
	v58 =	vld [tilespmem:s12+$0x7B0];
	[tilespmem:s12+$0x740] =	vst v10;
	v10 =	vmul.f32 v52, v48  }
0xc3: {  	v59 =	vld [tilespmem:s12+$0x7C0];
	[tilespmem:s12+$0x750] =	vst v11;
	v11 =	vmul.f32 v53, v48  }
0xc4: {  	v60 =	vld [tilespmem:s12+$0x7D0];
	[tilespmem:s12+$0x760] =	vst v10;
	v10 =	vmul.f32 v54, v57  }
0xc5: {  	v61 =	vld [tilespmem:s12+$0x7E0];
	[tilespmem:s12+$0x770] =	vst v11;
	v11 =	vmul.f32 v55, v57  }
0xc6: {  	v62 =	vld [tilespmem:s12+$0x7F0];
	[tilespmem:s12+$0x780] =	vst v10;
	v10 =	vmul.f32 v56, v57  }
0xc7: {  	v63 =	vld [tilespmem:s12+$0x800];
	[tilespmem:s12+$0x790] =	vst v11;
	v11 =	vmul.f32 v58, v57  }
0xc8: {  	v21 =	vld [tilespmem:s12+$0x810];
	[tilespmem:s12+$0x7A0] =	vst v10;
	v10 =	vmul.f32 v59, v57  }
0xc9: {  	v22 =	vld [tilespmem:s12+$0x820];
	[tilespmem:s12+$0x7B0] =	vst v11;
	v11 =	vmul.f32 v60, v57  }
0xca: {  	v23 =	vbroadcast v9, $0xB;
	v24 =	vld [tilespmem:s12+$0x830];
	[tilespmem:s12+$0x7C0] =	vst v10;
	v10 =	vmul.f32 v61, v57  }
0xcb: {  	v25 =	vld [tilespmem:s12+$0x840];
	[tilespmem:s12+$0x7D0] =	vst v11;
	v11 =	vmul.f32 v62, v57  }
0xcc: {  	v26 =	vld [tilespmem:s12+$0x850];
	[tilespmem:s12+$0x7E0] =	vst v10;
	v10 =	vmul.f32 v63, v23  }
0xcd: {  	v27 =	vld [tilespmem:s12+$0x860];
	[tilespmem:s12+$0x7F0] =	vst v11;
	v11 =	vmul.f32 v21, v23  }
0xce: {  	v28 =	vld [tilespmem:s12+$0x870];
	[tilespmem:s12+$0x800] =	vst v10;
	v10 =	vmul.f32 v22, v23  }
0xcf: {  	v29 =	vld [tilespmem:s12+$0x880];
	[tilespmem:s12+$0x810] =	vst v11;
	v11 =	vmul.f32 v24, v23  }
0xd0: {  	v30 =	vld [tilespmem:s12+$0x890];
	[tilespmem:s12+$0x820] =	vst v10;
	v10 =	vmul.f32 v25, v23  }
0xd1: {  	v31 =	vld [tilespmem:s12+$0x8A0];
	[tilespmem:s12+$0x830] =	vst v11;
	v11 =	vmul.f32 v26, v23  }
0xd2: {  	v32 =	vbroadcast v9, $0xC;
	v33 =	vld [tilespmem:s12+$0x8B0];
	[tilespmem:s12+$0x840] =	vst v10;
	v10 =	vmul.f32 v27, v23  }
0xd3: {  	v34 =	vld [tilespmem:s12+$0x8C0];
	[tilespmem:s12+$0x850] =	vst v11;
	v11 =	vmul.f32 v28, v23  }
0xd4: {  	v35 =	vld [tilespmem:s12+$0x8D0];
	[tilespmem:s12+$0x860] =	vst v10;
	v10 =	vmul.f32 v29, v32  }
0xd5: {  	v36 =	vld [tilespmem:s12+$0x8E0];
	[tilespmem:s12+$0x870] =	vst v11;
	v11 =	vmul.f32 v30, v32  }
0xd6: {  	v37 =	vld [tilespmem:s12+$0x8F0];
	[tilespmem:s12+$0x880] =	vst v10;
	v10 =	vmul.f32 v31, v32  }
0xd7: {  	v38 =	vld [tilespmem:s12+$0x900];
	[tilespmem:s12+$0x890] =	vst v11;
	v11 =	vmul.f32 v33, v32  }
0xd8: {  	v39 =	vld [tilespmem:s12+$0x910];
	[tilespmem:s12+$0x8A0] =	vst v10;
	v10 =	vmul.f32 v34, v32  }
0xd9: {  	v40 =	vld [tilespmem:s12+$0x920];
	[tilespmem:s12+$0x8B0] =	vst v11;
	v11 =	vmul.f32 v35, v32  }
0xda: {  	v41 =	vbroadcast v9, $0xD;
	v42 =	vld [tilespmem:s12+$0x930];
	[tilespmem:s12+$0x8C0] =	vst v10;
	v10 =	vmul.f32 v36, v32  }
0xdb: {  	v43 =	vld [tilespmem:s12+$0x940];
	[tilespmem:s12+$0x8D0] =	vst v11;
	v11 =	vmul.f32 v37, v32  }
0xdc: {  	v44 =	vld [tilespmem:s12+$0x950];
	[tilespmem:s12+$0x8E0] =	vst v10;
	v10 =	vmul.f32 v38, v41  }
0xdd: {  	v45 =	vld [tilespmem:s12+$0x960];
	[tilespmem:s12+$0x8F0] =	vst v11;
	v11 =	vmul.f32 v39, v41  }
0xde: {  	v46 =	vld [tilespmem:s12+$0x970];
	[tilespmem:s12+$0x900] =	vst v10;
	v10 =	vmul.f32 v40, v41  }
0xdf: {  	v47 =	vld [tilespmem:s12+$0x980];
	[tilespmem:s12+$0x910] =	vst v11;
	v11 =	vmul.f32 v42, v41  }
0xe0: {  	v48 =	vld [tilespmem:s12+$0x990];
	[tilespmem:s12+$0x920] =	vst v10;
	v10 =	vmul.f32 v43, v41  }
0xe1: {  	v49 =	vld [tilespmem:s12+$0x9A0];
	[tilespmem:s12+$0x930] =	vst v11;
	v11 =	vmul.f32 v44, v41  }
0xe2: {  	v50 =	vbroadcast v9, $0xE;
	v51 =	vld [tilespmem:s12+$0x9B0];
	[tilespmem:s12+$0x940] =	vst v10;
	v10 =	vmul.f32 v45, v41  }
0xe3: {  	v52 =	vld [tilespmem:s12+$0x9C0];
	[tilespmem:s12+$0x950] =	vst v11;
	v11 =	vmul.f32 v46, v41  }
0xe4: {  	v53 =	vld [tilespmem:s12+$0x9D0];
	[tilespmem:s12+$0x960] =	vst v10;
	v10 =	vmul.f32 v47, v50  }
0xe5: {  	v54 =	vld [tilespmem:s12+$0x9E0];
	[tilespmem:s12+$0x970] =	vst v11;
	v11 =	vmul.f32 v48, v50  }
0xe6: {  	v55 =	vld [tilespmem:s12+$0x9F0];
	[tilespmem:s12+$0x980] =	vst v10;
	v10 =	vmul.f32 v49, v50  }
0xe7: {  	v56 =	vld [tilespmem:s12+$0xA00];
	[tilespmem:s12+$0x990] =	vst v11;
	v11 =	vmul.f32 v51, v50  }
0xe8: {  	v57 =	vld [tilespmem:s12+$0xA10];
	[tilespmem:s12+$0x9A0] =	vst v10;
	v10 =	vmul.f32 v52, v50  }
0xe9: {  	v58 =	vld [tilespmem:s12+$0xA20];
	[tilespmem:s12+$0x9B0] =	vst v11;
	v11 =	vmul.f32 v53, v50  }
0xea: {  	v9 =	vbroadcast v9, $0xF;
	v59 =	vld [tilespmem:s12+$0xA30];
	[tilespmem:s12+$0x9C0] =	vst v10;
	v10 =	vmul.f32 v54, v50  }
0xeb: {  	v60 =	vld [tilespmem:s12+$0xA40];
	[tilespmem:s12+$0x9D0] =	vst v11;
	v11 =	vmul.f32 v55, v50  }
0xec: {  	v61 =	vld [tilespmem:s12+$0xA50];
	[tilespmem:s12+$0x9E0] =	vst v10;
	v10 =	vmul.f32 v56, v9  }
0xed: {  	v62 =	vld [tilespmem:s12+$0xA60];
	[tilespmem:s12+$0x9F0] =	vst v11;
	v11 =	vmul.f32 v57, v9  }
0xee: {  	v63 =	vld [tilespmem:s12+$0xA70];
	[tilespmem:s12+$0xA00] =	vst v10;
	v10 =	vmul.f32 v58, v9  }
0xef: {  	[tilespmem:s12+$0xA10] =	vst v11;
	v11 =	vmul.f32 v59, v9  }
0xf0: {  	p1 =	sne.s32 s6, $0x4;
	[tilespmem:s12+$0xA20] =	vst v10;
	v10 =	vmul.f32 v60, v9  }
.Ltmp2:
0xf1: {  	[tilespmem:s12+$0xA30] =	vst v11;
	v11 =	vmul.f32 v61, v9;
	(pc) =	sbr.rel @p1 .LBB2_7-.Ltmp2, $4  }
0xf2: {  	[tilespmem:s12+$0xA40] =	vst v10;
	v10 =	vmul.f32 v62, v9  }
0xf3: {  	[tilespmem:s12+$0xA50] =	vst v11;
	v9 =	vmul.f32 v63, v9  }
0xf4: {  	[tilespmem:s12+$0xA60] =	vst v10  }
0xf5: {  	s6 =	sadd.s32 $0x1, s6;
	[tilespmem:s12+$0xA70] =	vst v9  }
0xf6: {  	[tilespmem:s28], [sflag:$0x2] =	stream.indirect.gather [spmem:s2], $0x80, s26, s23, $0xb8;
	[tilespmem:$0x1D900] =	vst v63  }
0xf7: {  	_ =	swait.ge [sflag:s29], $0x2800  }
0xf8: {  	[sflag:s29] =	ssyncset.done $0x0  }
0xf9: {  	[sflag:s29] =	ssyncadd.s32 $0xFFFFD800  }
0xfa: {  	[spmem:s3] =	stream.indirect.scatter.add.f32 [tilespmem:s24], [sflag:$0x3], $0x80, s21, s23, $0xb8;
	[tilespmem:$0x1D900] =	vst v63  }
0xfb: {  	s4 =	sadd.s32 $0x1, s4;
	_ =	swait.ge [sflag:s20], $0x2800  }
0xfc: {  	p1 =	sne.s32 s4, $0x7D;
	[sflag:s20] =	ssyncset.done $0x0  }
.Ltmp3:
0xfd: {  	[sflag:s20] =	ssyncadd.s32 $0xFFFFD800;
	(pc) =	sbr.rel @p1 .LBB2_6-.Ltmp3, $4  }
0xfe: {  	[spmem:s5] =	stream.indirect.scatter.add.f32 [tilespmem:s28], [sflag:$0x3], $0x80, s30, s23, $0xb8;
	[tilespmem:$0x1D900] =	vst v63  }
0xff: {  	_ =	swait.ge [sflag:s20], $0x2800  }
0x100: {  	[sflag:s20] =	ssyncset.done $0x0  }
0x101: {  	[sflag:s20] =	ssyncadd.s32 $0xFFFFD800  }
0x102: {  	s4 =	stileid.u32  }
0x103: {  	s4 =	sshll.u32 s4, $0x6  }
0x104: {  	[bflag:$0x0] =	sbarrier.arrive $0xFFFF;
	s6 =	sshrl.u32 s10, $0x3;
	s4 =	sor.u32 $0x1C03, s4  }
0x105: {  	[hbm:s16], [sflag:s4] =	dma.local [spmem:s6], $0x2800  }
0x106: {  	_ =	swait.ge [sflag:s20], $0x2800  }
0x107: {  	s7 =	sadd.s32 $0x1, s7;
	[sflag:s20] =	ssyncset.done $0x0  }
0x108: {  	p1 =	sne.s32 s7, s18;
	s6 =	sshrl.u32 @!p0 s5, $0x3;
	[sflag:s20] =	ssyncadd.s32 $0xFFFFD800  }
0x109: {  	[hbm:s17], [sflag:s4] =	dma.local @!p0 [spmem:s6], $0x500  }
.Ltmp4:
0x10a: {  	_ = 	snop;
	(pc) =	sbr.rel @p1 .LBB2_1-.Ltmp4, $4  }
0x10b: {  	s4 =	simm.s32 @!p0 $0x3  }
0x10c: {  	_ =	swait.ge @!p0 [sflag:s4], $0x500  }
0x10d: {  	[sflag:s4] =	ssyncset.done @!p0 $0x0  }
0x10e: {  	[sflag:s4] =	ssyncadd.s32 @!p0 $0xFFFFFB00  }
0x10f: {  	_ =	sfence.sel $0x180000  }
0x110: {  	[bflag:$0x0] =	sbarrier.arrive $0xFFFF  }
0x111: {  	_ =	strace $0x90000047  }
0x112: {  	[bflag:$0x2] =	sbarrier.arrive $0xFFFF  }
0x113: {  	s0 =	rddreg [dreg:$0x6]  }
0x114: {  	s0 =	sadd.s32 @!p0 $0x100000, s0  }
0x115: {  	[sflag:s0] =	ssyncadd.tile.s32 @!p0 $0x1;
	_ =	shalt  }
.Lfunc_end2:
_tile_overlayer_lowered:
.L_overlay_start_2:
0x116: {  	(tag) =	ssettag $0x2  }
0x117: {  	s0 =	rddreg [dreg:$0x0];
	s2 =	stileid.u32  }
0x118: {  	s1 =	rddreg [dreg:$0x1];
	p0 =	sne.s32 s2, $0x0  }
0x119: {  	s3 =	rddreg [dreg:$0x2];
	[bflag:$0x3] =	sbarrier.arrive $0xFFFF;
	s2 =	simm.s32 @!p0 $0x1C03  }
0x11a: {  	[timem:s3], [sflag:s2] =	dma.local @!p0 [hbm:s0], s1  }
0x11b: {  	s0 =	simm.s32 @!p0 $0x3  }
0x11c: {  	_ =	swait.ge @!p0 [sflag:s0], s1  }
0x11d: {  	s1 =	ssub.s32 @!p0 $0x0, s1;
	[sflag:s0] =	ssyncset.done @!p0 $0x0  }
0x11e: {  	[sflag:s0] =	ssyncadd.s32 @!p0 s1  }
0x11f: {  	[bflag:$0x3] =	sbarrier.arrive $0xFFFF  }
0x120: {  	_ =	shalt  }

</sc_bundles>
